<compile_context>
chip_gen: v7x
topology: tpu7x:2x2x1
jax: 0.10.2.dev20260603
libtpu: 0.0.44.dev20260713+nightly
codegen_flags: <defaults>
</compile_context>

<pallas_src>
import functools

import jax
import jax.numpy as jnp
from jax import lax
from jax.experimental import pallas as pl
from jax.experimental.pallas import tpu as pltpu
from jax.experimental.pallas import tpu_sc as plsc

N = 10000
E = 320000
D = 128
T = 10
G = 64

NC = 2
NS = 16
NW = NC * NS
EPW = E // NW
C = 96
NCHUNK = EPW // C
TAIL_E = EPW - NCHUNK * C
NBUF = 3
RPT = 624
TAIL = N - NS * RPT


def _seg_body(src_hbm, dst_hbm, zeros_hbm, h_hbm, out_hbm,
              src_all, dst_b, rows_b, tdst, trows, acc_sh,
              gsems, isems, tsems, zsem):
    cid = lax.axis_index("c")
    sid = lax.axis_index("s")
    wid = sid * NC + cid

    pltpu.async_copy(zeros_hbm.at[pl.ds(sid * RPT, RPT)],
                     acc_sh.at[pl.ds(sid * RPT, RPT)], zsem)

    @pl.when(sid == 0)
    def _():
        pltpu.async_copy(zeros_hbm.at[pl.ds(NS * RPT, TAIL)],
                         acc_sh.at[pl.ds(NS * RPT, TAIL)], zsem)

    base = wid * EPW
    pltpu.sync_copy(src_hbm.at[pl.ds(base, EPW)], src_all)

    pltpu.async_copy(dst_hbm.at[pl.ds(base + NCHUNK * C, TAIL_E)], tdst,
                     tsems.at[0])
    pltpu.async_copy(h_hbm.at[src_all.at[pl.ds(NCHUNK * C, TAIL_E)]], trows,
                     tsems.at[1])

    def issue(c, b):
        pltpu.async_copy(dst_hbm.at[pl.ds(base + c * C, C)], dst_b.at[b],
                         isems.at[b])
        pltpu.async_copy(h_hbm.at[src_all.at[pl.ds(c * C, C)]], rows_b.at[b],
                         gsems.at[b])

    def finish(c, b):
        pltpu.make_async_copy(dst_hbm.at[pl.ds(base + c * C, C)], dst_b.at[b],
                              isems.at[b]).wait()
        pltpu.make_async_copy(h_hbm.at[src_all.at[pl.ds(c * C, C)]],
                              rows_b.at[b], gsems.at[b]).wait()
        pltpu.sync_copy(rows_b.at[b], acc_sh.at[dst_b.at[b]], add=True)

    for c in range(NBUF - 1):
        issue(c, c % NBUF)

    pltpu.make_async_copy(zeros_hbm.at[pl.ds(sid * RPT, RPT)],
                          acc_sh.at[pl.ds(sid * RPT, RPT)], zsem).wait()

    @pl.when(sid == 0)
    def _():
        pltpu.make_async_copy(zeros_hbm.at[pl.ds(NS * RPT, TAIL)],
                              acc_sh.at[pl.ds(NS * RPT, TAIL)], zsem).wait()

    plsc.subcore_barrier()

    NGRP = (NCHUNK - (NBUF - 1)) // NBUF

    def body(j, _):
        c0 = NBUF * j
        for b in range(NBUF):
            issue(c0 + b + NBUF - 1, (b + NBUF - 1) % NBUF)
            finish(c0 + b, b)
        return 0

    lax.fori_loop(0, NGRP, body, 0)
    for c in range(NBUF * NGRP, NCHUNK):
        if c + NBUF - 1 < NCHUNK:
            issue(c + NBUF - 1, (c + NBUF - 1) % NBUF)
        finish(c, c % NBUF)

    pltpu.make_async_copy(dst_hbm.at[pl.ds(base + NCHUNK * C, TAIL_E)], tdst,
                          tsems.at[0]).wait()
    pltpu.make_async_copy(h_hbm.at[src_all.at[pl.ds(NCHUNK * C, TAIL_E)]],
                          trows, tsems.at[1]).wait()
    pltpu.sync_copy(trows, acc_sh.at[tdst], add=True)

    plsc.subcore_barrier()
    pltpu.sync_copy(acc_sh.at[pl.ds(sid * RPT, RPT)],
                    out_hbm.at[cid, pl.ds(sid * RPT, RPT)])

    @pl.when(sid == 0)
    def _():
        pltpu.sync_copy(acc_sh.at[pl.ds(NS * RPT, TAIL)],
                        out_hbm.at[cid, pl.ds(NS * RPT, TAIL)])


@functools.cache
def _seg_partials():
    return pl.kernel(
        _seg_body,
        out_type=jax.ShapeDtypeStruct((NC, N, D), jnp.float32),
        mesh=plsc.VectorSubcoreMesh(core_axis_name="c", subcore_axis_name="s",
                                    num_cores=NC, num_subcores=NS),
        scratch_types=[
            pltpu.VMEM((EPW,), jnp.int32),
            pltpu.VMEM((NBUF, C), jnp.int32),
            pltpu.VMEM((NBUF, C, D), jnp.float32),
            pltpu.VMEM((TAIL_E,), jnp.int32),
            pltpu.VMEM((TAIL_E, D), jnp.float32),
            pltpu.VMEM_SHARED((N, D), jnp.float32),
            pltpu.SemaphoreType.DMA((NBUF,)),
            pltpu.SemaphoreType.DMA((NBUF,)),
            pltpu.SemaphoreType.DMA((2,)),
            pltpu.SemaphoreType.DMA,
        ],
    )


def _bn_elu(y, g, be):
    mean = jnp.mean(y, axis=0, keepdims=True)
    yc = y - mean
    var = jnp.mean(yc * yc, axis=0, keepdims=True)
    yn = yc * lax.rsqrt(var + 1e-5) * g + be
    return jnp.where(yn > 0, yn, jnp.exp(yn) - 1.0)


def _conv_body(x_ref, p_ref, W_ref, b_ref, g_ref, be_ref, o_ref):
    hh = x_ref[...] + p_ref[0] + p_ref[1]
    y = jnp.dot(hh, W_ref[...], preferred_element_type=jnp.float32) + b_ref[...]
    o_ref[...] = _bn_elu(y, g_ref[...], be_ref[...])


def _lin_z(h, W, b, g, be):
    y = jnp.dot(h, W, preferred_element_type=jnp.float32) + b
    return _bn_elu(y, g, be)


def _pool_max(z, mask):
    cols = []
    for t in range(T):
        v = jnp.where(mask, z[:, t:t + 1], -jnp.inf)
        cols.append(jnp.max(v, axis=0).reshape(G, 1))
    return jnp.concatenate(cols, axis=1)


def _head_body(h_ref, W_ref, b_ref, g_ref, be_ref, zs_ref, ps_ref, batch_ref,
               z_ref, pool_ref):
    z = _lin_z(h_ref[...], W_ref[...], b_ref[...], g_ref[...], be_ref[...])
    gids = lax.broadcasted_iota(jnp.int32, (1, G), 1)
    mask = batch_ref[...] == gids
    z_ref[...] = z * zs_ref[...]
    pool_ref[...] = _pool_max(z * ps_ref[...], mask)


def _combine_body(x2_ref, z0_ref, z1_ref, pool0_ref, pool1_ref, batch_ref,
                  W_ref, b_ref, g_ref, be_ref, s_ref, out_ref, Z_ref):
    z2 = _lin_z(x2_ref[...], W_ref[...], b_ref[...], g_ref[...],
                be_ref[...]) * s_ref[...]
    gids = lax.broadcasted_iota(jnp.int32, (1, G), 1)
    mask = batch_ref[...] == gids
    out_ref[...] = pool0_ref[...] + pool1_ref[...] + _pool_max(z2, mask)
    Z_ref[...] = z0_ref[...] + z1_ref[...] + z2


def kernel(x, edge_index, batch, layer_weights, lin_W, lin_b, lin_g, lin_be,
           conv_W, conv_b, conv_g, conv_be):
    src = edge_index[0]
    dst = edge_index[1]
    zeros = jnp.zeros((N, D), jnp.float32)
    batch2 = batch.reshape(N, 1)
    lw = layer_weights.reshape(3, 1, 1)
    one = jnp.ones((1, 1), jnp.float32)

    def head(k, h, zs, ps):
        return pl.pallas_call(
            _head_body,
            out_shape=[
                jax.ShapeDtypeStruct((N, T), jnp.float32),
                jax.ShapeDtypeStruct((G, T), jnp.float32),
            ],
        )(h, lin_W[k], lin_b[k].reshape(1, T), lin_g[k].reshape(1, T),
          lin_be[k].reshape(1, T), zs, ps, batch2)

    def conv(k, h, p):
        return pl.pallas_call(
            _conv_body,
            out_shape=jax.ShapeDtypeStruct((N, D), jnp.float32),
        )(h, p, conv_W[k], conv_b[k].reshape(1, D), conv_g[k].reshape(1, D),
          conv_be[k].reshape(1, D))

    p0 = _seg_partials()(src, dst, zeros, x)
    z0, pool0 = head(0, x, lw[0], one)
    x1 = conv(0, x, p0)

    p1 = _seg_partials()(src, dst, zeros, x1)
    z1, pool1 = head(1, x1, lw[1], lw[1])
    x2 = conv(1, x1, p1)

    out, Z = pl.pallas_call(
        _combine_body,
        out_shape=[
            jax.ShapeDtypeStruct((G, T), jnp.float32),
            jax.ShapeDtypeStruct((N, T), jnp.float32),
        ],
    )(x2, z0, z1, pool0, pool1, batch2, lin_W[2], lin_b[2].reshape(1, T),
      lin_g[2].reshape(1, T), lin_be[2].reshape(1, T), lw[2])

    return out, Z, x2

# --- scband reference (transcript-rebuilt; emitter-appended) ---
"""Pipeline reference for scband-gnn-74895639707841 (READ-ONLY COPY).

The authoritative reference and input builder live on the scoring server;
editing this copy changes nothing except your own understanding.
"""

import jax, jax.numpy as jnp
import numpy as np

N = 10000
E = 320000
D = 128
T = 10
G = 64
L = 3


def setup_inputs(seed: int = 0) -> dict:
    key = jax.random.key(seed)
    ks = jax.random.split(key, 8)
    x = jax.random.normal(ks[0], (N, D), dtype=jnp.float32)
    edge_index = jax.random.randint(ks[1], (2, E), 0, N, dtype=jnp.int32)
    batch = jnp.sort(jax.random.randint(ks[2], (N,), 0, G, dtype=jnp.int32))
    # linear heads: Linear(in=D, out=T) + BN(T) + ELU for each of L layers
    lin_W = jax.random.normal(ks[3], (L, D, T), dtype=jnp.float32) * 0.05
    lin_b = jnp.zeros((L, T), dtype=jnp.float32)
    lin_g = jnp.ones((L, T), dtype=jnp.float32)
    lin_be = jnp.zeros((L, T), dtype=jnp.float32)
    # GINConv nn: Linear(D, D) + BN(D) + ELU, two convs
    conv_W = jax.random.normal(ks[4], (2, D, D), dtype=jnp.float32) * 0.05
    conv_b = jnp.zeros((2, D), dtype=jnp.float32)
    conv_g = jnp.ones((2, D), dtype=jnp.float32)
    conv_be = jnp.zeros((2, D), dtype=jnp.float32)
    layer_weights = jnp.ones((L,), dtype=jnp.float32)
    return {"x": x, "edge_index": edge_index, "batch": batch,
            "layer_weights": layer_weights,
            "lin_W": lin_W, "lin_b": lin_b, "lin_g": lin_g, "lin_be": lin_be,
            "conv_W": conv_W, "conv_b": conv_b, "conv_g": conv_g, "conv_be": conv_be}


def _bn(h, g, b, eps=1e-5):
    mean = jnp.mean(h, axis=0)
    var = jnp.var(h, axis=0)
    return (h - mean) / jnp.sqrt(var + eps) * g + b


def reference(x, edge_index, batch, layer_weights, lin_W, lin_b, lin_g, lin_be, conv_W, conv_b, conv_g, conv_be):
    src = edge_index[0]
    dst = edge_index[1]

    def lin_block(h, i):
        return jax.nn.elu(_bn(h @ lin_W[i] + lin_b[i], lin_g[i], lin_be[i]))

    def gin_conv(h, i):
        # GINConv with eps=0: nn((1+eps)*x + sum_{j in N(i)} x_j)
        agg = jax.ops.segment_sum(h[src], dst, num_segments=N)
        hh = h + agg
        return jax.nn.elu(_bn(hh @ conv_W[i] + conv_b[i], conv_g[i], conv_be[i]))

    def pool_max(z):
        return jax.ops.segment_max(z, batch, num_segments=G)

    z0 = lin_block(x, 0)
    Z = layer_weights[0] * z0
    out = pool_max(z0)

    x1 = gin_conv(x, 0)
    z1 = layer_weights[1] * lin_block(x1, 1)
    Z = Z + z1
    out = out + pool_max(z1)

    x2 = gin_conv(x1, 1)
    z2 = layer_weights[2] * lin_block(x2, 2)
    Z = Z + z2
    out = out + pool_max(z2)

    # dropout p=0.0 -> identity
    return (out, Z, x2)

if __name__ == "__main__":
    import jax
    _d = setup_inputs()
    print(jax.jit(kernel)(*tuple(_d.values())))

</pallas_src>

<mosaic_0001>
#map = affine_map<(d0, d1) -> (0)>
#map1 = affine_map<(d0, d1) -> (0, 0)>
#map2 = affine_map<(d0, d1) -> (0, 0, 0)>
module attributes {stable_mosaic.version = 14 : i64} {
  func.func @_seg_body(%arg0: i32, %arg1: i32, %arg2: memref<320000xi32, #tpu.memory_space<hbm>>, %arg3: memref<320000xi32, #tpu.memory_space<hbm>>, %arg4: memref<10000x128xf32, #tpu.memory_space<hbm>>, %arg5: memref<10000x128xf32, #tpu.memory_space<hbm>>, %arg6: memref<2x10000x128xf32, #tpu.memory_space<hbm>>, %arg7: memref<10000xi32, #tpu.memory_space<vmem>>, %arg8: memref<3x96xi32, #tpu.memory_space<vmem>>, %arg9: memref<3x96x128xf32, #tpu.memory_space<vmem>>, %arg10: memref<16xi32, #tpu.memory_space<vmem>>, %arg11: memref<16x128xf32, #tpu.memory_space<vmem>>, %arg12: memref<10000x128xf32, #tpu.memory_space<vmem_shared>>, %arg13: memref<3x!tpu.dma_semaphore, #tpu.memory_space<semaphore_mem>>, %arg14: memref<3x!tpu.dma_semaphore, #tpu.memory_space<semaphore_mem>>, %arg15: memref<2x!tpu.dma_semaphore, #tpu.memory_space<semaphore_mem>>, %arg16: memref<!tpu.dma_semaphore, #tpu.memory_space<semaphore_mem>>) attributes {dimension_semantics = [#tpu.dimension_semantics<core_parallel>, #tpu.dimension_semantics<subcore_parallel>], iteration_bounds = array<i64: 2, 16>, scalar_prefetch = 0 : i64, scratch_operands = 10 : i64, tpu.core_type = #tpu.core_type<sc_vector_subcore>, window_params = [{transform_indices = #map}, {transform_indices = #map}, {transform_indices = #map1}, {transform_indices = #map1}, {transform_indices = #map2}]} {
    %mul3A = arith.constant 2 : i32
    %mul3A_0 = arith.muli %arg1, %mul3A : i32
    %add3A = arith.addi %mul3A_0, %arg0 : i32
    %mul3A_1 = arith.constant 624 : i32
    %mul3A_2 = arith.muli %arg1, %mul3A_1 : i32
    %mul3A_3 = arith.constant 624 : i32
    %mul3A_4 = arith.muli %arg1, %mul3A_3 : i32
    %dma_start3A = arith.constant 0 : i32
    %dma_start3A_5 = tpu.memref_slice %arg12[%mul3A_4, %dma_start3A] : memref<10000x128xf32, #tpu.memory_space<vmem_shared>> -> memref<624x128xf32, #tpu.memory_space<vmem_shared>>
    %dma_start3A_6 = arith.constant 0 : i32
    %dma_start3A_7 = tpu.memref_slice %arg4[%mul3A_2, %dma_start3A_6] : memref<10000x128xf32, #tpu.memory_space<hbm>> -> memref<624x128xf32, #tpu.memory_space<hbm>>
    tpu.enqueue_dma source(%dma_start3A_7 : memref<624x128xf32, #tpu.memory_space<hbm>>) target(%dma_start3A_5 : memref<624x128xf32, #tpu.memory_space<vmem_shared>>) target_semaphore(%arg16 : memref<!tpu.dma_semaphore, #tpu.memory_space<semaphore_mem>>)
    %eq3A = arith.constant 0 : i32
    %eq3A_8 = arith.cmpi eq, %arg1, %eq3A : i32
    %convert_element_type3A = arith.extui %eq3A_8 : i1 to i32
    %cond3A = arith.constant 0 : i32
    %cond3A_9 = arith.cmpi ne, %convert_element_type3A, %cond3A : i32
    scf.if %cond3A_9 {
      %dma_start3A_181 = arith.constant 9984 : i32
      %dma_start3A_182 = arith.constant 0 : i32
      %dma_start3A_183 = tpu.memref_slice %arg12[%dma_start3A_181, %dma_start3A_182] : memref<10000x128xf32, #tpu.memory_space<vmem_shared>> -> memref<16x128xf32, #tpu.memory_space<vmem_shared>>
      %dma_start3A_184 = arith.constant 9984 : i32
      %dma_start3A_185 = arith.constant 0 : i32
      %dma_start3A_186 = tpu.memref_slice %arg4[%dma_start3A_184, %dma_start3A_185] : memref<10000x128xf32, #tpu.memory_space<hbm>> -> memref<16x128xf32, #tpu.memory_space<hbm>>
      tpu.enqueue_dma source(%dma_start3A_186 : memref<16x128xf32, #tpu.memory_space<hbm>>) target(%dma_start3A_183 : memref<16x128xf32, #tpu.memory_space<vmem_shared>>) target_semaphore(%arg16 : memref<!tpu.dma_semaphore, #tpu.memory_space<semaphore_mem>>)
    } else {
    }
    %mul3A_10 = arith.constant 10000 : i32
    %mul3A_11 = arith.muli %add3A, %mul3A_10 : i32
    "tpu.region"() ({
      %run_scoped3A_181 = tpu.sem_alloc : memref<!tpu.dma_semaphore, #tpu.memory_space<semaphore_mem>>
      %dma_start3A_182 = tpu.memref_slice %arg2[%mul3A_11] : memref<320000xi32, #tpu.memory_space<hbm>> -> memref<10000xi32, #tpu.memory_space<hbm>>
      %dma_start3A_183 = tpu.memref_slice %arg2[%mul3A_11] : memref<320000xi32, #tpu.memory_space<hbm>> -> memref<10000xi32, #tpu.memory_space<hbm>>
      tpu.enqueue_dma source(%dma_start3A_183 : memref<10000xi32, #tpu.memory_space<hbm>>) target(%arg7 : memref<10000xi32, #tpu.memory_space<vmem>>) target_semaphore(%run_scoped3A_181 : memref<!tpu.dma_semaphore, #tpu.memory_space<semaphore_mem>>)
      %dma_wait3A_184 = tpu.memref_slice %arg2[%mul3A_11] : memref<320000xi32, #tpu.memory_space<hbm>> -> memref<10000xi32, #tpu.memory_space<hbm>>
      %dma_wait3A_185 = tpu.memref_slice %arg2[%mul3A_11] : memref<320000xi32, #tpu.memory_space<hbm>> -> memref<10000xi32, #tpu.memory_space<hbm>>
      tpu.wait_dma2 semaphore(%run_scoped3A_181 : memref<!tpu.dma_semaphore, #tpu.memory_space<semaphore_mem>>) src(%dma_wait3A_185 : memref<10000xi32, #tpu.memory_space<hbm>>) dst(%arg7 : memref<10000xi32, #tpu.memory_space<vmem>>)
      tpu.yield
    }) : () -> ()
    %add3A_12 = arith.constant 9984 : i32
    %add3A_13 = arith.addi %mul3A_11, %add3A_12 : i32
    %dma_start3A_14 = arith.constant 0 : i32
    %dma_start3A_15 = tpu.memref_slice %arg3[%add3A_13] : memref<320000xi32, #tpu.memory_space<hbm>> -> memref<16xi32, #tpu.memory_space<hbm>>
    %dma_start3A_16 = tpu.memref_slice %arg15[%dma_start3A_14] : memref<2x!tpu.dma_semaphore, #tpu.memory_space<semaphore_mem>> -> memref<1x!tpu.dma_semaphore, #tpu.memory_space<semaphore_mem>>
    %dma_start3A_17 = tpu.memref_squeeze %dma_start3A_16 : memref<1x!tpu.dma_semaphore, #tpu.memory_space<semaphore_mem>> -> memref<!tpu.dma_semaphore, #tpu.memory_space<semaphore_mem>>
    %dma_start3A_18 = tpu.memref_slice %arg3[%add3A_13] : memref<320000xi32, #tpu.memory_space<hbm>> -> memref<16xi32, #tpu.memory_space<hbm>>
    tpu.enqueue_dma source(%dma_start3A_18 : memref<16xi32, #tpu.memory_space<hbm>>) target(%arg10 : memref<16xi32, #tpu.memory_space<vmem>>) target_semaphore(%dma_start3A_17 : memref<!tpu.dma_semaphore, #tpu.memory_space<semaphore_mem>>)
    %dma_start3A_19 = arith.constant 1 : i32
    %dma_start3A_20 = arith.constant 9984 : i32
    %dma_start3A_21 = tpu.memref_slice %arg7[%dma_start3A_20] : memref<10000xi32, #tpu.memory_space<vmem>> -> memref<16xi32, #tpu.memory_space<vmem>>
    %dma_start3A_22 = arith.constant 0 : i32
    %dma_start3A_23 = arith.constant 0 : i32
    %dma_start3A_24 = tpu.memref_slice %arg5[%dma_start3A_22, %dma_start3A_23] : memref<10000x128xf32, #tpu.memory_space<hbm>> -> memref<10000x128xf32, #tpu.memory_space<hbm>>
    %dma_start3A_25 = tpu.memref_slice %arg15[%dma_start3A_19] : memref<2x!tpu.dma_semaphore, #tpu.memory_space<semaphore_mem>> -> memref<1x!tpu.dma_semaphore, #tpu.memory_space<semaphore_mem>>
    %dma_start3A_26 = tpu.memref_squeeze %dma_start3A_25 : memref<1x!tpu.dma_semaphore, #tpu.memory_space<semaphore_mem>> -> memref<!tpu.dma_semaphore, #tpu.memory_space<semaphore_mem>>
    tpu.enqueue_indirect_dma source(%dma_start3A_24 : memref<10000x128xf32, #tpu.memory_space<hbm>>) target(%arg11 : memref<16x128xf32, #tpu.memory_space<vmem>>) offsets(%dma_start3A_21 : memref<16xi32, #tpu.memory_space<vmem>>) semaphore(%dma_start3A_26 : memref<!tpu.dma_semaphore, #tpu.memory_space<semaphore_mem>>)
    %add3A_27 = arith.constant 0 : i32
    %add3A_28 = arith.addi %mul3A_11, %add3A_27 : i32
    %dma_start3A_29 = arith.constant 0 : i32
    %dma_start3A_30 = arith.constant 0 : i32
    %dma_start3A_31 = arith.constant 0 : i32
    %dma_start3A_32 = tpu.memref_slice %arg8[%dma_start3A_29, %dma_start3A_31] : memref<3x96xi32, #tpu.memory_space<vmem>> -> memref<1x96xi32, #tpu.memory_space<vmem>>
    %dma_start3A_33 = tpu.memref_squeeze %dma_start3A_32 : memref<1x96xi32, #tpu.memory_space<vmem>> -> memref<96xi32, #tpu.memory_space<vmem>>
    %dma_start3A_34 = tpu.memref_slice %arg3[%add3A_28] : memref<320000xi32, #tpu.memory_space<hbm>> -> memref<96xi32, #tpu.memory_space<hbm>>
    %dma_start3A_35 = tpu.memref_slice %arg14[%dma_start3A_30] : memref<3x!tpu.dma_semaphore, #tpu.memory_space<semaphore_mem>> -> memref<1x!tpu.dma_semaphore, #tpu.memory_space<semaphore_mem>>
    %dma_start3A_36 = tpu.memref_squeeze %dma_start3A_35 : memref<1x!tpu.dma_semaphore, #tpu.memory_space<semaphore_mem>> -> memref<!tpu.dma_semaphore, #tpu.memory_space<semaphore_mem>>
    %dma_start3A_37 = arith.constant 0 : i32
    %dma_start3A_38 = tpu.memref_slice %arg8[%dma_start3A_29, %dma_start3A_37] : memref<3x96xi32, #tpu.memory_space<vmem>> -> memref<1x96xi32, #tpu.memory_space<vmem>>
    %dma_start3A_39 = tpu.memref_squeeze %dma_start3A_38 : memref<1x96xi32, #tpu.memory_space<vmem>> -> memref<96xi32, #tpu.memory_space<vmem>>
    %dma_start3A_40 = tpu.memref_slice %arg3[%add3A_28] : memref<320000xi32, #tpu.memory_space<hbm>> -> memref<96xi32, #tpu.memory_space<hbm>>
    tpu.enqueue_dma source(%dma_start3A_40 : memref<96xi32, #tpu.memory_space<hbm>>) target(%dma_start3A_39 : memref<96xi32, #tpu.memory_space<vmem>>) target_semaphore(%dma_start3A_36 : memref<!tpu.dma_semaphore, #tpu.memory_space<semaphore_mem>>)
    %dma_start3A_41 = arith.constant 0 : i32
    %dma_start3A_42 = arith.constant 0 : i32
    %dma_start3A_43 = arith.constant 0 : i32
    %dma_start3A_44 = arith.constant 0 : i32
    %dma_start3A_45 = tpu.memref_slice %arg9[%dma_start3A_41, %dma_start3A_43, %dma_start3A_44] : memref<3x96x128xf32, #tpu.memory_space<vmem>> -> memref<1x96x128xf32, #tpu.memory_space<vmem>>
    %dma_start3A_46 = tpu.memref_squeeze %dma_start3A_45 : memref<1x96x128xf32, #tpu.memory_space<vmem>> -> memref<96x128xf32, #tpu.memory_space<vmem>>
    %dma_start3A_47 = arith.constant 0 : i32
    %dma_start3A_48 = tpu.memref_slice %arg7[%dma_start3A_47] : memref<10000xi32, #tpu.memory_space<vmem>> -> memref<96xi32, #tpu.memory_space<vmem>>
    %dma_start3A_49 = arith.constant 0 : i32
    %dma_start3A_50 = arith.constant 0 : i32
    %dma_start3A_51 = tpu.memref_slice %arg5[%dma_start3A_49, %dma_start3A_50] : memref<10000x128xf32, #tpu.memory_space<hbm>> -> memref<10000x128xf32, #tpu.memory_space<hbm>>
    %dma_start3A_52 = tpu.memref_slice %arg13[%dma_start3A_42] : memref<3x!tpu.dma_semaphore, #tpu.memory_space<semaphore_mem>> -> memref<1x!tpu.dma_semaphore, #tpu.memory_space<semaphore_mem>>
    %dma_start3A_53 = tpu.memref_squeeze %dma_start3A_52 : memref<1x!tpu.dma_semaphore, #tpu.memory_space<semaphore_mem>> -> memref<!tpu.dma_semaphore, #tpu.memory_space<semaphore_mem>>
    tpu.enqueue_indirect_dma source(%dma_start3A_51 : memref<10000x128xf32, #tpu.memory_space<hbm>>) target(%dma_start3A_46 : memref<96x128xf32, #tpu.memory_space<vmem>>) offsets(%dma_start3A_48 : memref<96xi32, #tpu.memory_space<vmem>>) semaphore(%dma_start3A_53 : memref<!tpu.dma_semaphore, #tpu.memory_space<semaphore_mem>>)
    %add3A_54 = arith.constant 96 : i32
    %add3A_55 = arith.addi %mul3A_11, %add3A_54 : i32
    %dma_start3A_56 = arith.constant 1 : i32
    %dma_start3A_57 = arith.constant 1 : i32
    %dma_start3A_58 = arith.constant 0 : i32
    %dma_start3A_59 = tpu.memref_slice %arg8[%dma_start3A_56, %dma_start3A_58] : memref<3x96xi32, #tpu.memory_space<vmem>> -> memref<1x96xi32, #tpu.memory_space<vmem>>
    %dma_start3A_60 = tpu.memref_squeeze %dma_start3A_59 : memref<1x96xi32, #tpu.memory_space<vmem>> -> memref<96xi32, #tpu.memory_space<vmem>>
    %dma_start3A_61 = tpu.memref_slice %arg3[%add3A_55] : memref<320000xi32, #tpu.memory_space<hbm>> -> memref<96xi32, #tpu.memory_space<hbm>>
    %dma_start3A_62 = tpu.memref_slice %arg14[%dma_start3A_57] : memref<3x!tpu.dma_semaphore, #tpu.memory_space<semaphore_mem>> -> memref<1x!tpu.dma_semaphore, #tpu.memory_space<semaphore_mem>>
    %dma_start3A_63 = tpu.memref_squeeze %dma_start3A_62 : memref<1x!tpu.dma_semaphore, #tpu.memory_space<semaphore_mem>> -> memref<!tpu.dma_semaphore, #tpu.memory_space<semaphore_mem>>
    %dma_start3A_64 = arith.constant 0 : i32
    %dma_start3A_65 = tpu.memref_slice %arg8[%dma_start3A_56, %dma_start3A_64] : memref<3x96xi32, #tpu.memory_space<vmem>> -> memref<1x96xi32, #tpu.memory_space<vmem>>
    %dma_start3A_66 = tpu.memref_squeeze %dma_start3A_65 : memref<1x96xi32, #tpu.memory_space<vmem>> -> memref<96xi32, #tpu.memory_space<vmem>>
    %dma_start3A_67 = tpu.memref_slice %arg3[%add3A_55] : memref<320000xi32, #tpu.memory_space<hbm>> -> memref<96xi32, #tpu.memory_space<hbm>>
    tpu.enqueue_dma source(%dma_start3A_67 : memref<96xi32, #tpu.memory_space<hbm>>) target(%dma_start3A_66 : memref<96xi32, #tpu.memory_space<vmem>>) target_semaphore(%dma_start3A_63 : memref<!tpu.dma_semaphore, #tpu.memory_space<semaphore_mem>>)
    %dma_start3A_68 = arith.constant 1 : i32
    %dma_start3A_69 = arith.constant 1 : i32
    %dma_start3A_70 = arith.constant 0 : i32
    %dma_start3A_71 = arith.constant 0 : i32
    %dma_start3A_72 = tpu.memref_slice %arg9[%dma_start3A_68, %dma_start3A_70, %dma_start3A_71] : memref<3x96x128xf32, #tpu.memory_space<vmem>> -> memref<1x96x128xf32, #tpu.memory_space<vmem>>
    %dma_start3A_73 = tpu.memref_squeeze %dma_start3A_72 : memref<1x96x128xf32, #tpu.memory_space<vmem>> -> memref<96x128xf32, #tpu.memory_space<vmem>>
    %dma_start3A_74 = arith.constant 96 : i32
    %dma_start3A_75 = tpu.memref_slice %arg7[%dma_start3A_74] : memref<10000xi32, #tpu.memory_space<vmem>> -> memref<96xi32, #tpu.memory_space<vmem>>
    %dma_start3A_76 = arith.constant 0 : i32
    %dma_start3A_77 = arith.constant 0 : i32
    %dma_start3A_78 = tpu.memref_slice %arg5[%dma_start3A_76, %dma_start3A_77] : memref<10000x128xf32, #tpu.memory_space<hbm>> -> memref<10000x128xf32, #tpu.memory_space<hbm>>
    %dma_start3A_79 = tpu.memref_slice %arg13[%dma_start3A_69] : memref<3x!tpu.dma_semaphore, #tpu.memory_space<semaphore_mem>> -> memref<1x!tpu.dma_semaphore, #tpu.memory_space<semaphore_mem>>
    %dma_start3A_80 = tpu.memref_squeeze %dma_start3A_79 : memref<1x!tpu.dma_semaphore, #tpu.memory_space<semaphore_mem>> -> memref<!tpu.dma_semaphore, #tpu.memory_space<semaphore_mem>>
    tpu.enqueue_indirect_dma source(%dma_start3A_78 : memref<10000x128xf32, #tpu.memory_space<hbm>>) target(%dma_start3A_73 : memref<96x128xf32, #tpu.memory_space<vmem>>) offsets(%dma_start3A_75 : memref<96xi32, #tpu.memory_space<vmem>>) semaphore(%dma_start3A_80 : memref<!tpu.dma_semaphore, #tpu.memory_space<semaphore_mem>>)
    %mul3A_81 = arith.constant 624 : i32
    %mul3A_82 = arith.muli %arg1, %mul3A_81 : i32
    %mul3A_83 = arith.constant 624 : i32
    %mul3A_84 = arith.muli %arg1, %mul3A_83 : i32
    %dma_wait3A = arith.constant 0 : i32
    %dma_wait3A_85 = tpu.memref_slice %arg12[%mul3A_84, %dma_wait3A] : memref<10000x128xf32, #tpu.memory_space<vmem_shared>> -> memref<624x128xf32, #tpu.memory_space<vmem_shared>>
    %dma_wait3A_86 = arith.constant 0 : i32
    %dma_wait3A_87 = tpu.memref_slice %arg4[%mul3A_82, %dma_wait3A_86] : memref<10000x128xf32, #tpu.memory_space<hbm>> -> memref<624x128xf32, #tpu.memory_space<hbm>>
    tpu.wait_dma2 semaphore(%arg16 : memref<!tpu.dma_semaphore, #tpu.memory_space<semaphore_mem>>) src(%dma_wait3A_87 : memref<624x128xf32, #tpu.memory_space<hbm>>) dst(%dma_wait3A_85 : memref<624x128xf32, #tpu.memory_space<vmem_shared>>)
    %eq3A_88 = arith.constant 0 : i32
    %eq3A_89 = arith.cmpi eq, %arg1, %eq3A_88 : i32
    %convert_element_type3A_90 = arith.extui %eq3A_89 : i1 to i32
    %cond3A_91 = arith.constant 0 : i32
    %cond3A_92 = arith.cmpi ne, %convert_element_type3A_90, %cond3A_91 : i32
    scf.if %cond3A_92 {
      %dma_wait3A_181 = arith.constant 9984 : i32
      %dma_wait3A_182 = arith.constant 0 : i32
      %dma_wait3A_183 = tpu.memref_slice %arg12[%dma_wait3A_181, %dma_wait3A_182] : memref<10000x128xf32, #tpu.memory_space<vmem_shared>> -> memref<16x128xf32, #tpu.memory_space<vmem_shared>>
      %dma_wait3A_184 = arith.constant 9984 : i32
      %dma_wait3A_185 = arith.constant 0 : i32
      %dma_wait3A_186 = tpu.memref_slice %arg4[%dma_wait3A_184, %dma_wait3A_185] : memref<10000x128xf32, #tpu.memory_space<hbm>> -> memref<16x128xf32, #tpu.memory_space<hbm>>
      tpu.wait_dma2 semaphore(%arg16 : memref<!tpu.dma_semaphore, #tpu.memory_space<semaphore_mem>>) src(%dma_wait3A_186 : memref<16x128xf32, #tpu.memory_space<hbm>>) dst(%dma_wait3A_183 : memref<16x128xf32, #tpu.memory_space<vmem_shared>>)
    } else {
    }
    %barrier3A = arith.constant 0 : index
    tpu.barrier barrier_id(%barrier3A)
    %scan3A = arith.constant 0 : i32
    %scan3A_93 = arith.constant 0 : i32
    %scan3A_94 = arith.constant 34 : i32
    %scan3A_95 = arith.addi %scan3A_93, %scan3A_94 : i32
    %scan3A_96 = arith.constant 1 : i32
    %scan3A_97 = scf.for %scan3A_181 = %scan3A_93 to %scan3A_95 step %scan3A_96 iter_args(%scan3A_182 = %scan3A) -> (i32)  : i32 {
      %mul3A_183 = arith.constant 3 : i32
      %mul3A_184 = arith.muli %mul3A_183, %scan3A_181 : i32
      %add3A_185 = arith.constant 0 : i32
      %add3A_186 = arith.addi %mul3A_184, %add3A_185 : i32
      %add3A_187 = arith.constant 3 : i32
      %add3A_188 = arith.addi %add3A_186, %add3A_187 : i32
      %sub3A = arith.constant 1 : i32
      %sub3A_189 = arith.subi %add3A_188, %sub3A : i32
      %mul3A_190 = arith.constant 96 : i32
      %mul3A_191 = arith.muli %sub3A_189, %mul3A_190 : i32
      %add3A_192 = arith.addi %mul3A_11, %mul3A_191 : i32
      %dma_start3A_193 = arith.constant 2 : i32
      %dma_start3A_194 = arith.constant 2 : i32
      %dma_start3A_195 = arith.constant 0 : i32
      %dma_start3A_196 = tpu.memref_slice %arg8[%dma_start3A_193, %dma_start3A_195] : memref<3x96xi32, #tpu.memory_space<vmem>> -> memref<1x96xi32, #tpu.memory_space<vmem>>
      %dma_start3A_197 = tpu.memref_squeeze %dma_start3A_196 : memref<1x96xi32, #tpu.memory_space<vmem>> -> memref<96xi32, #tpu.memory_space<vmem>>
      %dma_start3A_198 = tpu.memref_slice %arg3[%add3A_192] : memref<320000xi32, #tpu.memory_space<hbm>> -> memref<96xi32, #tpu.memory_space<hbm>>
      %dma_start3A_199 = tpu.memref_slice %arg14[%dma_start3A_194] : memref<3x!tpu.dma_semaphore, #tpu.memory_space<semaphore_mem>> -> memref<1x!tpu.dma_semaphore, #tpu.memory_space<semaphore_mem>>
      %dma_start3A_200 = tpu.memref_squeeze %dma_start3A_199 : memref<1x!tpu.dma_semaphore, #tpu.memory_space<semaphore_mem>> -> memref<!tpu.dma_semaphore, #tpu.memory_space<semaphore_mem>>
      %dma_start3A_201 = arith.constant 0 : i32
      %dma_start3A_202 = tpu.memref_slice %arg8[%dma_start3A_193, %dma_start3A_201] : memref<3x96xi32, #tpu.memory_space<vmem>> -> memref<1x96xi32, #tpu.memory_space<vmem>>
      %dma_start3A_203 = tpu.memref_squeeze %dma_start3A_202 : memref<1x96xi32, #tpu.memory_space<vmem>> -> memref<96xi32, #tpu.memory_space<vmem>>
      %dma_start3A_204 = tpu.memref_slice %arg3[%add3A_192] : memref<320000xi32, #tpu.memory_space<hbm>> -> memref<96xi32, #tpu.memory_space<hbm>>
      tpu.enqueue_dma source(%dma_start3A_204 : memref<96xi32, #tpu.memory_space<hbm>>) target(%dma_start3A_203 : memref<96xi32, #tpu.memory_space<vmem>>) target_semaphore(%dma_start3A_200 : memref<!tpu.dma_semaphore, #tpu.memory_space<semaphore_mem>>)
      %mul3A_205 = arith.constant 96 : i32
      %mul3A_206 = arith.muli %sub3A_189, %mul3A_205 : i32
      %dma_start3A_207 = arith.constant 2 : i32
      %dma_start3A_208 = arith.constant 2 : i32
      %dma_start3A_209 = arith.constant 0 : i32
      %dma_start3A_210 = arith.constant 0 : i32
      %dma_start3A_211 = tpu.memref_slice %arg9[%dma_start3A_207, %dma_start3A_209, %dma_start3A_210] : memref<3x96x128xf32, #tpu.memory_space<vmem>> -> memref<1x96x128xf32, #tpu.memory_space<vmem>>
      %dma_start3A_212 = tpu.memref_squeeze %dma_start3A_211 : memref<1x96x128xf32, #tpu.memory_space<vmem>> -> memref<96x128xf32, #tpu.memory_space<vmem>>
      %dma_start3A_213 = tpu.memref_slice %arg7[%mul3A_206] : memref<10000xi32, #tpu.memory_space<vmem>> -> memref<96xi32, #tpu.memory_space<vmem>>
      %dma_start3A_214 = arith.constant 0 : i32
      %dma_start3A_215 = arith.constant 0 : i32
      %dma_start3A_216 = tpu.memref_slice %arg5[%dma_start3A_214, %dma_start3A_215] : memref<10000x128xf32, #tpu.memory_space<hbm>> -> memref<10000x128xf32, #tpu.memory_space<hbm>>
      %dma_start3A_217 = tpu.memref_slice %arg13[%dma_start3A_208] : memref<3x!tpu.dma_semaphore, #tpu.memory_space<semaphore_mem>> -> memref<1x!tpu.dma_semaphore, #tpu.memory_space<semaphore_mem>>
      %dma_start3A_218 = tpu.memref_squeeze %dma_start3A_217 : memref<1x!tpu.dma_semaphore, #tpu.memory_space<semaphore_mem>> -> memref<!tpu.dma_semaphore, #tpu.memory_space<semaphore_mem>>
      tpu.enqueue_indirect_dma source(%dma_start3A_216 : memref<10000x128xf32, #tpu.memory_space<hbm>>) target(%dma_start3A_212 : memref<96x128xf32, #tpu.memory_space<vmem>>) offsets(%dma_start3A_213 : memref<96xi32, #tpu.memory_space<vmem>>) semaphore(%dma_start3A_218 : memref<!tpu.dma_semaphore, #tpu.memory_space<semaphore_mem>>)
      %add3A_219 = arith.constant 0 : i32
      %add3A_220 = arith.addi %mul3A_184, %add3A_219 : i32
      %mul3A_221 = arith.constant 96 : i32
      %mul3A_222 = arith.muli %add3A_220, %mul3A_221 : i32
      %add3A_223 = arith.addi %mul3A_11, %mul3A_222 : i32
      %dma_wait3A_224 = arith.constant 0 : i32
      %dma_wait3A_225 = arith.constant 0 : i32
      %dma_wait3A_226 = arith.constant 0 : i32
      %dma_wait3A_227 = tpu.memref_slice %arg8[%dma_wait3A_224, %dma_wait3A_226] : memref<3x96xi32, #tpu.memory_space<vmem>> -> memref<1x96xi32, #tpu.memory_space<vmem>>
      %dma_wait3A_228 = tpu.memref_squeeze %dma_wait3A_227 : memref<1x96xi32, #tpu.memory_space<vmem>> -> memref<96xi32, #tpu.memory_space<vmem>>
      %dma_wait3A_229 = tpu.memref_slice %arg3[%add3A_223] : memref<320000xi32, #tpu.memory_space<hbm>> -> memref<96xi32, #tpu.memory_space<hbm>>
      %dma_wait3A_230 = tpu.memref_slice %arg14[%dma_wait3A_225] : memref<3x!tpu.dma_semaphore, #tpu.memory_space<semaphore_mem>> -> memref<1x!tpu.dma_semaphore, #tpu.memory_space<semaphore_mem>>
      %dma_wait3A_231 = tpu.memref_squeeze %dma_wait3A_230 : memref<1x!tpu.dma_semaphore, #tpu.memory_space<semaphore_mem>> -> memref<!tpu.dma_semaphore, #tpu.memory_space<semaphore_mem>>
      %dma_wait3A_232 = arith.constant 0 : i32
      %dma_wait3A_233 = tpu.memref_slice %arg8[%dma_wait3A_224, %dma_wait3A_232] : memref<3x96xi32, #tpu.memory_space<vmem>> -> memref<1x96xi32, #tpu.memory_space<vmem>>
      %dma_wait3A_234 = tpu.memref_squeeze %dma_wait3A_233 : memref<1x96xi32, #tpu.memory_space<vmem>> -> memref<96xi32, #tpu.memory_space<vmem>>
      %dma_wait3A_235 = tpu.memref_slice %arg3[%add3A_223] : memref<320000xi32, #tpu.memory_space<hbm>> -> memref<96xi32, #tpu.memory_space<hbm>>
      tpu.wait_dma2 semaphore(%dma_wait3A_231 : memref<!tpu.dma_semaphore, #tpu.memory_space<semaphore_mem>>) src(%dma_wait3A_235 : memref<96xi32, #tpu.memory_space<hbm>>) dst(%dma_wait3A_234 : memref<96xi32, #tpu.memory_space<vmem>>)
      %mul3A_236 = arith.constant 96 : i32
      %mul3A_237 = arith.muli %add3A_220, %mul3A_236 : i32
      %dma_wait3A_238 = arith.constant 0 : i32
      %dma_wait3A_239 = arith.constant 0 : i32
      %dma_wait3A_240 = arith.constant 0 : i32
      %dma_wait3A_241 = arith.constant 0 : i32
      %dma_wait3A_242 = tpu.memref_slice %arg9[%dma_wait3A_238, %dma_wait3A_240, %dma_wait3A_241] : memref<3x96x128xf32, #tpu.memory_space<vmem>> -> memref<1x96x128xf32, #tpu.memory_space<vmem>>
      %dma_wait3A_243 = tpu.memref_squeeze %dma_wait3A_242 : memref<1x96x128xf32, #tpu.memory_space<vmem>> -> memref<96x128xf32, #tpu.memory_space<vmem>>
      %dma_wait3A_244 = tpu.memref_slice %arg7[%mul3A_237] : memref<10000xi32, #tpu.memory_space<vmem>> -> memref<96xi32, #tpu.memory_space<vmem>>
      %dma_wait3A_245 = arith.constant 0 : i32
      %dma_wait3A_246 = arith.constant 0 : i32
      %dma_wait3A_247 = tpu.memref_slice %arg5[%dma_wait3A_245, %dma_wait3A_246] : memref<10000x128xf32, #tpu.memory_space<hbm>> -> memref<10000x128xf32, #tpu.memory_space<hbm>>
      %dma_wait3A_248 = tpu.memref_slice %arg13[%dma_wait3A_239] : memref<3x!tpu.dma_semaphore, #tpu.memory_space<semaphore_mem>> -> memref<1x!tpu.dma_semaphore, #tpu.memory_space<semaphore_mem>>
      %dma_wait3A_249 = tpu.memref_squeeze %dma_wait3A_248 : memref<1x!tpu.dma_semaphore, #tpu.memory_space<semaphore_mem>> -> memref<!tpu.dma_semaphore, #tpu.memory_space<semaphore_mem>>
      tpu.wait_indirect_dma semaphore(%dma_wait3A_249 : memref<!tpu.dma_semaphore, #tpu.memory_space<semaphore_mem>>) src(%dma_wait3A_247 : memref<10000x128xf32, #tpu.memory_space<hbm>>) dst(%dma_wait3A_243 : memref<96x128xf32, #tpu.memory_space<vmem>>)
      %run_scoped3A_250 = arith.constant 0 : i32
      %run_scoped3A_251 = arith.constant 0 : i32
      "tpu.region"() ({
        %run_scoped3A_389 = tpu.sem_alloc : memref<!tpu.dma_semaphore, #tpu.memory_space<semaphore_mem>>
        %dma_start3A_390 = arith.constant 0 : i32
        %dma_start3A_391 = arith.constant 0 : i32
        %dma_start3A_392 = tpu.memref_slice %arg9[%run_scoped3A_250, %dma_start3A_390, %dma_start3A_391] : memref<3x96x128xf32, #tpu.memory_space<vmem>> -> memref<1x96x128xf32, #tpu.memory_space<vmem>>
        %dma_start3A_393 = tpu.memref_squeeze %dma_start3A_392 : memref<1x96x128xf32, #tpu.memory_space<vmem>> -> memref<96x128xf32, #tpu.memory_space<vmem>>
        %dma_start3A_394 = arith.constant 0 : i32
        %dma_start3A_395 = tpu.memref_slice %arg8[%run_scoped3A_251, %dma_start3A_394] : memref<3x96xi32, #tpu.memory_space<vmem>> -> memref<1x96xi32, #tpu.memory_space<vmem>>
        %dma_start3A_396 = tpu.memref_squeeze %dma_start3A_395 : memref<1x96xi32, #tpu.memory_space<vmem>> -> memref<96xi32, #tpu.memory_space<vmem>>
        %dma_start3A_397 = arith.constant 0 : i32
        %dma_start3A_398 = arith.constant 0 : i32
        %dma_start3A_399 = tpu.memref_slice %arg12[%dma_start3A_397, %dma_start3A_398] : memref<10000x128xf32, #tpu.memory_space<vmem_shared>> -> memref<10000x128xf32, #tpu.memory_space<vmem_shared>>
        tpu.enqueue_indirect_dma source(%dma_start3A_393 : memref<96x128xf32, #tpu.memory_space<vmem>>) target(%dma_start3A_399 : memref<10000x128xf32, #tpu.memory_space<vmem_shared>>) offsets(%dma_start3A_396 : memref<96xi32, #tpu.memory_space<vmem>>) semaphore(%run_scoped3A_389 : memref<!tpu.dma_semaphore, #tpu.memory_space<semaphore_mem>>) {add = true}
        %dma_wait3A_400 = arith.constant 0 : i32
        %dma_wait3A_401 = arith.constant 0 : i32
        %dma_wait3A_402 = tpu.memref_slice %arg9[%run_scoped3A_250, %dma_wait3A_400, %dma_wait3A_401] : memref<3x96x128xf32, #tpu.memory_space<vmem>> -> memref<1x96x128xf32, #tpu.memory_space<vmem>>
        %dma_wait3A_403 = tpu.memref_squeeze %dma_wait3A_402 : memref<1x96x128xf32, #tpu.memory_space<vmem>> -> memref<96x128xf32, #tpu.memory_space<vmem>>
        %dma_wait3A_404 = arith.constant 0 : i32
        %dma_wait3A_405 = tpu.memref_slice %arg8[%run_scoped3A_251, %dma_wait3A_404] : memref<3x96xi32, #tpu.memory_space<vmem>> -> memref<1x96xi32, #tpu.memory_space<vmem>>
        %dma_wait3A_406 = tpu.memref_squeeze %dma_wait3A_405 : memref<1x96xi32, #tpu.memory_space<vmem>> -> memref<96xi32, #tpu.memory_space<vmem>>
        %dma_wait3A_407 = arith.constant 0 : i32
        %dma_wait3A_408 = arith.constant 0 : i32
        %dma_wait3A_409 = tpu.memref_slice %arg12[%dma_wait3A_407, %dma_wait3A_408] : memref<10000x128xf32, #tpu.memory_space<vmem_shared>> -> memref<10000x128xf32, #tpu.memory_space<vmem_shared>>
        tpu.wait_indirect_dma semaphore(%run_scoped3A_389 : memref<!tpu.dma_semaphore, #tpu.memory_space<semaphore_mem>>) src(%dma_wait3A_403 : memref<96x128xf32, #tpu.memory_space<vmem>>) dst(%dma_wait3A_409 : memref<10000x128xf32, #tpu.memory_space<vmem_shared>>)
        tpu.yield
      }) : () -> ()
      %add3A_252 = arith.constant 1 : i32
      %add3A_253 = arith.addi %mul3A_184, %add3A_252 : i32
      %add3A_254 = arith.constant 3 : i32
      %add3A_255 = arith.addi %add3A_253, %add3A_254 : i32
      %sub3A_256 = arith.constant 1 : i32
      %sub3A_257 = arith.subi %add3A_255, %sub3A_256 : i32
      %mul3A_258 = arith.constant 96 : i32
      %mul3A_259 = arith.muli %sub3A_257, %mul3A_258 : i32
      %add3A_260 = arith.addi %mul3A_11, %mul3A_259 : i32
      %dma_start3A_261 = arith.constant 0 : i32
      %dma_start3A_262 = arith.constant 0 : i32
      %dma_start3A_263 = arith.constant 0 : i32
      %dma_start3A_264 = tpu.memref_slice %arg8[%dma_start3A_261, %dma_start3A_263] : memref<3x96xi32, #tpu.memory_space<vmem>> -> memref<1x96xi32, #tpu.memory_space<vmem>>
      %dma_start3A_265 = tpu.memref_squeeze %dma_start3A_264 : memref<1x96xi32, #tpu.memory_space<vmem>> -> memref<96xi32, #tpu.memory_space<vmem>>
      %dma_start3A_266 = tpu.memref_slice %arg3[%add3A_260] : memref<320000xi32, #tpu.memory_space<hbm>> -> memref<96xi32, #tpu.memory_space<hbm>>
      %dma_start3A_267 = tpu.memref_slice %arg14[%dma_start3A_262] : memref<3x!tpu.dma_semaphore, #tpu.memory_space<semaphore_mem>> -> memref<1x!tpu.dma_semaphore, #tpu.memory_space<semaphore_mem>>
      %dma_start3A_268 = tpu.memref_squeeze %dma_start3A_267 : memref<1x!tpu.dma_semaphore, #tpu.memory_space<semaphore_mem>> -> memref<!tpu.dma_semaphore, #tpu.memory_space<semaphore_mem>>
      %dma_start3A_269 = arith.constant 0 : i32
      %dma_start3A_270 = tpu.memref_slice %arg8[%dma_start3A_261, %dma_start3A_269] : memref<3x96xi32, #tpu.memory_space<vmem>> -> memref<1x96xi32, #tpu.memory_space<vmem>>
      %dma_start3A_271 = tpu.memref_squeeze %dma_start3A_270 : memref<1x96xi32, #tpu.memory_space<vmem>> -> memref<96xi32, #tpu.memory_space<vmem>>
      %dma_start3A_272 = tpu.memref_slice %arg3[%add3A_260] : memref<320000xi32, #tpu.memory_space<hbm>> -> memref<96xi32, #tpu.memory_space<hbm>>
      tpu.enqueue_dma source(%dma_start3A_272 : memref<96xi32, #tpu.memory_space<hbm>>) target(%dma_start3A_271 : memref<96xi32, #tpu.memory_space<vmem>>) target_semaphore(%dma_start3A_268 : memref<!tpu.dma_semaphore, #tpu.memory_space<semaphore_mem>>)
      %mul3A_273 = arith.constant 96 : i32
      %mul3A_274 = arith.muli %sub3A_257, %mul3A_273 : i32
      %dma_start3A_275 = arith.constant 0 : i32
      %dma_start3A_276 = arith.constant 0 : i32
      %dma_start3A_277 = arith.constant 0 : i32
      %dma_start3A_278 = arith.constant 0 : i32
      %dma_start3A_279 = tpu.memref_slice %arg9[%dma_start3A_275, %dma_start3A_277, %dma_start3A_278] : memref<3x96x128xf32, #tpu.memory_space<vmem>> -> memref<1x96x128xf32, #tpu.memory_space<vmem>>
      %dma_start3A_280 = tpu.memref_squeeze %dma_start3A_279 : memref<1x96x128xf32, #tpu.memory_space<vmem>> -> memref<96x128xf32, #tpu.memory_space<vmem>>
      %dma_start3A_281 = tpu.memref_slice %arg7[%mul3A_274] : memref<10000xi32, #tpu.memory_space<vmem>> -> memref<96xi32, #tpu.memory_space<vmem>>
      %dma_start3A_282 = arith.constant 0 : i32
      %dma_start3A_283 = arith.constant 0 : i32
      %dma_start3A_284 = tpu.memref_slice %arg5[%dma_start3A_282, %dma_start3A_283] : memref<10000x128xf32, #tpu.memory_space<hbm>> -> memref<10000x128xf32, #tpu.memory_space<hbm>>
      %dma_start3A_285 = tpu.memref_slice %arg13[%dma_start3A_276] : memref<3x!tpu.dma_semaphore, #tpu.memory_space<semaphore_mem>> -> memref<1x!tpu.dma_semaphore, #tpu.memory_space<semaphore_mem>>
      %dma_start3A_286 = tpu.memref_squeeze %dma_start3A_285 : memref<1x!tpu.dma_semaphore, #tpu.memory_space<semaphore_mem>> -> memref<!tpu.dma_semaphore, #tpu.memory_space<semaphore_mem>>
      tpu.enqueue_indirect_dma source(%dma_start3A_284 : memref<10000x128xf32, #tpu.memory_space<hbm>>) target(%dma_start3A_280 : memref<96x128xf32, #tpu.memory_space<vmem>>) offsets(%dma_start3A_281 : memref<96xi32, #tpu.memory_space<vmem>>) semaphore(%dma_start3A_286 : memref<!tpu.dma_semaphore, #tpu.memory_space<semaphore_mem>>)
      %add3A_287 = arith.constant 1 : i32
      %add3A_288 = arith.addi %mul3A_184, %add3A_287 : i32
      %mul3A_289 = arith.constant 96 : i32
      %mul3A_290 = arith.muli %add3A_288, %mul3A_289 : i32
      %add3A_291 = arith.addi %mul3A_11, %mul3A_290 : i32
      %dma_wait3A_292 = arith.constant 1 : i32
      %dma_wait3A_293 = arith.constant 1 : i32
      %dma_wait3A_294 = arith.constant 0 : i32
      %dma_wait3A_295 = tpu.memref_slice %arg8[%dma_wait3A_292, %dma_wait3A_294] : memref<3x96xi32, #tpu.memory_space<vmem>> -> memref<1x96xi32, #tpu.memory_space<vmem>>
      %dma_wait3A_296 = tpu.memref_squeeze %dma_wait3A_295 : memref<1x96xi32, #tpu.memory_space<vmem>> -> memref<96xi32, #tpu.memory_space<vmem>>
      %dma_wait3A_297 = tpu.memref_slice %arg3[%add3A_291] : memref<320000xi32, #tpu.memory_space<hbm>> -> memref<96xi32, #tpu.memory_space<hbm>>
      %dma_wait3A_298 = tpu.memref_slice %arg14[%dma_wait3A_293] : memref<3x!tpu.dma_semaphore, #tpu.memory_space<semaphore_mem>> -> memref<1x!tpu.dma_semaphore, #tpu.memory_space<semaphore_mem>>
      %dma_wait3A_299 = tpu.memref_squeeze %dma_wait3A_298 : memref<1x!tpu.dma_semaphore, #tpu.memory_space<semaphore_mem>> -> memref<!tpu.dma_semaphore, #tpu.memory_space<semaphore_mem>>
      %dma_wait3A_300 = arith.constant 0 : i32
      %dma_wait3A_301 = tpu.memref_slice %arg8[%dma_wait3A_292, %dma_wait3A_300] : memref<3x96xi32, #tpu.memory_space<vmem>> -> memref<1x96xi32, #tpu.memory_space<vmem>>
      %dma_wait3A_302 = tpu.memref_squeeze %dma_wait3A_301 : memref<1x96xi32, #tpu.memory_space<vmem>> -> memref<96xi32, #tpu.memory_space<vmem>>
      %dma_wait3A_303 = tpu.memref_slice %arg3[%add3A_291] : memref<320000xi32, #tpu.memory_space<hbm>> -> memref<96xi32, #tpu.memory_space<hbm>>
      tpu.wait_dma2 semaphore(%dma_wait3A_299 : memref<!tpu.dma_semaphore, #tpu.memory_space<semaphore_mem>>) src(%dma_wait3A_303 : memref<96xi32, #tpu.memory_space<hbm>>) dst(%dma_wait3A_302 : memref<96xi32, #tpu.memory_space<vmem>>)
      %mul3A_304 = arith.constant 96 : i32
      %mul3A_305 = arith.muli %add3A_288, %mul3A_304 : i32
      %dma_wait3A_306 = arith.constant 1 : i32
      %dma_wait3A_307 = arith.constant 1 : i32
      %dma_wait3A_308 = arith.constant 0 : i32
      %dma_wait3A_309 = arith.constant 0 : i32
      %dma_wait3A_310 = tpu.memref_slice %arg9[%dma_wait3A_306, %dma_wait3A_308, %dma_wait3A_309] : memref<3x96x128xf32, #tpu.memory_space<vmem>> -> memref<1x96x128xf32, #tpu.memory_space<vmem>>
      %dma_wait3A_311 = tpu.memref_squeeze %dma_wait3A_310 : memref<1x96x128xf32, #tpu.memory_space<vmem>> -> memref<96x128xf32, #tpu.memory_space<vmem>>
      %dma_wait3A_312 = tpu.memref_slice %arg7[%mul3A_305] : memref<10000xi32, #tpu.memory_space<vmem>> -> memref<96xi32, #tpu.memory_space<vmem>>
      %dma_wait3A_313 = arith.constant 0 : i32
      %dma_wait3A_314 = arith.constant 0 : i32
      %dma_wait3A_315 = tpu.memref_slice %arg5[%dma_wait3A_313, %dma_wait3A_314] : memref<10000x128xf32, #tpu.memory_space<hbm>> -> memref<10000x128xf32, #tpu.memory_space<hbm>>
      %dma_wait3A_316 = tpu.memref_slice %arg13[%dma_wait3A_307] : memref<3x!tpu.dma_semaphore, #tpu.memory_space<semaphore_mem>> -> memref<1x!tpu.dma_semaphore, #tpu.memory_space<semaphore_mem>>
      %dma_wait3A_317 = tpu.memref_squeeze %dma_wait3A_316 : memref<1x!tpu.dma_semaphore, #tpu.memory_space<semaphore_mem>> -> memref<!tpu.dma_semaphore, #tpu.memory_space<semaphore_mem>>
      tpu.wait_indirect_dma semaphore(%dma_wait3A_317 : memref<!tpu.dma_semaphore, #tpu.memory_space<semaphore_mem>>) src(%dma_wait3A_315 : memref<10000x128xf32, #tpu.memory_space<hbm>>) dst(%dma_wait3A_311 : memref<96x128xf32, #tpu.memory_space<vmem>>)
      %run_scoped3A_318 = arith.constant 1 : i32
      %run_scoped3A_319 = arith.constant 1 : i32
      "tpu.region"() ({
        %run_scoped3A_389 = tpu.sem_alloc : memref<!tpu.dma_semaphore, #tpu.memory_space<semaphore_mem>>
        %dma_start3A_390 = arith.constant 0 : i32
        %dma_start3A_391 = arith.constant 0 : i32
        %dma_start3A_392 = tpu.memref_slice %arg9[%run_scoped3A_318, %dma_start3A_390, %dma_start3A_391] : memref<3x96x128xf32, #tpu.memory_space<vmem>> -> memref<1x96x128xf32, #tpu.memory_space<vmem>>
        %dma_start3A_393 = tpu.memref_squeeze %dma_start3A_392 : memref<1x96x128xf32, #tpu.memory_space<vmem>> -> memref<96x128xf32, #tpu.memory_space<vmem>>
        %dma_start3A_394 = arith.constant 0 : i32
        %dma_start3A_395 = tpu.memref_slice %arg8[%run_scoped3A_319, %dma_start3A_394] : memref<3x96xi32, #tpu.memory_space<vmem>> -> memref<1x96xi32, #tpu.memory_space<vmem>>
        %dma_start3A_396 = tpu.memref_squeeze %dma_start3A_395 : memref<1x96xi32, #tpu.memory_space<vmem>> -> memref<96xi32, #tpu.memory_space<vmem>>
        %dma_start3A_397 = arith.constant 0 : i32
        %dma_start3A_398 = arith.constant 0 : i32
        %dma_start3A_399 = tpu.memref_slice %arg12[%dma_start3A_397, %dma_start3A_398] : memref<10000x128xf32, #tpu.memory_space<vmem_shared>> -> memref<10000x128xf32, #tpu.memory_space<vmem_shared>>
        tpu.enqueue_indirect_dma source(%dma_start3A_393 : memref<96x128xf32, #tpu.memory_space<vmem>>) target(%dma_start3A_399 : memref<10000x128xf32, #tpu.memory_space<vmem_shared>>) offsets(%dma_start3A_396 : memref<96xi32, #tpu.memory_space<vmem>>) semaphore(%run_scoped3A_389 : memref<!tpu.dma_semaphore, #tpu.memory_space<semaphore_mem>>) {add = true}
        %dma_wait3A_400 = arith.constant 0 : i32
        %dma_wait3A_401 = arith.constant 0 : i32
        %dma_wait3A_402 = tpu.memref_slice %arg9[%run_scoped3A_318, %dma_wait3A_400, %dma_wait3A_401] : memref<3x96x128xf32, #tpu.memory_space<vmem>> -> memref<1x96x128xf32, #tpu.memory_space<vmem>>
        %dma_wait3A_403 = tpu.memref_squeeze %dma_wait3A_402 : memref<1x96x128xf32, #tpu.memory_space<vmem>> -> memref<96x128xf32, #tpu.memory_space<vmem>>
        %dma_wait3A_404 = arith.constant 0 : i32
        %dma_wait3A_405 = tpu.memref_slice %arg8[%run_scoped3A_319, %dma_wait3A_404] : memref<3x96xi32, #tpu.memory_space<vmem>> -> memref<1x96xi32, #tpu.memory_space<vmem>>
        %dma_wait3A_406 = tpu.memref_squeeze %dma_wait3A_405 : memref<1x96xi32, #tpu.memory_space<vmem>> -> memref<96xi32, #tpu.memory_space<vmem>>
        %dma_wait3A_407 = arith.constant 0 : i32
        %dma_wait3A_408 = arith.constant 0 : i32
        %dma_wait3A_409 = tpu.memref_slice %arg12[%dma_wait3A_407, %dma_wait3A_408] : memref<10000x128xf32, #tpu.memory_space<vmem_shared>> -> memref<10000x128xf32, #tpu.memory_space<vmem_shared>>
        tpu.wait_indirect_dma semaphore(%run_scoped3A_389 : memref<!tpu.dma_semaphore, #tpu.memory_space<semaphore_mem>>) src(%dma_wait3A_403 : memref<96x128xf32, #tpu.memory_space<vmem>>) dst(%dma_wait3A_409 : memref<10000x128xf32, #tpu.memory_space<vmem_shared>>)
        tpu.yield
      }) : () -> ()
      %add3A_320 = arith.constant 2 : i32
      %add3A_321 = arith.addi %mul3A_184, %add3A_320 : i32
      %add3A_322 = arith.constant 3 : i32
      %add3A_323 = arith.addi %add3A_321, %add3A_322 : i32
      %sub3A_324 = arith.constant 1 : i32
      %sub3A_325 = arith.subi %add3A_323, %sub3A_324 : i32
      %mul3A_326 = arith.constant 96 : i32
      %mul3A_327 = arith.muli %sub3A_325, %mul3A_326 : i32
      %add3A_328 = arith.addi %mul3A_11, %mul3A_327 : i32
      %dma_start3A_329 = arith.constant 1 : i32
      %dma_start3A_330 = arith.constant 1 : i32
      %dma_start3A_331 = arith.constant 0 : i32
      %dma_start3A_332 = tpu.memref_slice %arg8[%dma_start3A_329, %dma_start3A_331] : memref<3x96xi32, #tpu.memory_space<vmem>> -> memref<1x96xi32, #tpu.memory_space<vmem>>
      %dma_start3A_333 = tpu.memref_squeeze %dma_start3A_332 : memref<1x96xi32, #tpu.memory_space<vmem>> -> memref<96xi32, #tpu.memory_space<vmem>>
      %dma_start3A_334 = tpu.memref_slice %arg3[%add3A_328] : memref<320000xi32, #tpu.memory_space<hbm>> -> memref<96xi32, #tpu.memory_space<hbm>>
      %dma_start3A_335 = tpu.memref_slice %arg14[%dma_start3A_330] : memref<3x!tpu.dma_semaphore, #tpu.memory_space<semaphore_mem>> -> memref<1x!tpu.dma_semaphore, #tpu.memory_space<semaphore_mem>>
      %dma_start3A_336 = tpu.memref_squeeze %dma_start3A_335 : memref<1x!tpu.dma_semaphore, #tpu.memory_space<semaphore_mem>> -> memref<!tpu.dma_semaphore, #tpu.memory_space<semaphore_mem>>
      %dma_start3A_337 = arith.constant 0 : i32
      %dma_start3A_338 = tpu.memref_slice %arg8[%dma_start3A_329, %dma_start3A_337] : memref<3x96xi32, #tpu.memory_space<vmem>> -> memref<1x96xi32, #tpu.memory_space<vmem>>
      %dma_start3A_339 = tpu.memref_squeeze %dma_start3A_338 : memref<1x96xi32, #tpu.memory_space<vmem>> -> memref<96xi32, #tpu.memory_space<vmem>>
      %dma_start3A_340 = tpu.memref_slice %arg3[%add3A_328] : memref<320000xi32, #tpu.memory_space<hbm>> -> memref<96xi32, #tpu.memory_space<hbm>>
      tpu.enqueue_dma source(%dma_start3A_340 : memref<96xi32, #tpu.memory_space<hbm>>) target(%dma_start3A_339 : memref<96xi32, #tpu.memory_space<vmem>>) target_semaphore(%dma_start3A_336 : memref<!tpu.dma_semaphore, #tpu.memory_space<semaphore_mem>>)
      %mul3A_341 = arith.constant 96 : i32
      %mul3A_342 = arith.muli %sub3A_325, %mul3A_341 : i32
      %dma_start3A_343 = arith.constant 1 : i32
      %dma_start3A_344 = arith.constant 1 : i32
      %dma_start3A_345 = arith.constant 0 : i32
      %dma_start3A_346 = arith.constant 0 : i32
      %dma_start3A_347 = tpu.memref_slice %arg9[%dma_start3A_343, %dma_start3A_345, %dma_start3A_346] : memref<3x96x128xf32, #tpu.memory_space<vmem>> -> memref<1x96x128xf32, #tpu.memory_space<vmem>>
      %dma_start3A_348 = tpu.memref_squeeze %dma_start3A_347 : memref<1x96x128xf32, #tpu.memory_space<vmem>> -> memref<96x128xf32, #tpu.memory_space<vmem>>
      %dma_start3A_349 = tpu.memref_slice %arg7[%mul3A_342] : memref<10000xi32, #tpu.memory_space<vmem>> -> memref<96xi32, #tpu.memory_space<vmem>>
      %dma_start3A_350 = arith.constant 0 : i32
      %dma_start3A_351 = arith.constant 0 : i32
      %dma_start3A_352 = tpu.memref_slice %arg5[%dma_start3A_350, %dma_start3A_351] : memref<10000x128xf32, #tpu.memory_space<hbm>> -> memref<10000x128xf32, #tpu.memory_space<hbm>>
      %dma_start3A_353 = tpu.memref_slice %arg13[%dma_start3A_344] : memref<3x!tpu.dma_semaphore, #tpu.memory_space<semaphore_mem>> -> memref<1x!tpu.dma_semaphore, #tpu.memory_space<semaphore_mem>>
      %dma_start3A_354 = tpu.memref_squeeze %dma_start3A_353 : memref<1x!tpu.dma_semaphore, #tpu.memory_space<semaphore_mem>> -> memref<!tpu.dma_semaphore, #tpu.memory_space<semaphore_mem>>
      tpu.enqueue_indirect_dma source(%dma_start3A_352 : memref<10000x128xf32, #tpu.memory_space<hbm>>) target(%dma_start3A_348 : memref<96x128xf32, #tpu.memory_space<vmem>>) offsets(%dma_start3A_349 : memref<96xi32, #tpu.memory_space<vmem>>) semaphore(%dma_start3A_354 : memref<!tpu.dma_semaphore, #tpu.memory_space<semaphore_mem>>)
      %add3A_355 = arith.constant 2 : i32
      %add3A_356 = arith.addi %mul3A_184, %add3A_355 : i32
      %mul3A_357 = arith.constant 96 : i32
      %mul3A_358 = arith.muli %add3A_356, %mul3A_357 : i32
      %add3A_359 = arith.addi %mul3A_11, %mul3A_358 : i32
      %dma_wait3A_360 = arith.constant 2 : i32
      %dma_wait3A_361 = arith.constant 2 : i32
      %dma_wait3A_362 = arith.constant 0 : i32
      %dma_wait3A_363 = tpu.memref_slice %arg8[%dma_wait3A_360, %dma_wait3A_362] : memref<3x96xi32, #tpu.memory_space<vmem>> -> memref<1x96xi32, #tpu.memory_space<vmem>>
      %dma_wait3A_364 = tpu.memref_squeeze %dma_wait3A_363 : memref<1x96xi32, #tpu.memory_space<vmem>> -> memref<96xi32, #tpu.memory_space<vmem>>
      %dma_wait3A_365 = tpu.memref_slice %arg3[%add3A_359] : memref<320000xi32, #tpu.memory_space<hbm>> -> memref<96xi32, #tpu.memory_space<hbm>>
      %dma_wait3A_366 = tpu.memref_slice %arg14[%dma_wait3A_361] : memref<3x!tpu.dma_semaphore, #tpu.memory_space<semaphore_mem>> -> memref<1x!tpu.dma_semaphore, #tpu.memory_space<semaphore_mem>>
      %dma_wait3A_367 = tpu.memref_squeeze %dma_wait3A_366 : memref<1x!tpu.dma_semaphore, #tpu.memory_space<semaphore_mem>> -> memref<!tpu.dma_semaphore, #tpu.memory_space<semaphore_mem>>
      %dma_wait3A_368 = arith.constant 0 : i32
      %dma_wait3A_369 = tpu.memref_slice %arg8[%dma_wait3A_360, %dma_wait3A_368] : memref<3x96xi32, #tpu.memory_space<vmem>> -> memref<1x96xi32, #tpu.memory_space<vmem>>
      %dma_wait3A_370 = tpu.memref_squeeze %dma_wait3A_369 : memref<1x96xi32, #tpu.memory_space<vmem>> -> memref<96xi32, #tpu.memory_space<vmem>>
      %dma_wait3A_371 = tpu.memref_slice %arg3[%add3A_359] : memref<320000xi32, #tpu.memory_space<hbm>> -> memref<96xi32, #tpu.memory_space<hbm>>
      tpu.wait_dma2 semaphore(%dma_wait3A_367 : memref<!tpu.dma_semaphore, #tpu.memory_space<semaphore_mem>>) src(%dma_wait3A_371 : memref<96xi32, #tpu.memory_space<hbm>>) dst(%dma_wait3A_370 : memref<96xi32, #tpu.memory_space<vmem>>)
      %mul3A_372 = arith.constant 96 : i32
      %mul3A_373 = arith.muli %add3A_356, %mul3A_372 : i32
      %dma_wait3A_374 = arith.constant 2 : i32
      %dma_wait3A_375 = arith.constant 2 : i32
      %dma_wait3A_376 = arith.constant 0 : i32
      %dma_wait3A_377 = arith.constant 0 : i32
      %dma_wait3A_378 = tpu.memref_slice %arg9[%dma_wait3A_374, %dma_wait3A_376, %dma_wait3A_377] : memref<3x96x128xf32, #tpu.memory_space<vmem>> -> memref<1x96x128xf32, #tpu.memory_space<vmem>>
      %dma_wait3A_379 = tpu.memref_squeeze %dma_wait3A_378 : memref<1x96x128xf32, #tpu.memory_space<vmem>> -> memref<96x128xf32, #tpu.memory_space<vmem>>
      %dma_wait3A_380 = tpu.memref_slice %arg7[%mul3A_373] : memref<10000xi32, #tpu.memory_space<vmem>> -> memref<96xi32, #tpu.memory_space<vmem>>
      %dma_wait3A_381 = arith.constant 0 : i32
      %dma_wait3A_382 = arith.constant 0 : i32
      %dma_wait3A_383 = tpu.memref_slice %arg5[%dma_wait3A_381, %dma_wait3A_382] : memref<10000x128xf32, #tpu.memory_space<hbm>> -> memref<10000x128xf32, #tpu.memory_space<hbm>>
      %dma_wait3A_384 = tpu.memref_slice %arg13[%dma_wait3A_375] : memref<3x!tpu.dma_semaphore, #tpu.memory_space<semaphore_mem>> -> memref<1x!tpu.dma_semaphore, #tpu.memory_space<semaphore_mem>>
      %dma_wait3A_385 = tpu.memref_squeeze %dma_wait3A_384 : memref<1x!tpu.dma_semaphore, #tpu.memory_space<semaphore_mem>> -> memref<!tpu.dma_semaphore, #tpu.memory_space<semaphore_mem>>
      tpu.wait_indirect_dma semaphore(%dma_wait3A_385 : memref<!tpu.dma_semaphore, #tpu.memory_space<semaphore_mem>>) src(%dma_wait3A_383 : memref<10000x128xf32, #tpu.memory_space<hbm>>) dst(%dma_wait3A_379 : memref<96x128xf32, #tpu.memory_space<vmem>>)
      %run_scoped3A_386 = arith.constant 2 : i32
      %run_scoped3A_387 = arith.constant 2 : i32
      "tpu.region"() ({
        %run_scoped3A_389 = tpu.sem_alloc : memref<!tpu.dma_semaphore, #tpu.memory_space<semaphore_mem>>
        %dma_start3A_390 = arith.constant 0 : i32
        %dma_start3A_391 = arith.constant 0 : i32
        %dma_start3A_392 = tpu.memref_slice %arg9[%run_scoped3A_386, %dma_start3A_390, %dma_start3A_391] : memref<3x96x128xf32, #tpu.memory_space<vmem>> -> memref<1x96x128xf32, #tpu.memory_space<vmem>>
        %dma_start3A_393 = tpu.memref_squeeze %dma_start3A_392 : memref<1x96x128xf32, #tpu.memory_space<vmem>> -> memref<96x128xf32, #tpu.memory_space<vmem>>
        %dma_start3A_394 = arith.constant 0 : i32
        %dma_start3A_395 = tpu.memref_slice %arg8[%run_scoped3A_387, %dma_start3A_394] : memref<3x96xi32, #tpu.memory_space<vmem>> -> memref<1x96xi32, #tpu.memory_space<vmem>>
        %dma_start3A_396 = tpu.memref_squeeze %dma_start3A_395 : memref<1x96xi32, #tpu.memory_space<vmem>> -> memref<96xi32, #tpu.memory_space<vmem>>
        %dma_start3A_397 = arith.constant 0 : i32
        %dma_start3A_398 = arith.constant 0 : i32
        %dma_start3A_399 = tpu.memref_slice %arg12[%dma_start3A_397, %dma_start3A_398] : memref<10000x128xf32, #tpu.memory_space<vmem_shared>> -> memref<10000x128xf32, #tpu.memory_space<vmem_shared>>
        tpu.enqueue_indirect_dma source(%dma_start3A_393 : memref<96x128xf32, #tpu.memory_space<vmem>>) target(%dma_start3A_399 : memref<10000x128xf32, #tpu.memory_space<vmem_shared>>) offsets(%dma_start3A_396 : memref<96xi32, #tpu.memory_space<vmem>>) semaphore(%run_scoped3A_389 : memref<!tpu.dma_semaphore, #tpu.memory_space<semaphore_mem>>) {add = true}
        %dma_wait3A_400 = arith.constant 0 : i32
        %dma_wait3A_401 = arith.constant 0 : i32
        %dma_wait3A_402 = tpu.memref_slice %arg9[%run_scoped3A_386, %dma_wait3A_400, %dma_wait3A_401] : memref<3x96x128xf32, #tpu.memory_space<vmem>> -> memref<1x96x128xf32, #tpu.memory_space<vmem>>
        %dma_wait3A_403 = tpu.memref_squeeze %dma_wait3A_402 : memref<1x96x128xf32, #tpu.memory_space<vmem>> -> memref<96x128xf32, #tpu.memory_space<vmem>>
        %dma_wait3A_404 = arith.constant 0 : i32
        %dma_wait3A_405 = tpu.memref_slice %arg8[%run_scoped3A_387, %dma_wait3A_404] : memref<3x96xi32, #tpu.memory_space<vmem>> -> memref<1x96xi32, #tpu.memory_space<vmem>>
        %dma_wait3A_406 = tpu.memref_squeeze %dma_wait3A_405 : memref<1x96xi32, #tpu.memory_space<vmem>> -> memref<96xi32, #tpu.memory_space<vmem>>
        %dma_wait3A_407 = arith.constant 0 : i32
        %dma_wait3A_408 = arith.constant 0 : i32
        %dma_wait3A_409 = tpu.memref_slice %arg12[%dma_wait3A_407, %dma_wait3A_408] : memref<10000x128xf32, #tpu.memory_space<vmem_shared>> -> memref<10000x128xf32, #tpu.memory_space<vmem_shared>>
        tpu.wait_indirect_dma semaphore(%run_scoped3A_389 : memref<!tpu.dma_semaphore, #tpu.memory_space<semaphore_mem>>) src(%dma_wait3A_403 : memref<96x128xf32, #tpu.memory_space<vmem>>) dst(%dma_wait3A_409 : memref<10000x128xf32, #tpu.memory_space<vmem_shared>>)
        tpu.yield
      }) : () -> ()
      %scan3A_388 = arith.constant 0 : i32
      scf.yield %scan3A_388 : i32
    }
    %scan3A_98 = arith.constant 34 : i32
    %add3A_99 = arith.constant 9792 : i32
    %add3A_100 = arith.addi %mul3A_11, %add3A_99 : i32
    %dma_wait3A_101 = arith.constant 0 : i32
    %dma_wait3A_102 = arith.constant 0 : i32
    %dma_wait3A_103 = arith.constant 0 : i32
    %dma_wait3A_104 = tpu.memref_slice %arg8[%dma_wait3A_101, %dma_wait3A_103] : memref<3x96xi32, #tpu.memory_space<vmem>> -> memref<1x96xi32, #tpu.memory_space<vmem>>
    %dma_wait3A_105 = tpu.memref_squeeze %dma_wait3A_104 : memref<1x96xi32, #tpu.memory_space<vmem>> -> memref<96xi32, #tpu.memory_space<vmem>>
    %dma_wait3A_106 = tpu.memref_slice %arg3[%add3A_100] : memref<320000xi32, #tpu.memory_space<hbm>> -> memref<96xi32, #tpu.memory_space<hbm>>
    %dma_wait3A_107 = tpu.memref_slice %arg14[%dma_wait3A_102] : memref<3x!tpu.dma_semaphore, #tpu.memory_space<semaphore_mem>> -> memref<1x!tpu.dma_semaphore, #tpu.memory_space<semaphore_mem>>
    %dma_wait3A_108 = tpu.memref_squeeze %dma_wait3A_107 : memref<1x!tpu.dma_semaphore, #tpu.memory_space<semaphore_mem>> -> memref<!tpu.dma_semaphore, #tpu.memory_space<semaphore_mem>>
    %dma_wait3A_109 = arith.constant 0 : i32
    %dma_wait3A_110 = tpu.memref_slice %arg8[%dma_wait3A_101, %dma_wait3A_109] : memref<3x96xi32, #tpu.memory_space<vmem>> -> memref<1x96xi32, #tpu.memory_space<vmem>>
    %dma_wait3A_111 = tpu.memref_squeeze %dma_wait3A_110 : memref<1x96xi32, #tpu.memory_space<vmem>> -> memref<96xi32, #tpu.memory_space<vmem>>
    %dma_wait3A_112 = tpu.memref_slice %arg3[%add3A_100] : memref<320000xi32, #tpu.memory_space<hbm>> -> memref<96xi32, #tpu.memory_space<hbm>>
    tpu.wait_dma2 semaphore(%dma_wait3A_108 : memref<!tpu.dma_semaphore, #tpu.memory_space<semaphore_mem>>) src(%dma_wait3A_112 : memref<96xi32, #tpu.memory_space<hbm>>) dst(%dma_wait3A_111 : memref<96xi32, #tpu.memory_space<vmem>>)
    %dma_wait3A_113 = arith.constant 0 : i32
    %dma_wait3A_114 = arith.constant 0 : i32
    %dma_wait3A_115 = arith.constant 0 : i32
    %dma_wait3A_116 = arith.constant 0 : i32
    %dma_wait3A_117 = tpu.memref_slice %arg9[%dma_wait3A_113, %dma_wait3A_115, %dma_wait3A_116] : memref<3x96x128xf32, #tpu.memory_space<vmem>> -> memref<1x96x128xf32, #tpu.memory_space<vmem>>
    %dma_wait3A_118 = tpu.memref_squeeze %dma_wait3A_117 : memref<1x96x128xf32, #tpu.memory_space<vmem>> -> memref<96x128xf32, #tpu.memory_space<vmem>>
    %dma_wait3A_119 = arith.constant 9792 : i32
    %dma_wait3A_120 = tpu.memref_slice %arg7[%dma_wait3A_119] : memref<10000xi32, #tpu.memory_space<vmem>> -> memref<96xi32, #tpu.memory_space<vmem>>
    %dma_wait3A_121 = arith.constant 0 : i32
    %dma_wait3A_122 = arith.constant 0 : i32
    %dma_wait3A_123 = tpu.memref_slice %arg5[%dma_wait3A_121, %dma_wait3A_122] : memref<10000x128xf32, #tpu.memory_space<hbm>> -> memref<10000x128xf32, #tpu.memory_space<hbm>>
    %dma_wait3A_124 = tpu.memref_slice %arg13[%dma_wait3A_114] : memref<3x!tpu.dma_semaphore, #tpu.memory_space<semaphore_mem>> -> memref<1x!tpu.dma_semaphore, #tpu.memory_space<semaphore_mem>>
    %dma_wait3A_125 = tpu.memref_squeeze %dma_wait3A_124 : memref<1x!tpu.dma_semaphore, #tpu.memory_space<semaphore_mem>> -> memref<!tpu.dma_semaphore, #tpu.memory_space<semaphore_mem>>
    tpu.wait_indirect_dma semaphore(%dma_wait3A_125 : memref<!tpu.dma_semaphore, #tpu.memory_space<semaphore_mem>>) src(%dma_wait3A_123 : memref<10000x128xf32, #tpu.memory_space<hbm>>) dst(%dma_wait3A_118 : memref<96x128xf32, #tpu.memory_space<vmem>>)
    %run_scoped3A = arith.constant 0 : i32
    %run_scoped3A_126 = arith.constant 0 : i32
    "tpu.region"() ({
      %run_scoped3A_181 = tpu.sem_alloc : memref<!tpu.dma_semaphore, #tpu.memory_space<semaphore_mem>>
      %dma_start3A_182 = arith.constant 0 : i32
      %dma_start3A_183 = arith.constant 0 : i32
      %dma_start3A_184 = tpu.memref_slice %arg9[%run_scoped3A, %dma_start3A_182, %dma_start3A_183] : memref<3x96x128xf32, #tpu.memory_space<vmem>> -> memref<1x96x128xf32, #tpu.memory_space<vmem>>
      %dma_start3A_185 = tpu.memref_squeeze %dma_start3A_184 : memref<1x96x128xf32, #tpu.memory_space<vmem>> -> memref<96x128xf32, #tpu.memory_space<vmem>>
      %dma_start3A_186 = arith.constant 0 : i32
      %dma_start3A_187 = tpu.memref_slice %arg8[%run_scoped3A_126, %dma_start3A_186] : memref<3x96xi32, #tpu.memory_space<vmem>> -> memref<1x96xi32, #tpu.memory_space<vmem>>
      %dma_start3A_188 = tpu.memref_squeeze %dma_start3A_187 : memref<1x96xi32, #tpu.memory_space<vmem>> -> memref<96xi32, #tpu.memory_space<vmem>>
      %dma_start3A_189 = arith.constant 0 : i32
      %dma_start3A_190 = arith.constant 0 : i32
      %dma_start3A_191 = tpu.memref_slice %arg12[%dma_start3A_189, %dma_start3A_190] : memref<10000x128xf32, #tpu.memory_space<vmem_shared>> -> memref<10000x128xf32, #tpu.memory_space<vmem_shared>>
      tpu.enqueue_indirect_dma source(%dma_start3A_185 : memref<96x128xf32, #tpu.memory_space<vmem>>) target(%dma_start3A_191 : memref<10000x128xf32, #tpu.memory_space<vmem_shared>>) offsets(%dma_start3A_188 : memref<96xi32, #tpu.memory_space<vmem>>) semaphore(%run_scoped3A_181 : memref<!tpu.dma_semaphore, #tpu.memory_space<semaphore_mem>>) {add = true}
      %dma_wait3A_192 = arith.constant 0 : i32
      %dma_wait3A_193 = arith.constant 0 : i32
      %dma_wait3A_194 = tpu.memref_slice %arg9[%run_scoped3A, %dma_wait3A_192, %dma_wait3A_193] : memref<3x96x128xf32, #tpu.memory_space<vmem>> -> memref<1x96x128xf32, #tpu.memory_space<vmem>>
      %dma_wait3A_195 = tpu.memref_squeeze %dma_wait3A_194 : memref<1x96x128xf32, #tpu.memory_space<vmem>> -> memref<96x128xf32, #tpu.memory_space<vmem>>
      %dma_wait3A_196 = arith.constant 0 : i32
      %dma_wait3A_197 = tpu.memref_slice %arg8[%run_scoped3A_126, %dma_wait3A_196] : memref<3x96xi32, #tpu.memory_space<vmem>> -> memref<1x96xi32, #tpu.memory_space<vmem>>
      %dma_wait3A_198 = tpu.memref_squeeze %dma_wait3A_197 : memref<1x96xi32, #tpu.memory_space<vmem>> -> memref<96xi32, #tpu.memory_space<vmem>>
      %dma_wait3A_199 = arith.constant 0 : i32
      %dma_wait3A_200 = arith.constant 0 : i32
      %dma_wait3A_201 = tpu.memref_slice %arg12[%dma_wait3A_199, %dma_wait3A_200] : memref<10000x128xf32, #tpu.memory_space<vmem_shared>> -> memref<10000x128xf32, #tpu.memory_space<vmem_shared>>
      tpu.wait_indirect_dma semaphore(%run_scoped3A_181 : memref<!tpu.dma_semaphore, #tpu.memory_space<semaphore_mem>>) src(%dma_wait3A_195 : memref<96x128xf32, #tpu.memory_space<vmem>>) dst(%dma_wait3A_201 : memref<10000x128xf32, #tpu.memory_space<vmem_shared>>)
      tpu.yield
    }) : () -> ()
    %add3A_127 = arith.constant 9888 : i32
    %add3A_128 = arith.addi %mul3A_11, %add3A_127 : i32
    %dma_wait3A_129 = arith.constant 1 : i32
    %dma_wait3A_130 = arith.constant 1 : i32
    %dma_wait3A_131 = arith.constant 0 : i32
    %dma_wait3A_132 = tpu.memref_slice %arg8[%dma_wait3A_129, %dma_wait3A_131] : memref<3x96xi32, #tpu.memory_space<vmem>> -> memref<1x96xi32, #tpu.memory_space<vmem>>
    %dma_wait3A_133 = tpu.memref_squeeze %dma_wait3A_132 : memref<1x96xi32, #tpu.memory_space<vmem>> -> memref<96xi32, #tpu.memory_space<vmem>>
    %dma_wait3A_134 = tpu.memref_slice %arg3[%add3A_128] : memref<320000xi32, #tpu.memory_space<hbm>> -> memref<96xi32, #tpu.memory_space<hbm>>
    %dma_wait3A_135 = tpu.memref_slice %arg14[%dma_wait3A_130] : memref<3x!tpu.dma_semaphore, #tpu.memory_space<semaphore_mem>> -> memref<1x!tpu.dma_semaphore, #tpu.memory_space<semaphore_mem>>
    %dma_wait3A_136 = tpu.memref_squeeze %dma_wait3A_135 : memref<1x!tpu.dma_semaphore, #tpu.memory_space<semaphore_mem>> -> memref<!tpu.dma_semaphore, #tpu.memory_space<semaphore_mem>>
    %dma_wait3A_137 = arith.constant 0 : i32
    %dma_wait3A_138 = tpu.memref_slice %arg8[%dma_wait3A_129, %dma_wait3A_137] : memref<3x96xi32, #tpu.memory_space<vmem>> -> memref<1x96xi32, #tpu.memory_space<vmem>>
    %dma_wait3A_139 = tpu.memref_squeeze %dma_wait3A_138 : memref<1x96xi32, #tpu.memory_space<vmem>> -> memref<96xi32, #tpu.memory_space<vmem>>
    %dma_wait3A_140 = tpu.memref_slice %arg3[%add3A_128] : memref<320000xi32, #tpu.memory_space<hbm>> -> memref<96xi32, #tpu.memory_space<hbm>>
    tpu.wait_dma2 semaphore(%dma_wait3A_136 : memref<!tpu.dma_semaphore, #tpu.memory_space<semaphore_mem>>) src(%dma_wait3A_140 : memref<96xi32, #tpu.memory_space<hbm>>) dst(%dma_wait3A_139 : memref<96xi32, #tpu.memory_space<vmem>>)
    %dma_wait3A_141 = arith.constant 1 : i32
    %dma_wait3A_142 = arith.constant 1 : i32
    %dma_wait3A_143 = arith.constant 0 : i32
    %dma_wait3A_144 = arith.constant 0 : i32
    %dma_wait3A_145 = tpu.memref_slice %arg9[%dma_wait3A_141, %dma_wait3A_143, %dma_wait3A_144] : memref<3x96x128xf32, #tpu.memory_space<vmem>> -> memref<1x96x128xf32, #tpu.memory_space<vmem>>
    %dma_wait3A_146 = tpu.memref_squeeze %dma_wait3A_145 : memref<1x96x128xf32, #tpu.memory_space<vmem>> -> memref<96x128xf32, #tpu.memory_space<vmem>>
    %dma_wait3A_147 = arith.constant 9888 : i32
    %dma_wait3A_148 = tpu.memref_slice %arg7[%dma_wait3A_147] : memref<10000xi32, #tpu.memory_space<vmem>> -> memref<96xi32, #tpu.memory_space<vmem>>
    %dma_wait3A_149 = arith.constant 0 : i32
    %dma_wait3A_150 = arith.constant 0 : i32
    %dma_wait3A_151 = tpu.memref_slice %arg5[%dma_wait3A_149, %dma_wait3A_150] : memref<10000x128xf32, #tpu.memory_space<hbm>> -> memref<10000x128xf32, #tpu.memory_space<hbm>>
    %dma_wait3A_152 = tpu.memref_slice %arg13[%dma_wait3A_142] : memref<3x!tpu.dma_semaphore, #tpu.memory_space<semaphore_mem>> -> memref<1x!tpu.dma_semaphore, #tpu.memory_space<semaphore_mem>>
    %dma_wait3A_153 = tpu.memref_squeeze %dma_wait3A_152 : memref<1x!tpu.dma_semaphore, #tpu.memory_space<semaphore_mem>> -> memref<!tpu.dma_semaphore, #tpu.memory_space<semaphore_mem>>
    tpu.wait_indirect_dma semaphore(%dma_wait3A_153 : memref<!tpu.dma_semaphore, #tpu.memory_space<semaphore_mem>>) src(%dma_wait3A_151 : memref<10000x128xf32, #tpu.memory_space<hbm>>) dst(%dma_wait3A_146 : memref<96x128xf32, #tpu.memory_space<vmem>>)
    %run_scoped3A_154 = arith.constant 1 : i32
    %run_scoped3A_155 = arith.constant 1 : i32
    "tpu.region"() ({
      %run_scoped3A_181 = tpu.sem_alloc : memref<!tpu.dma_semaphore, #tpu.memory_space<semaphore_mem>>
      %dma_start3A_182 = arith.constant 0 : i32
      %dma_start3A_183 = arith.constant 0 : i32
      %dma_start3A_184 = tpu.memref_slice %arg9[%run_scoped3A_154, %dma_start3A_182, %dma_start3A_183] : memref<3x96x128xf32, #tpu.memory_space<vmem>> -> memref<1x96x128xf32, #tpu.memory_space<vmem>>
      %dma_start3A_185 = tpu.memref_squeeze %dma_start3A_184 : memref<1x96x128xf32, #tpu.memory_space<vmem>> -> memref<96x128xf32, #tpu.memory_space<vmem>>
      %dma_start3A_186 = arith.constant 0 : i32
      %dma_start3A_187 = tpu.memref_slice %arg8[%run_scoped3A_155, %dma_start3A_186] : memref<3x96xi32, #tpu.memory_space<vmem>> -> memref<1x96xi32, #tpu.memory_space<vmem>>
      %dma_start3A_188 = tpu.memref_squeeze %dma_start3A_187 : memref<1x96xi32, #tpu.memory_space<vmem>> -> memref<96xi32, #tpu.memory_space<vmem>>
      %dma_start3A_189 = arith.constant 0 : i32
      %dma_start3A_190 = arith.constant 0 : i32
      %dma_start3A_191 = tpu.memref_slice %arg12[%dma_start3A_189, %dma_start3A_190] : memref<10000x128xf32, #tpu.memory_space<vmem_shared>> -> memref<10000x128xf32, #tpu.memory_space<vmem_shared>>
      tpu.enqueue_indirect_dma source(%dma_start3A_185 : memref<96x128xf32, #tpu.memory_space<vmem>>) target(%dma_start3A_191 : memref<10000x128xf32, #tpu.memory_space<vmem_shared>>) offsets(%dma_start3A_188 : memref<96xi32, #tpu.memory_space<vmem>>) semaphore(%run_scoped3A_181 : memref<!tpu.dma_semaphore, #tpu.memory_space<semaphore_mem>>) {add = true}
      %dma_wait3A_192 = arith.constant 0 : i32
      %dma_wait3A_193 = arith.constant 0 : i32
      %dma_wait3A_194 = tpu.memref_slice %arg9[%run_scoped3A_154, %dma_wait3A_192, %dma_wait3A_193] : memref<3x96x128xf32, #tpu.memory_space<vmem>> -> memref<1x96x128xf32, #tpu.memory_space<vmem>>
      %dma_wait3A_195 = tpu.memref_squeeze %dma_wait3A_194 : memref<1x96x128xf32, #tpu.memory_space<vmem>> -> memref<96x128xf32, #tpu.memory_space<vmem>>
      %dma_wait3A_196 = arith.constant 0 : i32
      %dma_wait3A_197 = tpu.memref_slice %arg8[%run_scoped3A_155, %dma_wait3A_196] : memref<3x96xi32, #tpu.memory_space<vmem>> -> memref<1x96xi32, #tpu.memory_space<vmem>>
      %dma_wait3A_198 = tpu.memref_squeeze %dma_wait3A_197 : memref<1x96xi32, #tpu.memory_space<vmem>> -> memref<96xi32, #tpu.memory_space<vmem>>
      %dma_wait3A_199 = arith.constant 0 : i32
      %dma_wait3A_200 = arith.constant 0 : i32
      %dma_wait3A_201 = tpu.memref_slice %arg12[%dma_wait3A_199, %dma_wait3A_200] : memref<10000x128xf32, #tpu.memory_space<vmem_shared>> -> memref<10000x128xf32, #tpu.memory_space<vmem_shared>>
      tpu.wait_indirect_dma semaphore(%run_scoped3A_181 : memref<!tpu.dma_semaphore, #tpu.memory_space<semaphore_mem>>) src(%dma_wait3A_195 : memref<96x128xf32, #tpu.memory_space<vmem>>) dst(%dma_wait3A_201 : memref<10000x128xf32, #tpu.memory_space<vmem_shared>>)
      tpu.yield
    }) : () -> ()
    %add3A_156 = arith.constant 9984 : i32
    %add3A_157 = arith.addi %mul3A_11, %add3A_156 : i32
    %dma_wait3A_158 = arith.constant 0 : i32
    %dma_wait3A_159 = tpu.memref_slice %arg3[%add3A_157] : memref<320000xi32, #tpu.memory_space<hbm>> -> memref<16xi32, #tpu.memory_space<hbm>>
    %dma_wait3A_160 = tpu.memref_slice %arg15[%dma_wait3A_158] : memref<2x!tpu.dma_semaphore, #tpu.memory_space<semaphore_mem>> -> memref<1x!tpu.dma_semaphore, #tpu.memory_space<semaphore_mem>>
    %dma_wait3A_161 = tpu.memref_squeeze %dma_wait3A_160 : memref<1x!tpu.dma_semaphore, #tpu.memory_space<semaphore_mem>> -> memref<!tpu.dma_semaphore, #tpu.memory_space<semaphore_mem>>
    %dma_wait3A_162 = tpu.memref_slice %arg3[%add3A_157] : memref<320000xi32, #tpu.memory_space<hbm>> -> memref<16xi32, #tpu.memory_space<hbm>>
    tpu.wait_dma2 semaphore(%dma_wait3A_161 : memref<!tpu.dma_semaphore, #tpu.memory_space<semaphore_mem>>) src(%dma_wait3A_162 : memref<16xi32, #tpu.memory_space<hbm>>) dst(%arg10 : memref<16xi32, #tpu.memory_space<vmem>>)
    %dma_wait3A_163 = arith.constant 1 : i32
    %dma_wait3A_164 = arith.constant 9984 : i32
    %dma_wait3A_165 = tpu.memref_slice %arg7[%dma_wait3A_164] : memref<10000xi32, #tpu.memory_space<vmem>> -> memref<16xi32, #tpu.memory_space<vmem>>
    %dma_wait3A_166 = arith.constant 0 : i32
    %dma_wait3A_167 = arith.constant 0 : i32
    %dma_wait3A_168 = tpu.memref_slice %arg5[%dma_wait3A_166, %dma_wait3A_167] : memref<10000x128xf32, #tpu.memory_space<hbm>> -> memref<10000x128xf32, #tpu.memory_space<hbm>>
    %dma_wait3A_169 = tpu.memref_slice %arg15[%dma_wait3A_163] : memref<2x!tpu.dma_semaphore, #tpu.memory_space<semaphore_mem>> -> memref<1x!tpu.dma_semaphore, #tpu.memory_space<semaphore_mem>>
    %dma_wait3A_170 = tpu.memref_squeeze %dma_wait3A_169 : memref<1x!tpu.dma_semaphore, #tpu.memory_space<semaphore_mem>> -> memref<!tpu.dma_semaphore, #tpu.memory_space<semaphore_mem>>
    tpu.wait_indirect_dma semaphore(%dma_wait3A_170 : memref<!tpu.dma_semaphore, #tpu.memory_space<semaphore_mem>>) src(%dma_wait3A_168 : memref<10000x128xf32, #tpu.memory_space<hbm>>) dst(%arg11 : memref<16x128xf32, #tpu.memory_space<vmem>>)
    "tpu.region"() ({
      %run_scoped3A_181 = tpu.sem_alloc : memref<!tpu.dma_semaphore, #tpu.memory_space<semaphore_mem>>
      %dma_start3A_182 = arith.constant 0 : i32
      %dma_start3A_183 = arith.constant 0 : i32
      %dma_start3A_184 = tpu.memref_slice %arg12[%dma_start3A_182, %dma_start3A_183] : memref<10000x128xf32, #tpu.memory_space<vmem_shared>> -> memref<10000x128xf32, #tpu.memory_space<vmem_shared>>
      tpu.enqueue_indirect_dma source(%arg11 : memref<16x128xf32, #tpu.memory_space<vmem>>) target(%dma_start3A_184 : memref<10000x128xf32, #tpu.memory_space<vmem_shared>>) offsets(%arg10 : memref<16xi32, #tpu.memory_space<vmem>>) semaphore(%run_scoped3A_181 : memref<!tpu.dma_semaphore, #tpu.memory_space<semaphore_mem>>) {add = true}
      %dma_wait3A_185 = arith.constant 0 : i32
      %dma_wait3A_186 = arith.constant 0 : i32
      %dma_wait3A_187 = tpu.memref_slice %arg12[%dma_wait3A_185, %dma_wait3A_186] : memref<10000x128xf32, #tpu.memory_space<vmem_shared>> -> memref<10000x128xf32, #tpu.memory_space<vmem_shared>>
      tpu.wait_indirect_dma semaphore(%run_scoped3A_181 : memref<!tpu.dma_semaphore, #tpu.memory_space<semaphore_mem>>) src(%arg11 : memref<16x128xf32, #tpu.memory_space<vmem>>) dst(%dma_wait3A_187 : memref<10000x128xf32, #tpu.memory_space<vmem_shared>>)
      tpu.yield
    }) : () -> ()
    %barrier3A_171 = arith.constant 0 : index
    tpu.barrier barrier_id(%barrier3A_171)
    %mul3A_172 = arith.constant 624 : i32
    %mul3A_173 = arith.muli %arg1, %mul3A_172 : i32
    %mul3A_174 = arith.constant 624 : i32
    %mul3A_175 = arith.muli %arg1, %mul3A_174 : i32
    "tpu.region"() ({
      %run_scoped3A_181 = tpu.sem_alloc : memref<!tpu.dma_semaphore, #tpu.memory_space<semaphore_mem>>
      %dma_start3A_182 = arith.constant 0 : i32
      %dma_start3A_183 = tpu.memref_slice %arg6[%arg0, %mul3A_175, %dma_start3A_182] : memref<2x10000x128xf32, #tpu.memory_space<hbm>> -> memref<1x624x128xf32, #tpu.memory_space<hbm>>
      %dma_start3A_184 = tpu.memref_squeeze %dma_start3A_183 : memref<1x624x128xf32, #tpu.memory_space<hbm>> -> memref<624x128xf32, #tpu.memory_space<hbm>>
      %dma_start3A_185 = arith.constant 0 : i32
      %dma_start3A_186 = tpu.memref_slice %arg12[%mul3A_173, %dma_start3A_185] : memref<10000x128xf32, #tpu.memory_space<vmem_shared>> -> memref<624x128xf32, #tpu.memory_space<vmem_shared>>
      tpu.enqueue_dma source(%dma_start3A_186 : memref<624x128xf32, #tpu.memory_space<vmem_shared>>) target(%dma_start3A_184 : memref<624x128xf32, #tpu.memory_space<hbm>>) target_semaphore(%run_scoped3A_181 : memref<!tpu.dma_semaphore, #tpu.memory_space<semaphore_mem>>)
      %dma_wait3A_187 = arith.constant 0 : i32
      %dma_wait3A_188 = tpu.memref_slice %arg6[%arg0, %mul3A_175, %dma_wait3A_187] : memref<2x10000x128xf32, #tpu.memory_space<hbm>> -> memref<1x624x128xf32, #tpu.memory_space<hbm>>
      %dma_wait3A_189 = tpu.memref_squeeze %dma_wait3A_188 : memref<1x624x128xf32, #tpu.memory_space<hbm>> -> memref<624x128xf32, #tpu.memory_space<hbm>>
      %dma_wait3A_190 = arith.constant 0 : i32
      %dma_wait3A_191 = tpu.memref_slice %arg12[%mul3A_173, %dma_wait3A_190] : memref<10000x128xf32, #tpu.memory_space<vmem_shared>> -> memref<624x128xf32, #tpu.memory_space<vmem_shared>>
      tpu.wait_dma2 semaphore(%run_scoped3A_181 : memref<!tpu.dma_semaphore, #tpu.memory_space<semaphore_mem>>) src(%dma_wait3A_191 : memref<624x128xf32, #tpu.memory_space<vmem_shared>>) dst(%dma_wait3A_189 : memref<624x128xf32, #tpu.memory_space<hbm>>)
      tpu.yield
    }) : () -> ()
    %eq3A_176 = arith.constant 0 : i32
    %eq3A_177 = arith.cmpi eq, %arg1, %eq3A_176 : i32
    %convert_element_type3A_178 = arith.extui %eq3A_177 : i1 to i32
    %cond3A_179 = arith.constant 0 : i32
    %cond3A_180 = arith.cmpi ne, %convert_element_type3A_178, %cond3A_179 : i32
    scf.if %cond3A_180 {
      "tpu.region"() ({
        %run_scoped3A_181 = tpu.sem_alloc : memref<!tpu.dma_semaphore, #tpu.memory_space<semaphore_mem>>
        %dma_start3A_182 = arith.constant 9984 : i32
        %dma_start3A_183 = arith.constant 0 : i32
        %dma_start3A_184 = tpu.memref_slice %arg6[%arg0, %dma_start3A_182, %dma_start3A_183] : memref<2x10000x128xf32, #tpu.memory_space<hbm>> -> memref<1x16x128xf32, #tpu.memory_space<hbm>>
        %dma_start3A_185 = tpu.memref_squeeze %dma_start3A_184 : memref<1x16x128xf32, #tpu.memory_space<hbm>> -> memref<16x128xf32, #tpu.memory_space<hbm>>
        %dma_start3A_186 = arith.constant 9984 : i32
        %dma_start3A_187 = arith.constant 0 : i32
        %dma_start3A_188 = tpu.memref_slice %arg12[%dma_start3A_186, %dma_start3A_187] : memref<10000x128xf32, #tpu.memory_space<vmem_shared>> -> memref<16x128xf32, #tpu.memory_space<vmem_shared>>
        tpu.enqueue_dma source(%dma_start3A_188 : memref<16x128xf32, #tpu.memory_space<vmem_shared>>) target(%dma_start3A_185 : memref<16x128xf32, #tpu.memory_space<hbm>>) target_semaphore(%run_scoped3A_181 : memref<!tpu.dma_semaphore, #tpu.memory_space<semaphore_mem>>)
        %dma_wait3A_189 = arith.constant 9984 : i32
        %dma_wait3A_190 = arith.constant 0 : i32
        %dma_wait3A_191 = tpu.memref_slice %arg6[%arg0, %dma_wait3A_189, %dma_wait3A_190] : memref<2x10000x128xf32, #tpu.memory_space<hbm>> -> memref<1x16x128xf32, #tpu.memory_space<hbm>>
        %dma_wait3A_192 = tpu.memref_squeeze %dma_wait3A_191 : memref<1x16x128xf32, #tpu.memory_space<hbm>> -> memref<16x128xf32, #tpu.memory_space<hbm>>
        %dma_wait3A_193 = arith.constant 9984 : i32
        %dma_wait3A_194 = arith.constant 0 : i32
        %dma_wait3A_195 = tpu.memref_slice %arg12[%dma_wait3A_193, %dma_wait3A_194] : memref<10000x128xf32, #tpu.memory_space<vmem_shared>> -> memref<16x128xf32, #tpu.memory_space<vmem_shared>>
        tpu.wait_dma2 semaphore(%run_scoped3A_181 : memref<!tpu.dma_semaphore, #tpu.memory_space<semaphore_mem>>) src(%dma_wait3A_195 : memref<16x128xf32, #tpu.memory_space<vmem_shared>>) dst(%dma_wait3A_192 : memref<16x128xf32, #tpu.memory_space<hbm>>)
        tpu.yield
      }) : () -> ()
    } else {
    }
    return
  }
}

#map = affine_map<(d0, d1) -> (0)>
#map1 = affine_map<(d0, d1) -> (0, 0)>
#map2 = affine_map<(d0, d1) -> (0, 0, 0)>
module attributes {stable_mosaic.version = 14 : i64} {
  func.func @_seg_body(%arg0: i32, %arg1: i32, %arg2: memref<320000xi32, #tpu.memory_space<hbm>>, %arg3: memref<320000xi32, #tpu.memory_space<hbm>>, %arg4: memref<10000x128xf32, #tpu.memory_space<hbm>>, %arg5: memref<10000x128xf32, #tpu.memory_space<hbm>>, %arg6: memref<2x10000x128xf32, #tpu.memory_space<hbm>>, %arg7: memref<10000xi32, #tpu.memory_space<vmem>>, %arg8: memref<3x96xi32, #tpu.memory_space<vmem>>, %arg9: memref<3x96x128xf32, #tpu.memory_space<vmem>>, %arg10: memref<16xi32, #tpu.memory_space<vmem>>, %arg11: memref<16x128xf32, #tpu.memory_space<vmem>>, %arg12: memref<10000x128xf32, #tpu.memory_space<vmem_shared>>, %arg13: memref<3x!tpu.dma_semaphore, #tpu.memory_space<semaphore_mem>>, %arg14: memref<3x!tpu.dma_semaphore, #tpu.memory_space<semaphore_mem>>, %arg15: memref<2x!tpu.dma_semaphore, #tpu.memory_space<semaphore_mem>>, %arg16: memref<!tpu.dma_semaphore, #tpu.memory_space<semaphore_mem>>) attributes {dimension_semantics = [#tpu.dimension_semantics<core_parallel>, #tpu.dimension_semantics<subcore_parallel>], iteration_bounds = array<i64: 2, 16>, scalar_prefetch = 0 : i64, scratch_operands = 10 : i64, tpu.core_type = #tpu.core_type<sc_vector_subcore>, window_params = [{transform_indices = #map}, {transform_indices = #map}, {transform_indices = #map1}, {transform_indices = #map1}, {transform_indices = #map2}]} {
    %mul3A = arith.constant 2 : i32
    %mul3A_0 = arith.muli %arg1, %mul3A : i32
    %add3A = arith.addi %mul3A_0, %arg0 : i32
    %mul3A_1 = arith.constant 624 : i32
    %mul3A_2 = arith.muli %arg1, %mul3A_1 : i32
    %mul3A_3 = arith.constant 624 : i32
    %mul3A_4 = arith.muli %arg1, %mul3A_3 : i32
    %dma_start3A = arith.constant 0 : i32
    %dma_start3A_5 = tpu.memref_slice %arg12[%mul3A_4, %dma_start3A] : memref<10000x128xf32, #tpu.memory_space<vmem_shared>> -> memref<624x128xf32, #tpu.memory_space<vmem_shared>>
    %dma_start3A_6 = arith.constant 0 : i32
    %dma_start3A_7 = tpu.memref_slice %arg4[%mul3A_2, %dma_start3A_6] : memref<10000x128xf32, #tpu.memory_space<hbm>> -> memref<624x128xf32, #tpu.memory_space<hbm>>
    tpu.enqueue_dma source(%dma_start3A_7 : memref<624x128xf32, #tpu.memory_space<hbm>>) target(%dma_start3A_5 : memref<624x128xf32, #tpu.memory_space<vmem_shared>>) target_semaphore(%arg16 : memref<!tpu.dma_semaphore, #tpu.memory_space<semaphore_mem>>)
    %eq3A = arith.constant 0 : i32
    %eq3A_8 = arith.cmpi eq, %arg1, %eq3A : i32
    %convert_element_type3A = arith.extui %eq3A_8 : i1 to i32
    %cond3A = arith.constant 0 : i32
    %cond3A_9 = arith.cmpi ne, %convert_element_type3A, %cond3A : i32
    scf.if %cond3A_9 {
      %dma_start3A_181 = arith.constant 9984 : i32
      %dma_start3A_182 = arith.constant 0 : i32
      %dma_start3A_183 = tpu.memref_slice %arg12[%dma_start3A_181, %dma_start3A_182] : memref<10000x128xf32, #tpu.memory_space<vmem_shared>> -> memref<16x128xf32, #tpu.memory_space<vmem_shared>>
      %dma_start3A_184 = arith.constant 9984 : i32
      %dma_start3A_185 = arith.constant 0 : i32
      %dma_start3A_186 = tpu.memref_slice %arg4[%dma_start3A_184, %dma_start3A_185] : memref<10000x128xf32, #tpu.memory_space<hbm>> -> memref<16x128xf32, #tpu.memory_space<hbm>>
      tpu.enqueue_dma source(%dma_start3A_186 : memref<16x128xf32, #tpu.memory_space<hbm>>) target(%dma_start3A_183 : memref<16x128xf32, #tpu.memory_space<vmem_shared>>) target_semaphore(%arg16 : memref<!tpu.dma_semaphore, #tpu.memory_space<semaphore_mem>>)
    } else {
    }
    %mul3A_10 = arith.constant 10000 : i32
    %mul3A_11 = arith.muli %add3A, %mul3A_10 : i32
    "tpu.region"() ({
      %run_scoped3A_181 = tpu.sem_alloc : memref<!tpu.dma_semaphore, #tpu.memory_space<semaphore_mem>>
      %dma_start3A_182 = tpu.memref_slice %arg2[%mul3A_11] : memref<320000xi32, #tpu.memory_space<hbm>> -> memref<10000xi32, #tpu.memory_space<hbm>>
      %dma_start3A_183 = tpu.memref_slice %arg2[%mul3A_11] : memref<320000xi32, #tpu.memory_space<hbm>> -> memref<10000xi32, #tpu.memory_space<hbm>>
      tpu.enqueue_dma source(%dma_start3A_183 : memref<10000xi32, #tpu.memory_space<hbm>>) target(%arg7 : memref<10000xi32, #tpu.memory_space<vmem>>) target_semaphore(%run_scoped3A_181 : memref<!tpu.dma_semaphore, #tpu.memory_space<semaphore_mem>>)
      %dma_wait3A_184 = tpu.memref_slice %arg2[%mul3A_11] : memref<320000xi32, #tpu.memory_space<hbm>> -> memref<10000xi32, #tpu.memory_space<hbm>>
      %dma_wait3A_185 = tpu.memref_slice %arg2[%mul3A_11] : memref<320000xi32, #tpu.memory_space<hbm>> -> memref<10000xi32, #tpu.memory_space<hbm>>
      tpu.wait_dma2 semaphore(%run_scoped3A_181 : memref<!tpu.dma_semaphore, #tpu.memory_space<semaphore_mem>>) src(%dma_wait3A_185 : memref<10000xi32, #tpu.memory_space<hbm>>) dst(%arg7 : memref<10000xi32, #tpu.memory_space<vmem>>)
      tpu.yield
    }) : () -> ()
    %add3A_12 = arith.constant 9984 : i32
    %add3A_13 = arith.addi %mul3A_11, %add3A_12 : i32
    %dma_start3A_14 = arith.constant 0 : i32
    %dma_start3A_15 = tpu.memref_slice %arg3[%add3A_13] : memref<320000xi32, #tpu.memory_space<hbm>> -> memref<16xi32, #tpu.memory_space<hbm>>
    %dma_start3A_16 = tpu.memref_slice %arg15[%dma_start3A_14] : memref<2x!tpu.dma_semaphore, #tpu.memory_space<semaphore_mem>> -> memref<1x!tpu.dma_semaphore, #tpu.memory_space<semaphore_mem>>
    %dma_start3A_17 = tpu.memref_squeeze %dma_start3A_16 : memref<1x!tpu.dma_semaphore, #tpu.memory_space<semaphore_mem>> -> memref<!tpu.dma_semaphore, #tpu.memory_space<semaphore_mem>>
    %dma_start3A_18 = tpu.memref_slice %arg3[%add3A_13] : memref<320000xi32, #tpu.memory_space<hbm>> -> memref<16xi32, #tpu.memory_space<hbm>>
    tpu.enqueue_dma source(%dma_start3A_18 : memref<16xi32, #tpu.memory_space<hbm>>) target(%arg10 : memref<16xi32, #tpu.memory_space<vmem>>) target_semaphore(%dma_start3A_17 : memref<!tpu.dma_semaphore, #tpu.memory_space<semaphore_mem>>)
    %dma_start3A_19 = arith.constant 1 : i32
    %dma_start3A_20 = arith.constant 9984 : i32
    %dma_start3A_21 = tpu.memref_slice %arg7[%dma_start3A_20] : memref<10000xi32, #tpu.memory_space<vmem>> -> memref<16xi32, #tpu.memory_space<vmem>>
    %dma_start3A_22 = arith.constant 0 : i32
    %dma_start3A_23 = arith.constant 0 : i32
    %dma_start3A_24 = tpu.memref_slice %arg5[%dma_start3A_22, %dma_start3A_23] : memref<10000x128xf32, #tpu.memory_space<hbm>> -> memref<10000x128xf32, #tpu.memory_space<hbm>>
    %dma_start3A_25 = tpu.memref_slice %arg15[%dma_start3A_19] : memref<2x!tpu.dma_semaphore, #tpu.memory_space<semaphore_mem>> -> memref<1x!tpu.dma_semaphore, #tpu.memory_space<semaphore_mem>>
    %dma_start3A_26 = tpu.memref_squeeze %dma_start3A_25 : memref<1x!tpu.dma_semaphore, #tpu.memory_space<semaphore_mem>> -> memref<!tpu.dma_semaphore, #tpu.memory_space<semaphore_mem>>
    tpu.enqueue_indirect_dma source(%dma_start3A_24 : memref<10000x128xf32, #tpu.memory_space<hbm>>) target(%arg11 : memref<16x128xf32, #tpu.memory_space<vmem>>) offsets(%dma_start3A_21 : memref<16xi32, #tpu.memory_space<vmem>>) semaphore(%dma_start3A_26 : memref<!tpu.dma_semaphore, #tpu.memory_space<semaphore_mem>>)
    %add3A_27 = arith.constant 0 : i32
    %add3A_28 = arith.addi %mul3A_11, %add3A_27 : i32
    %dma_start3A_29 = arith.constant 0 : i32
    %dma_start3A_30 = arith.constant 0 : i32
    %dma_start3A_31 = arith.constant 0 : i32
    %dma_start3A_32 = tpu.memref_slice %arg8[%dma_start3A_29, %dma_start3A_31] : memref<3x96xi32, #tpu.memory_space<vmem>> -> memref<1x96xi32, #tpu.memory_space<vmem>>
    %dma_start3A_33 = tpu.memref_squeeze %dma_start3A_32 : memref<1x96xi32, #tpu.memory_space<vmem>> -> memref<96xi32, #tpu.memory_space<vmem>>
    %dma_start3A_34 = tpu.memref_slice %arg3[%add3A_28] : memref<320000xi32, #tpu.memory_space<hbm>> -> memref<96xi32, #tpu.memory_space<hbm>>
    %dma_start3A_35 = tpu.memref_slice %arg14[%dma_start3A_30] : memref<3x!tpu.dma_semaphore, #tpu.memory_space<semaphore_mem>> -> memref<1x!tpu.dma_semaphore, #tpu.memory_space<semaphore_mem>>
    %dma_start3A_36 = tpu.memref_squeeze %dma_start3A_35 : memref<1x!tpu.dma_semaphore, #tpu.memory_space<semaphore_mem>> -> memref<!tpu.dma_semaphore, #tpu.memory_space<semaphore_mem>>
    %dma_start3A_37 = arith.constant 0 : i32
    %dma_start3A_38 = tpu.memref_slice %arg8[%dma_start3A_29, %dma_start3A_37] : memref<3x96xi32, #tpu.memory_space<vmem>> -> memref<1x96xi32, #tpu.memory_space<vmem>>
    %dma_start3A_39 = tpu.memref_squeeze %dma_start3A_38 : memref<1x96xi32, #tpu.memory_space<vmem>> -> memref<96xi32, #tpu.memory_space<vmem>>
    %dma_start3A_40 = tpu.memref_slice %arg3[%add3A_28] : memref<320000xi32, #tpu.memory_space<hbm>> -> memref<96xi32, #tpu.memory_space<hbm>>
    tpu.enqueue_dma source(%dma_start3A_40 : memref<96xi32, #tpu.memory_space<hbm>>) target(%dma_start3A_39 : memref<96xi32, #tpu.memory_space<vmem>>) target_semaphore(%dma_start3A_36 : memref<!tpu.dma_semaphore, #tpu.memory_space<semaphore_mem>>)
    %dma_start3A_41 = arith.constant 0 : i32
    %dma_start3A_42 = arith.constant 0 : i32
    %dma_start3A_43 = arith.constant 0 : i32
    %dma_start3A_44 = arith.constant 0 : i32
    %dma_start3A_45 = tpu.memref_slice %arg9[%dma_start3A_41, %dma_start3A_43, %dma_start3A_44] : memref<3x96x128xf32, #tpu.memory_space<vmem>> -> memref<1x96x128xf32, #tpu.memory_space<vmem>>
    %dma_start3A_46 = tpu.memref_squeeze %dma_start3A_45 : memref<1x96x128xf32, #tpu.memory_space<vmem>> -> memref<96x128xf32, #tpu.memory_space<vmem>>
    %dma_start3A_47 = arith.constant 0 : i32
    %dma_start3A_48 = tpu.memref_slice %arg7[%dma_start3A_47] : memref<10000xi32, #tpu.memory_space<vmem>> -> memref<96xi32, #tpu.memory_space<vmem>>
    %dma_start3A_49 = arith.constant 0 : i32
    %dma_start3A_50 = arith.constant 0 : i32
    %dma_start3A_51 = tpu.memref_slice %arg5[%dma_start3A_49, %dma_start3A_50] : memref<10000x128xf32, #tpu.memory_space<hbm>> -> memref<10000x128xf32, #tpu.memory_space<hbm>>
    %dma_start3A_52 = tpu.memref_slice %arg13[%dma_start3A_42] : memref<3x!tpu.dma_semaphore, #tpu.memory_space<semaphore_mem>> -> memref<1x!tpu.dma_semaphore, #tpu.memory_space<semaphore_mem>>
    %dma_start3A_53 = tpu.memref_squeeze %dma_start3A_52 : memref<1x!tpu.dma_semaphore, #tpu.memory_space<semaphore_mem>> -> memref<!tpu.dma_semaphore, #tpu.memory_space<semaphore_mem>>
    tpu.enqueue_indirect_dma source(%dma_start3A_51 : memref<10000x128xf32, #tpu.memory_space<hbm>>) target(%dma_start3A_46 : memref<96x128xf32, #tpu.memory_space<vmem>>) offsets(%dma_start3A_48 : memref<96xi32, #tpu.memory_space<vmem>>) semaphore(%dma_start3A_53 : memref<!tpu.dma_semaphore, #tpu.memory_space<semaphore_mem>>)
    %add3A_54 = arith.constant 96 : i32
    %add3A_55 = arith.addi %mul3A_11, %add3A_54 : i32
    %dma_start3A_56 = arith.constant 1 : i32
    %dma_start3A_57 = arith.constant 1 : i32
    %dma_start3A_58 = arith.constant 0 : i32
    %dma_start3A_59 = tpu.memref_slice %arg8[%dma_start3A_56, %dma_start3A_58] : memref<3x96xi32, #tpu.memory_space<vmem>> -> memref<1x96xi32, #tpu.memory_space<vmem>>
    %dma_start3A_60 = tpu.memref_squeeze %dma_start3A_59 : memref<1x96xi32, #tpu.memory_space<vmem>> -> memref<96xi32, #tpu.memory_space<vmem>>
    %dma_start3A_61 = tpu.memref_slice %arg3[%add3A_55] : memref<320000xi32, #tpu.memory_space<hbm>> -> memref<96xi32, #tpu.memory_space<hbm>>
    %dma_start3A_62 = tpu.memref_slice %arg14[%dma_start3A_57] : memref<3x!tpu.dma_semaphore, #tpu.memory_space<semaphore_mem>> -> memref<1x!tpu.dma_semaphore, #tpu.memory_space<semaphore_mem>>
    %dma_start3A_63 = tpu.memref_squeeze %dma_start3A_62 : memref<1x!tpu.dma_semaphore, #tpu.memory_space<semaphore_mem>> -> memref<!tpu.dma_semaphore, #tpu.memory_space<semaphore_mem>>
    %dma_start3A_64 = arith.constant 0 : i32
    %dma_start3A_65 = tpu.memref_slice %arg8[%dma_start3A_56, %dma_start3A_64] : memref<3x96xi32, #tpu.memory_space<vmem>> -> memref<1x96xi32, #tpu.memory_space<vmem>>
    %dma_start3A_66 = tpu.memref_squeeze %dma_start3A_65 : memref<1x96xi32, #tpu.memory_space<vmem>> -> memref<96xi32, #tpu.memory_space<vmem>>
    %dma_start3A_67 = tpu.memref_slice %arg3[%add3A_55] : memref<320000xi32, #tpu.memory_space<hbm>> -> memref<96xi32, #tpu.memory_space<hbm>>
    tpu.enqueue_dma source(%dma_start3A_67 : memref<96xi32, #tpu.memory_space<hbm>>) target(%dma_start3A_66 : memref<96xi32, #tpu.memory_space<vmem>>) target_semaphore(%dma_start3A_63 : memref<!tpu.dma_semaphore, #tpu.memory_space<semaphore_mem>>)
    %dma_start3A_68 = arith.constant 1 : i32
    %dma_start3A_69 = arith.constant 1 : i32
    %dma_start3A_70 = arith.constant 0 : i32
    %dma_start3A_71 = arith.constant 0 : i32
    %dma_start3A_72 = tpu.memref_slice %arg9[%dma_start3A_68, %dma_start3A_70, %dma_start3A_71] : memref<3x96x128xf32, #tpu.memory_space<vmem>> -> memref<1x96x128xf32, #tpu.memory_space<vmem>>
    %dma_start3A_73 = tpu.memref_squeeze %dma_start3A_72 : memref<1x96x128xf32, #tpu.memory_space<vmem>> -> memref<96x128xf32, #tpu.memory_space<vmem>>
    %dma_start3A_74 = arith.constant 96 : i32
    %dma_start3A_75 = tpu.memref_slice %arg7[%dma_start3A_74] : memref<10000xi32, #tpu.memory_space<vmem>> -> memref<96xi32, #tpu.memory_space<vmem>>
    %dma_start3A_76 = arith.constant 0 : i32
    %dma_start3A_77 = arith.constant 0 : i32
    %dma_start3A_78 = tpu.memref_slice %arg5[%dma_start3A_76, %dma_start3A_77] : memref<10000x128xf32, #tpu.memory_space<hbm>> -> memref<10000x128xf32, #tpu.memory_space<hbm>>
    %dma_start3A_79 = tpu.memref_slice %arg13[%dma_start3A_69] : memref<3x!tpu.dma_semaphore, #tpu.memory_space<semaphore_mem>> -> memref<1x!tpu.dma_semaphore, #tpu.memory_space<semaphore_mem>>
    %dma_start3A_80 = tpu.memref_squeeze %dma_start3A_79 : memref<1x!tpu.dma_semaphore, #tpu.memory_space<semaphore_mem>> -> memref<!tpu.dma_semaphore, #tpu.memory_space<semaphore_mem>>
    tpu.enqueue_indirect_dma source(%dma_start3A_78 : memref<10000x128xf32, #tpu.memory_space<hbm>>) target(%dma_start3A_73 : memref<96x128xf32, #tpu.memory_space<vmem>>) offsets(%dma_start3A_75 : memref<96xi32, #tpu.memory_space<vmem>>) semaphore(%dma_start3A_80 : memref<!tpu.dma_semaphore, #tpu.memory_space<semaphore_mem>>)
    %mul3A_81 = arith.constant 624 : i32
    %mul3A_82 = arith.muli %arg1, %mul3A_81 : i32
    %mul3A_83 = arith.constant 624 : i32
    %mul3A_84 = arith.muli %arg1, %mul3A_83 : i32
    %dma_wait3A = arith.constant 0 : i32
    %dma_wait3A_85 = tpu.memref_slice %arg12[%mul3A_84, %dma_wait3A] : memref<10000x128xf32, #tpu.memory_space<vmem_shared>> -> memref<624x128xf32, #tpu.memory_space<vmem_shared>>
    %dma_wait3A_86 = arith.constant 0 : i32
    %dma_wait3A_87 = tpu.memref_slice %arg4[%mul3A_82, %dma_wait3A_86] : memref<10000x128xf32, #tpu.memory_space<hbm>> -> memref<624x128xf32, #tpu.memory_space<hbm>>
    tpu.wait_dma2 semaphore(%arg16 : memref<!tpu.dma_semaphore, #tpu.memory_space<semaphore_mem>>) src(%dma_wait3A_87 : memref<624x128xf32, #tpu.memory_space<hbm>>) dst(%dma_wait3A_85 : memref<624x128xf32, #tpu.memory_space<vmem_shared>>)
    %eq3A_88 = arith.constant 0 : i32
    %eq3A_89 = arith.cmpi eq, %arg1, %eq3A_88 : i32
    %convert_element_type3A_90 = arith.extui %eq3A_89 : i1 to i32
    %cond3A_91 = arith.constant 0 : i32
    %cond3A_92 = arith.cmpi ne, %convert_element_type3A_90, %cond3A_91 : i32
    scf.if %cond3A_92 {
      %dma_wait3A_181 = arith.constant 9984 : i32
      %dma_wait3A_182 = arith.constant 0 : i32
      %dma_wait3A_183 = tpu.memref_slice %arg12[%dma_wait3A_181, %dma_wait3A_182] : memref<10000x128xf32, #tpu.memory_space<vmem_shared>> -> memref<16x128xf32, #tpu.memory_space<vmem_shared>>
      %dma_wait3A_184 = arith.constant 9984 : i32
      %dma_wait3A_185 = arith.constant 0 : i32
      %dma_wait3A_186 = tpu.memref_slice %arg4[%dma_wait3A_184, %dma_wait3A_185] : memref<10000x128xf32, #tpu.memory_space<hbm>> -> memref<16x128xf32, #tpu.memory_space<hbm>>
      tpu.wait_dma2 semaphore(%arg16 : memref<!tpu.dma_semaphore, #tpu.memory_space<semaphore_mem>>) src(%dma_wait3A_186 : memref<16x128xf32, #tpu.memory_space<hbm>>) dst(%dma_wait3A_183 : memref<16x128xf32, #tpu.memory_space<vmem_shared>>)
    } else {
    }
    %barrier3A = arith.constant 0 : index
    tpu.barrier barrier_id(%barrier3A)
    %scan3A = arith.constant 0 : i32
    %scan3A_93 = arith.constant 0 : i32
    %scan3A_94 = arith.constant 34 : i32
    %scan3A_95 = arith.addi %scan3A_93, %scan3A_94 : i32
    %scan3A_96 = arith.constant 1 : i32
    %scan3A_97 = scf.for %scan3A_181 = %scan3A_93 to %scan3A_95 step %scan3A_96 iter_args(%scan3A_182 = %scan3A) -> (i32)  : i32 {
      %mul3A_183 = arith.constant 3 : i32
      %mul3A_184 = arith.muli %mul3A_183, %scan3A_181 : i32
      %add3A_185 = arith.constant 0 : i32
      %add3A_186 = arith.addi %mul3A_184, %add3A_185 : i32
      %add3A_187 = arith.constant 3 : i32
      %add3A_188 = arith.addi %add3A_186, %add3A_187 : i32
      %sub3A = arith.constant 1 : i32
      %sub3A_189 = arith.subi %add3A_188, %sub3A : i32
      %mul3A_190 = arith.constant 96 : i32
      %mul3A_191 = arith.muli %sub3A_189, %mul3A_190 : i32
      %add3A_192 = arith.addi %mul3A_11, %mul3A_191 : i32
      %dma_start3A_193 = arith.constant 2 : i32
      %dma_start3A_194 = arith.constant 2 : i32
      %dma_start3A_195 = arith.constant 0 : i32
      %dma_start3A_196 = tpu.memref_slice %arg8[%dma_start3A_193, %dma_start3A_195] : memref<3x96xi32, #tpu.memory_space<vmem>> -> memref<1x96xi32, #tpu.memory_space<vmem>>
      %dma_start3A_197 = tpu.memref_squeeze %dma_start3A_196 : memref<1x96xi32, #tpu.memory_space<vmem>> -> memref<96xi32, #tpu.memory_space<vmem>>
      %dma_start3A_198 = tpu.memref_slice %arg3[%add3A_192] : memref<320000xi32, #tpu.memory_space<hbm>> -> memref<96xi32, #tpu.memory_space<hbm>>
      %dma_start3A_199 = tpu.memref_slice %arg14[%dma_start3A_194] : memref<3x!tpu.dma_semaphore, #tpu.memory_space<semaphore_mem>> -> memref<1x!tpu.dma_semaphore, #tpu.memory_space<semaphore_mem>>
      %dma_start3A_200 = tpu.memref_squeeze %dma_start3A_199 : memref<1x!tpu.dma_semaphore, #tpu.memory_space<semaphore_mem>> -> memref<!tpu.dma_semaphore, #tpu.memory_space<semaphore_mem>>
      %dma_start3A_201 = arith.constant 0 : i32
      %dma_start3A_202 = tpu.memref_slice %arg8[%dma_start3A_193, %dma_start3A_201] : memref<3x96xi32, #tpu.memory_space<vmem>> -> memref<1x96xi32, #tpu.memory_space<vmem>>
      %dma_start3A_203 = tpu.memref_squeeze %dma_start3A_202 : memref<1x96xi32, #tpu.memory_space<vmem>> -> memref<96xi32, #tpu.memory_space<vmem>>
      %dma_start3A_204 = tpu.memref_slice %arg3[%add3A_192] : memref<320000xi32, #tpu.memory_space<hbm>> -> memref<96xi32, #tpu.memory_space<hbm>>
      tpu.enqueue_dma source(%dma_start3A_204 : memref<96xi32, #tpu.memory_space<hbm>>) target(%dma_start3A_203 : memref<96xi32, #tpu.memory_space<vmem>>) target_semaphore(%dma_start3A_200 : memref<!tpu.dma_semaphore, #tpu.memory_space<semaphore_mem>>)
      %mul3A_205 = arith.constant 96 : i32
      %mul3A_206 = arith.muli %sub3A_189, %mul3A_205 : i32
      %dma_start3A_207 = arith.constant 2 : i32
      %dma_start3A_208 = arith.constant 2 : i32
      %dma_start3A_209 = arith.constant 0 : i32
      %dma_start3A_210 = arith.constant 0 : i32
      %dma_start3A_211 = tpu.memref_slice %arg9[%dma_start3A_207, %dma_start3A_209, %dma_start3A_210] : memref<3x96x128xf32, #tpu.memory_space<vmem>> -> memref<1x96x128xf32, #tpu.memory_space<vmem>>
      %dma_start3A_212 = tpu.memref_squeeze %dma_start3A_211 : memref<1x96x128xf32, #tpu.memory_space<vmem>> -> memref<96x128xf32, #tpu.memory_space<vmem>>
      %dma_start3A_213 = tpu.memref_slice %arg7[%mul3A_206] : memref<10000xi32, #tpu.memory_space<vmem>> -> memref<96xi32, #tpu.memory_space<vmem>>
      %dma_start3A_214 = arith.constant 0 : i32
      %dma_start3A_215 = arith.constant 0 : i32
      %dma_start3A_216 = tpu.memref_slice %arg5[%dma_start3A_214, %dma_start3A_215] : memref<10000x128xf32, #tpu.memory_space<hbm>> -> memref<10000x128xf32, #tpu.memory_space<hbm>>
      %dma_start3A_217 = tpu.memref_slice %arg13[%dma_start3A_208] : memref<3x!tpu.dma_semaphore, #tpu.memory_space<semaphore_mem>> -> memref<1x!tpu.dma_semaphore, #tpu.memory_space<semaphore_mem>>
      %dma_start3A_218 = tpu.memref_squeeze %dma_start3A_217 : memref<1x!tpu.dma_semaphore, #tpu.memory_space<semaphore_mem>> -> memref<!tpu.dma_semaphore, #tpu.memory_space<semaphore_mem>>
      tpu.enqueue_indirect_dma source(%dma_start3A_216 : memref<10000x128xf32, #tpu.memory_space<hbm>>) target(%dma_start3A_212 : memref<96x128xf32, #tpu.memory_space<vmem>>) offsets(%dma_start3A_213 : memref<96xi32, #tpu.memory_space<vmem>>) semaphore(%dma_start3A_218 : memref<!tpu.dma_semaphore, #tpu.memory_space<semaphore_mem>>)
      %add3A_219 = arith.constant 0 : i32
      %add3A_220 = arith.addi %mul3A_184, %add3A_219 : i32
      %mul3A_221 = arith.constant 96 : i32
      %mul3A_222 = arith.muli %add3A_220, %mul3A_221 : i32
      %add3A_223 = arith.addi %mul3A_11, %mul3A_222 : i32
      %dma_wait3A_224 = arith.constant 0 : i32
      %dma_wait3A_225 = arith.constant 0 : i32
      %dma_wait3A_226 = arith.constant 0 : i32
      %dma_wait3A_227 = tpu.memref_slice %arg8[%dma_wait3A_224, %dma_wait3A_226] : memref<3x96xi32, #tpu.memory_space<vmem>> -> memref<1x96xi32, #tpu.memory_space<vmem>>
      %dma_wait3A_228 = tpu.memref_squeeze %dma_wait3A_227 : memref<1x96xi32, #tpu.memory_space<vmem>> -> memref<96xi32, #tpu.memory_space<vmem>>
      %dma_wait3A_229 = tpu.memref_slice %arg3[%add3A_223] : memref<320000xi32, #tpu.memory_space<hbm>> -> memref<96xi32, #tpu.memory_space<hbm>>
      %dma_wait3A_230 = tpu.memref_slice %arg14[%dma_wait3A_225] : memref<3x!tpu.dma_semaphore, #tpu.memory_space<semaphore_mem>> -> memref<1x!tpu.dma_semaphore, #tpu.memory_space<semaphore_mem>>
      %dma_wait3A_231 = tpu.memref_squeeze %dma_wait3A_230 : memref<1x!tpu.dma_semaphore, #tpu.memory_space<semaphore_mem>> -> memref<!tpu.dma_semaphore, #tpu.memory_space<semaphore_mem>>
      %dma_wait3A_232 = arith.constant 0 : i32
      %dma_wait3A_233 = tpu.memref_slice %arg8[%dma_wait3A_224, %dma_wait3A_232] : memref<3x96xi32, #tpu.memory_space<vmem>> -> memref<1x96xi32, #tpu.memory_space<vmem>>
      %dma_wait3A_234 = tpu.memref_squeeze %dma_wait3A_233 : memref<1x96xi32, #tpu.memory_space<vmem>> -> memref<96xi32, #tpu.memory_space<vmem>>
      %dma_wait3A_235 = tpu.memref_slice %arg3[%add3A_223] : memref<320000xi32, #tpu.memory_space<hbm>> -> memref<96xi32, #tpu.memory_space<hbm>>
      tpu.wait_dma2 semaphore(%dma_wait3A_231 : memref<!tpu.dma_semaphore, #tpu.memory_space<semaphore_mem>>) src(%dma_wait3A_235 : memref<96xi32, #tpu.memory_space<hbm>>) dst(%dma_wait3A_234 : memref<96xi32, #tpu.memory_space<vmem>>)
      %mul3A_236 = arith.constant 96 : i32
      %mul3A_237 = arith.muli %add3A_220, %mul3A_236 : i32
      %dma_wait3A_238 = arith.constant 0 : i32
      %dma_wait3A_239 = arith.constant 0 : i32
      %dma_wait3A_240 = arith.constant 0 : i32
      %dma_wait3A_241 = arith.constant 0 : i32
      %dma_wait3A_242 = tpu.memref_slice %arg9[%dma_wait3A_238, %dma_wait3A_240, %dma_wait3A_241] : memref<3x96x128xf32, #tpu.memory_space<vmem>> -> memref<1x96x128xf32, #tpu.memory_space<vmem>>
      %dma_wait3A_243 = tpu.memref_squeeze %dma_wait3A_242 : memref<1x96x128xf32, #tpu.memory_space<vmem>> -> memref<96x128xf32, #tpu.memory_space<vmem>>
      %dma_wait3A_244 = tpu.memref_slice %arg7[%mul3A_237] : memref<10000xi32, #tpu.memory_space<vmem>> -> memref<96xi32, #tpu.memory_space<vmem>>
      %dma_wait3A_245 = arith.constant 0 : i32
      %dma_wait3A_246 = arith.constant 0 : i32
      %dma_wait3A_247 = tpu.memref_slice %arg5[%dma_wait3A_245, %dma_wait3A_246] : memref<10000x128xf32, #tpu.memory_space<hbm>> -> memref<10000x128xf32, #tpu.memory_space<hbm>>
      %dma_wait3A_248 = tpu.memref_slice %arg13[%dma_wait3A_239] : memref<3x!tpu.dma_semaphore, #tpu.memory_space<semaphore_mem>> -> memref<1x!tpu.dma_semaphore, #tpu.memory_space<semaphore_mem>>
      %dma_wait3A_249 = tpu.memref_squeeze %dma_wait3A_248 : memref<1x!tpu.dma_semaphore, #tpu.memory_space<semaphore_mem>> -> memref<!tpu.dma_semaphore, #tpu.memory_space<semaphore_mem>>
      tpu.wait_indirect_dma semaphore(%dma_wait3A_249 : memref<!tpu.dma_semaphore, #tpu.memory_space<semaphore_mem>>) src(%dma_wait3A_247 : memref<10000x128xf32, #tpu.memory_space<hbm>>) dst(%dma_wait3A_243 : memref<96x128xf32, #tpu.memory_space<vmem>>)
      %run_scoped3A_250 = arith.constant 0 : i32
      %run_scoped3A_251 = arith.constant 0 : i32
      "tpu.region"() ({
        %run_scoped3A_389 = tpu.sem_alloc : memref<!tpu.dma_semaphore, #tpu.memory_space<semaphore_mem>>
        %dma_start3A_390 = arith.constant 0 : i32
        %dma_start3A_391 = arith.constant 0 : i32
        %dma_start3A_392 = tpu.memref_slice %arg9[%run_scoped3A_250, %dma_start3A_390, %dma_start3A_391] : memref<3x96x128xf32, #tpu.memory_space<vmem>> -> memref<1x96x128xf32, #tpu.memory_space<vmem>>
        %dma_start3A_393 = tpu.memref_squeeze %dma_start3A_392 : memref<1x96x128xf32, #tpu.memory_space<vmem>> -> memref<96x128xf32, #tpu.memory_space<vmem>>
        %dma_start3A_394 = arith.constant 0 : i32
        %dma_start3A_395 = tpu.memref_slice %arg8[%run_scoped3A_251, %dma_start3A_394] : memref<3x96xi32, #tpu.memory_space<vmem>> -> memref<1x96xi32, #tpu.memory_space<vmem>>
        %dma_start3A_396 = tpu.memref_squeeze %dma_start3A_395 : memref<1x96xi32, #tpu.memory_space<vmem>> -> memref<96xi32, #tpu.memory_space<vmem>>
        %dma_start3A_397 = arith.constant 0 : i32
        %dma_start3A_398 = arith.constant 0 : i32
        %dma_start3A_399 = tpu.memref_slice %arg12[%dma_start3A_397, %dma_start3A_398] : memref<10000x128xf32, #tpu.memory_space<vmem_shared>> -> memref<10000x128xf32, #tpu.memory_space<vmem_shared>>
        tpu.enqueue_indirect_dma source(%dma_start3A_393 : memref<96x128xf32, #tpu.memory_space<vmem>>) target(%dma_start3A_399 : memref<10000x128xf32, #tpu.memory_space<vmem_shared>>) offsets(%dma_start3A_396 : memref<96xi32, #tpu.memory_space<vmem>>) semaphore(%run_scoped3A_389 : memref<!tpu.dma_semaphore, #tpu.memory_space<semaphore_mem>>) {add = true}
        %dma_wait3A_400 = arith.constant 0 : i32
        %dma_wait3A_401 = arith.constant 0 : i32
        %dma_wait3A_402 = tpu.memref_slice %arg9[%run_scoped3A_250, %dma_wait3A_400, %dma_wait3A_401] : memref<3x96x128xf32, #tpu.memory_space<vmem>> -> memref<1x96x128xf32, #tpu.memory_space<vmem>>
        %dma_wait3A_403 = tpu.memref_squeeze %dma_wait3A_402 : memref<1x96x128xf32, #tpu.memory_space<vmem>> -> memref<96x128xf32, #tpu.memory_space<vmem>>
        %dma_wait3A_404 = arith.constant 0 : i32
        %dma_wait3A_405 = tpu.memref_slice %arg8[%run_scoped3A_251, %dma_wait3A_404] : memref<3x96xi32, #tpu.memory_space<vmem>> -> memref<1x96xi32, #tpu.memory_space<vmem>>
        %dma_wait3A_406 = tpu.memref_squeeze %dma_wait3A_405 : memref<1x96xi32, #tpu.memory_space<vmem>> -> memref<96xi32, #tpu.memory_space<vmem>>
        %dma_wait3A_407 = arith.constant 0 : i32
        %dma_wait3A_408 = arith.constant 0 : i32
        %dma_wait3A_409 = tpu.memref_slice %arg12[%dma_wait3A_407, %dma_wait3A_408] : memref<10000x128xf32, #tpu.memory_space<vmem_shared>> -> memref<10000x128xf32, #tpu.memory_space<vmem_shared>>
        tpu.wait_indirect_dma semaphore(%run_scoped3A_389 : memref<!tpu.dma_semaphore, #tpu.memory_space<semaphore_mem>>) src(%dma_wait3A_403 : memref<96x128xf32, #tpu.memory_space<vmem>>) dst(%dma_wait3A_409 : memref<10000x128xf32, #tpu.memory_space<vmem_shared>>)
        tpu.yield
      }) : () -> ()
      %add3A_252 = arith.constant 1 : i32
      %add3A_253 = arith.addi %mul3A_184, %add3A_252 : i32
      %add3A_254 = arith.constant 3 : i32
      %add3A_255 = arith.addi %add3A_253, %add3A_254 : i32
      %sub3A_256 = arith.constant 1 : i32
      %sub3A_257 = arith.subi %add3A_255, %sub3A_256 : i32
      %mul3A_258 = arith.constant 96 : i32
      %mul3A_259 = arith.muli %sub3A_257, %mul3A_258 : i32
      %add3A_260 = arith.addi %mul3A_11, %mul3A_259 : i32
      %dma_start3A_261 = arith.constant 0 : i32
      %dma_start3A_262 = arith.constant 0 : i32
      %dma_start3A_263 = arith.constant 0 : i32
      %dma_start3A_264 = tpu.memref_slice %arg8[%dma_start3A_261, %dma_start3A_263] : memref<3x96xi32, #tpu.memory_space<vmem>> -> memref<1x96xi32, #tpu.memory_space<vmem>>
      %dma_start3A_265 = tpu.memref_squeeze %dma_start3A_264 : memref<1x96xi32, #tpu.memory_space<vmem>> -> memref<96xi32, #tpu.memory_space<vmem>>
      %dma_start3A_266 = tpu.memref_slice %arg3[%add3A_260] : memref<320000xi32, #tpu.memory_space<hbm>> -> memref<96xi32, #tpu.memory_space<hbm>>
      %dma_start3A_267 = tpu.memref_slice %arg14[%dma_start3A_262] : memref<3x!tpu.dma_semaphore, #tpu.memory_space<semaphore_mem>> -> memref<1x!tpu.dma_semaphore, #tpu.memory_space<semaphore_mem>>
      %dma_start3A_268 = tpu.memref_squeeze %dma_start3A_267 : memref<1x!tpu.dma_semaphore, #tpu.memory_space<semaphore_mem>> -> memref<!tpu.dma_semaphore, #tpu.memory_space<semaphore_mem>>
      %dma_start3A_269 = arith.constant 0 : i32
      %dma_start3A_270 = tpu.memref_slice %arg8[%dma_start3A_261, %dma_start3A_269] : memref<3x96xi32, #tpu.memory_space<vmem>> -> memref<1x96xi32, #tpu.memory_space<vmem>>
      %dma_start3A_271 = tpu.memref_squeeze %dma_start3A_270 : memref<1x96xi32, #tpu.memory_space<vmem>> -> memref<96xi32, #tpu.memory_space<vmem>>
      %dma_start3A_272 = tpu.memref_slice %arg3[%add3A_260] : memref<320000xi32, #tpu.memory_space<hbm>> -> memref<96xi32, #tpu.memory_space<hbm>>
      tpu.enqueue_dma source(%dma_start3A_272 : memref<96xi32, #tpu.memory_space<hbm>>) target(%dma_start3A_271 : memref<96xi32, #tpu.memory_space<vmem>>) target_semaphore(%dma_start3A_268 : memref<!tpu.dma_semaphore, #tpu.memory_space<semaphore_mem>>)
      %mul3A_273 = arith.constant 96 : i32
      %mul3A_274 = arith.muli %sub3A_257, %mul3A_273 : i32
      %dma_start3A_275 = arith.constant 0 : i32
      %dma_start3A_276 = arith.constant 0 : i32
      %dma_start3A_277 = arith.constant 0 : i32
      %dma_start3A_278 = arith.constant 0 : i32
      %dma_start3A_279 = tpu.memref_slice %arg9[%dma_start3A_275, %dma_start3A_277, %dma_start3A_278] : memref<3x96x128xf32, #tpu.memory_space<vmem>> -> memref<1x96x128xf32, #tpu.memory_space<vmem>>
      %dma_start3A_280 = tpu.memref_squeeze %dma_start3A_279 : memref<1x96x128xf32, #tpu.memory_space<vmem>> -> memref<96x128xf32, #tpu.memory_space<vmem>>
      %dma_start3A_281 = tpu.memref_slice %arg7[%mul3A_274] : memref<10000xi32, #tpu.memory_space<vmem>> -> memref<96xi32, #tpu.memory_space<vmem>>
      %dma_start3A_282 = arith.constant 0 : i32
      %dma_start3A_283 = arith.constant 0 : i32
      %dma_start3A_284 = tpu.memref_slice %arg5[%dma_start3A_282, %dma_start3A_283] : memref<10000x128xf32, #tpu.memory_space<hbm>> -> memref<10000x128xf32, #tpu.memory_space<hbm>>
      %dma_start3A_285 = tpu.memref_slice %arg13[%dma_start3A_276] : memref<3x!tpu.dma_semaphore, #tpu.memory_space<semaphore_mem>> -> memref<1x!tpu.dma_semaphore, #tpu.memory_space<semaphore_mem>>
      %dma_start3A_286 = tpu.memref_squeeze %dma_start3A_285 : memref<1x!tpu.dma_semaphore, #tpu.memory_space<semaphore_mem>> -> memref<!tpu.dma_semaphore, #tpu.memory_space<semaphore_mem>>
      tpu.enqueue_indirect_dma source(%dma_start3A_284 : memref<10000x128xf32, #tpu.memory_space<hbm>>) target(%dma_start3A_280 : memref<96x128xf32, #tpu.memory_space<vmem>>) offsets(%dma_start3A_281 : memref<96xi32, #tpu.memory_space<vmem>>) semaphore(%dma_start3A_286 : memref<!tpu.dma_semaphore, #tpu.memory_space<semaphore_mem>>)
      %add3A_287 = arith.constant 1 : i32
      %add3A_288 = arith.addi %mul3A_184, %add3A_287 : i32
      %mul3A_289 = arith.constant 96 : i32
      %mul3A_290 = arith.muli %add3A_288, %mul3A_289 : i32
      %add3A_291 = arith.addi %mul3A_11, %mul3A_290 : i32
      %dma_wait3A_292 = arith.constant 1 : i32
      %dma_wait3A_293 = arith.constant 1 : i32
      %dma_wait3A_294 = arith.constant 0 : i32
      %dma_wait3A_295 = tpu.memref_slice %arg8[%dma_wait3A_292, %dma_wait3A_294] : memref<3x96xi32, #tpu.memory_space<vmem>> -> memref<1x96xi32, #tpu.memory_space<vmem>>
      %dma_wait3A_296 = tpu.memref_squeeze %dma_wait3A_295 : memref<1x96xi32, #tpu.memory_space<vmem>> -> memref<96xi32, #tpu.memory_space<vmem>>
      %dma_wait3A_297 = tpu.memref_slice %arg3[%add3A_291] : memref<320000xi32, #tpu.memory_space<hbm>> -> memref<96xi32, #tpu.memory_space<hbm>>
      %dma_wait3A_298 = tpu.memref_slice %arg14[%dma_wait3A_293] : memref<3x!tpu.dma_semaphore, #tpu.memory_space<semaphore_mem>> -> memref<1x!tpu.dma_semaphore, #tpu.memory_space<semaphore_mem>>
      %dma_wait3A_299 = tpu.memref_squeeze %dma_wait3A_298 : memref<1x!tpu.dma_semaphore, #tpu.memory_space<semaphore_mem>> -> memref<!tpu.dma_semaphore, #tpu.memory_space<semaphore_mem>>
      %dma_wait3A_300 = arith.constant 0 : i32
      %dma_wait3A_301 = tpu.memref_slice %arg8[%dma_wait3A_292, %dma_wait3A_300] : memref<3x96xi32, #tpu.memory_space<vmem>> -> memref<1x96xi32, #tpu.memory_space<vmem>>
      %dma_wait3A_302 = tpu.memref_squeeze %dma_wait3A_301 : memref<1x96xi32, #tpu.memory_space<vmem>> -> memref<96xi32, #tpu.memory_space<vmem>>
      %dma_wait3A_303 = tpu.memref_slice %arg3[%add3A_291] : memref<320000xi32, #tpu.memory_space<hbm>> -> memref<96xi32, #tpu.memory_space<hbm>>
      tpu.wait_dma2 semaphore(%dma_wait3A_299 : memref<!tpu.dma_semaphore, #tpu.memory_space<semaphore_mem>>) src(%dma_wait3A_303 : memref<96xi32, #tpu.memory_space<hbm>>) dst(%dma_wait3A_302 : memref<96xi32, #tpu.memory_space<vmem>>)
      %mul3A_304 = arith.constant 96 : i32
      %mul3A_305 = arith.muli %add3A_288, %mul3A_304 : i32
      %dma_wait3A_306 = arith.constant 1 : i32
      %dma_wait3A_307 = arith.constant 1 : i32
      %dma_wait3A_308 = arith.constant 0 : i32
      %dma_wait3A_309 = arith.constant 0 : i32
      %dma_wait3A_310 = tpu.memref_slice %arg9[%dma_wait3A_306, %dma_wait3A_308, %dma_wait3A_309] : memref<3x96x128xf32, #tpu.memory_space<vmem>> -> memref<1x96x128xf32, #tpu.memory_space<vmem>>
      %dma_wait3A_311 = tpu.memref_squeeze %dma_wait3A_310 : memref<1x96x128xf32, #tpu.memory_space<vmem>> -> memref<96x128xf32, #tpu.memory_space<vmem>>
      %dma_wait3A_312 = tpu.memref_slice %arg7[%mul3A_305] : memref<10000xi32, #tpu.memory_space<vmem>> -> memref<96xi32, #tpu.memory_space<vmem>>
      %dma_wait3A_313 = arith.constant 0 : i32
      %dma_wait3A_314 = arith.constant 0 : i32
      %dma_wait3A_315 = tpu.memref_slice %arg5[%dma_wait3A_313, %dma_wait3A_314] : memref<10000x128xf32, #tpu.memory_space<hbm>> -> memref<10000x128xf32, #tpu.memory_space<hbm>>
      %dma_wait3A_316 = tpu.memref_slice %arg13[%dma_wait3A_307] : memref<3x!tpu.dma_semaphore, #tpu.memory_space<semaphore_mem>> -> memref<1x!tpu.dma_semaphore, #tpu.memory_space<semaphore_mem>>
      %dma_wait3A_317 = tpu.memref_squeeze %dma_wait3A_316 : memref<1x!tpu.dma_semaphore, #tpu.memory_space<semaphore_mem>> -> memref<!tpu.dma_semaphore, #tpu.memory_space<semaphore_mem>>
      tpu.wait_indirect_dma semaphore(%dma_wait3A_317 : memref<!tpu.dma_semaphore, #tpu.memory_space<semaphore_mem>>) src(%dma_wait3A_315 : memref<10000x128xf32, #tpu.memory_space<hbm>>) dst(%dma_wait3A_311 : memref<96x128xf32, #tpu.memory_space<vmem>>)
      %run_scoped3A_318 = arith.constant 1 : i32
      %run_scoped3A_319 = arith.constant 1 : i32
      "tpu.region"() ({
        %run_scoped3A_389 = tpu.sem_alloc : memref<!tpu.dma_semaphore, #tpu.memory_space<semaphore_mem>>
        %dma_start3A_390 = arith.constant 0 : i32
        %dma_start3A_391 = arith.constant 0 : i32
        %dma_start3A_392 = tpu.memref_slice %arg9[%run_scoped3A_318, %dma_start3A_390, %dma_start3A_391] : memref<3x96x128xf32, #tpu.memory_space<vmem>> -> memref<1x96x128xf32, #tpu.memory_space<vmem>>
        %dma_start3A_393 = tpu.memref_squeeze %dma_start3A_392 : memref<1x96x128xf32, #tpu.memory_space<vmem>> -> memref<96x128xf32, #tpu.memory_space<vmem>>
        %dma_start3A_394 = arith.constant 0 : i32
        %dma_start3A_395 = tpu.memref_slice %arg8[%run_scoped3A_319, %dma_start3A_394] : memref<3x96xi32, #tpu.memory_space<vmem>> -> memref<1x96xi32, #tpu.memory_space<vmem>>
        %dma_start3A_396 = tpu.memref_squeeze %dma_start3A_395 : memref<1x96xi32, #tpu.memory_space<vmem>> -> memref<96xi32, #tpu.memory_space<vmem>>
        %dma_start3A_397 = arith.constant 0 : i32
        %dma_start3A_398 = arith.constant 0 : i32
        %dma_start3A_399 = tpu.memref_slice %arg12[%dma_start3A_397, %dma_start3A_398] : memref<10000x128xf32, #tpu.memory_space<vmem_shared>> -> memref<10000x128xf32, #tpu.memory_space<vmem_shared>>
        tpu.enqueue_indirect_dma source(%dma_start3A_393 : memref<96x128xf32, #tpu.memory_space<vmem>>) target(%dma_start3A_399 : memref<10000x128xf32, #tpu.memory_space<vmem_shared>>) offsets(%dma_start3A_396 : memref<96xi32, #tpu.memory_space<vmem>>) semaphore(%run_scoped3A_389 : memref<!tpu.dma_semaphore, #tpu.memory_space<semaphore_mem>>) {add = true}
        %dma_wait3A_400 = arith.constant 0 : i32
        %dma_wait3A_401 = arith.constant 0 : i32
        %dma_wait3A_402 = tpu.memref_slice %arg9[%run_scoped3A_318, %dma_wait3A_400, %dma_wait3A_401] : memref<3x96x128xf32, #tpu.memory_space<vmem>> -> memref<1x96x128xf32, #tpu.memory_space<vmem>>
        %dma_wait3A_403 = tpu.memref_squeeze %dma_wait3A_402 : memref<1x96x128xf32, #tpu.memory_space<vmem>> -> memref<96x128xf32, #tpu.memory_space<vmem>>
        %dma_wait3A_404 = arith.constant 0 : i32
        %dma_wait3A_405 = tpu.memref_slice %arg8[%run_scoped3A_319, %dma_wait3A_404] : memref<3x96xi32, #tpu.memory_space<vmem>> -> memref<1x96xi32, #tpu.memory_space<vmem>>
        %dma_wait3A_406 = tpu.memref_squeeze %dma_wait3A_405 : memref<1x96xi32, #tpu.memory_space<vmem>> -> memref<96xi32, #tpu.memory_space<vmem>>
        %dma_wait3A_407 = arith.constant 0 : i32
        %dma_wait3A_408 = arith.constant 0 : i32
        %dma_wait3A_409 = tpu.memref_slice %arg12[%dma_wait3A_407, %dma_wait3A_408] : memref<10000x128xf32, #tpu.memory_space<vmem_shared>> -> memref<10000x128xf32, #tpu.memory_space<vmem_shared>>
        tpu.wait_indirect_dma semaphore(%run_scoped3A_389 : memref<!tpu.dma_semaphore, #tpu.memory_space<semaphore_mem>>) src(%dma_wait3A_403 : memref<96x128xf32, #tpu.memory_space<vmem>>) dst(%dma_wait3A_409 : memref<10000x128xf32, #tpu.memory_space<vmem_shared>>)
        tpu.yield
      }) : () -> ()
      %add3A_320 = arith.constant 2 : i32
      %add3A_321 = arith.addi %mul3A_184, %add3A_320 : i32
      %add3A_322 = arith.constant 3 : i32
      %add3A_323 = arith.addi %add3A_321, %add3A_322 : i32
      %sub3A_324 = arith.constant 1 : i32
      %sub3A_325 = arith.subi %add3A_323, %sub3A_324 : i32
      %mul3A_326 = arith.constant 96 : i32
      %mul3A_327 = arith.muli %sub3A_325, %mul3A_326 : i32
      %add3A_328 = arith.addi %mul3A_11, %mul3A_327 : i32
      %dma_start3A_329 = arith.constant 1 : i32
      %dma_start3A_330 = arith.constant 1 : i32
      %dma_start3A_331 = arith.constant 0 : i32
      %dma_start3A_332 = tpu.memref_slice %arg8[%dma_start3A_329, %dma_start3A_331] : memref<3x96xi32, #tpu.memory_space<vmem>> -> memref<1x96xi32, #tpu.memory_space<vmem>>
      %dma_start3A_333 = tpu.memref_squeeze %dma_start3A_332 : memref<1x96xi32, #tpu.memory_space<vmem>> -> memref<96xi32, #tpu.memory_space<vmem>>
      %dma_start3A_334 = tpu.memref_slice %arg3[%add3A_328] : memref<320000xi32, #tpu.memory_space<hbm>> -> memref<96xi32, #tpu.memory_space<hbm>>
      %dma_start3A_335 = tpu.memref_slice %arg14[%dma_start3A_330] : memref<3x!tpu.dma_semaphore, #tpu.memory_space<semaphore_mem>> -> memref<1x!tpu.dma_semaphore, #tpu.memory_space<semaphore_mem>>
      %dma_start3A_336 = tpu.memref_squeeze %dma_start3A_335 : memref<1x!tpu.dma_semaphore, #tpu.memory_space<semaphore_mem>> -> memref<!tpu.dma_semaphore, #tpu.memory_space<semaphore_mem>>
      %dma_start3A_337 = arith.constant 0 : i32
      %dma_start3A_338 = tpu.memref_slice %arg8[%dma_start3A_329, %dma_start3A_337] : memref<3x96xi32, #tpu.memory_space<vmem>> -> memref<1x96xi32, #tpu.memory_space<vmem>>
      %dma_start3A_339 = tpu.memref_squeeze %dma_start3A_338 : memref<1x96xi32, #tpu.memory_space<vmem>> -> memref<96xi32, #tpu.memory_space<vmem>>
      %dma_start3A_340 = tpu.memref_slice %arg3[%add3A_328] : memref<320000xi32, #tpu.memory_space<hbm>> -> memref<96xi32, #tpu.memory_space<hbm>>
      tpu.enqueue_dma source(%dma_start3A_340 : memref<96xi32, #tpu.memory_space<hbm>>) target(%dma_start3A_339 : memref<96xi32, #tpu.memory_space<vmem>>) target_semaphore(%dma_start3A_336 : memref<!tpu.dma_semaphore, #tpu.memory_space<semaphore_mem>>)
      %mul3A_341 = arith.constant 96 : i32
      %mul3A_342 = arith.muli %sub3A_325, %mul3A_341 : i32
      %dma_start3A_343 = arith.constant 1 : i32
      %dma_start3A_344 = arith.constant 1 : i32
      %dma_start3A_345 = arith.constant 0 : i32
      %dma_start3A_346 = arith.constant 0 : i32
      %dma_start3A_347 = tpu.memref_slice %arg9[%dma_start3A_343, %dma_start3A_345, %dma_start3A_346] : memref<3x96x128xf32, #tpu.memory_space<vmem>> -> memref<1x96x128xf32, #tpu.memory_space<vmem>>
      %dma_start3A_348 = tpu.memref_squeeze %dma_start3A_347 : memref<1x96x128xf32, #tpu.memory_space<vmem>> -> memref<96x128xf32, #tpu.memory_space<vmem>>
      %dma_start3A_349 = tpu.memref_slice %arg7[%mul3A_342] : memref<10000xi32, #tpu.memory_space<vmem>> -> memref<96xi32, #tpu.memory_space<vmem>>
      %dma_start3A_350 = arith.constant 0 : i32
      %dma_start3A_351 = arith.constant 0 : i32
      %dma_start3A_352 = tpu.memref_slice %arg5[%dma_start3A_350, %dma_start3A_351] : memref<10000x128xf32, #tpu.memory_space<hbm>> -> memref<10000x128xf32, #tpu.memory_space<hbm>>
      %dma_start3A_353 = tpu.memref_slice %arg13[%dma_start3A_344] : memref<3x!tpu.dma_semaphore, #tpu.memory_space<semaphore_mem>> -> memref<1x!tpu.dma_semaphore, #tpu.memory_space<semaphore_mem>>
      %dma_start3A_354 = tpu.memref_squeeze %dma_start3A_353 : memref<1x!tpu.dma_semaphore, #tpu.memory_space<semaphore_mem>> -> memref<!tpu.dma_semaphore, #tpu.memory_space<semaphore_mem>>
      tpu.enqueue_indirect_dma source(%dma_start3A_352 : memref<10000x128xf32, #tpu.memory_space<hbm>>) target(%dma_start3A_348 : memref<96x128xf32, #tpu.memory_space<vmem>>) offsets(%dma_start3A_349 : memref<96xi32, #tpu.memory_space<vmem>>) semaphore(%dma_start3A_354 : memref<!tpu.dma_semaphore, #tpu.memory_space<semaphore_mem>>)
      %add3A_355 = arith.constant 2 : i32
      %add3A_356 = arith.addi %mul3A_184, %add3A_355 : i32
      %mul3A_357 = arith.constant 96 : i32
      %mul3A_358 = arith.muli %add3A_356, %mul3A_357 : i32
      %add3A_359 = arith.addi %mul3A_11, %mul3A_358 : i32
      %dma_wait3A_360 = arith.constant 2 : i32
      %dma_wait3A_361 = arith.constant 2 : i32
      %dma_wait3A_362 = arith.constant 0 : i32
      %dma_wait3A_363 = tpu.memref_slice %arg8[%dma_wait3A_360, %dma_wait3A_362] : memref<3x96xi32, #tpu.memory_space<vmem>> -> memref<1x96xi32, #tpu.memory_space<vmem>>
      %dma_wait3A_364 = tpu.memref_squeeze %dma_wait3A_363 : memref<1x96xi32, #tpu.memory_space<vmem>> -> memref<96xi32, #tpu.memory_space<vmem>>
      %dma_wait3A_365 = tpu.memref_slice %arg3[%add3A_359] : memref<320000xi32, #tpu.memory_space<hbm>> -> memref<96xi32, #tpu.memory_space<hbm>>
      %dma_wait3A_366 = tpu.memref_slice %arg14[%dma_wait3A_361] : memref<3x!tpu.dma_semaphore, #tpu.memory_space<semaphore_mem>> -> memref<1x!tpu.dma_semaphore, #tpu.memory_space<semaphore_mem>>
      %dma_wait3A_367 = tpu.memref_squeeze %dma_wait3A_366 : memref<1x!tpu.dma_semaphore, #tpu.memory_space<semaphore_mem>> -> memref<!tpu.dma_semaphore, #tpu.memory_space<semaphore_mem>>
      %dma_wait3A_368 = arith.constant 0 : i32
      %dma_wait3A_369 = tpu.memref_slice %arg8[%dma_wait3A_360, %dma_wait3A_368] : memref<3x96xi32, #tpu.memory_space<vmem>> -> memref<1x96xi32, #tpu.memory_space<vmem>>
      %dma_wait3A_370 = tpu.memref_squeeze %dma_wait3A_369 : memref<1x96xi32, #tpu.memory_space<vmem>> -> memref<96xi32, #tpu.memory_space<vmem>>
      %dma_wait3A_371 = tpu.memref_slice %arg3[%add3A_359] : memref<320000xi32, #tpu.memory_space<hbm>> -> memref<96xi32, #tpu.memory_space<hbm>>
      tpu.wait_dma2 semaphore(%dma_wait3A_367 : memref<!tpu.dma_semaphore, #tpu.memory_space<semaphore_mem>>) src(%dma_wait3A_371 : memref<96xi32, #tpu.memory_space<hbm>>) dst(%dma_wait3A_370 : memref<96xi32, #tpu.memory_space<vmem>>)
      %mul3A_372 = arith.constant 96 : i32
      %mul3A_373 = arith.muli %add3A_356, %mul3A_372 : i32
      %dma_wait3A_374 = arith.constant 2 : i32
      %dma_wait3A_375 = arith.constant 2 : i32
      %dma_wait3A_376 = arith.constant 0 : i32
      %dma_wait3A_377 = arith.constant 0 : i32
      %dma_wait3A_378 = tpu.memref_slice %arg9[%dma_wait3A_374, %dma_wait3A_376, %dma_wait3A_377] : memref<3x96x128xf32, #tpu.memory_space<vmem>> -> memref<1x96x128xf32, #tpu.memory_space<vmem>>
      %dma_wait3A_379 = tpu.memref_squeeze %dma_wait3A_378 : memref<1x96x128xf32, #tpu.memory_space<vmem>> -> memref<96x128xf32, #tpu.memory_space<vmem>>
      %dma_wait3A_380 = tpu.memref_slice %arg7[%mul3A_373] : memref<10000xi32, #tpu.memory_space<vmem>> -> memref<96xi32, #tpu.memory_space<vmem>>
      %dma_wait3A_381 = arith.constant 0 : i32
      %dma_wait3A_382 = arith.constant 0 : i32
      %dma_wait3A_383 = tpu.memref_slice %arg5[%dma_wait3A_381, %dma_wait3A_382] : memref<10000x128xf32, #tpu.memory_space<hbm>> -> memref<10000x128xf32, #tpu.memory_space<hbm>>
      %dma_wait3A_384 = tpu.memref_slice %arg13[%dma_wait3A_375] : memref<3x!tpu.dma_semaphore, #tpu.memory_space<semaphore_mem>> -> memref<1x!tpu.dma_semaphore, #tpu.memory_space<semaphore_mem>>
      %dma_wait3A_385 = tpu.memref_squeeze %dma_wait3A_384 : memref<1x!tpu.dma_semaphore, #tpu.memory_space<semaphore_mem>> -> memref<!tpu.dma_semaphore, #tpu.memory_space<semaphore_mem>>
      tpu.wait_indirect_dma semaphore(%dma_wait3A_385 : memref<!tpu.dma_semaphore, #tpu.memory_space<semaphore_mem>>) src(%dma_wait3A_383 : memref<10000x128xf32, #tpu.memory_space<hbm>>) dst(%dma_wait3A_379 : memref<96x128xf32, #tpu.memory_space<vmem>>)
      %run_scoped3A_386 = arith.constant 2 : i32
      %run_scoped3A_387 = arith.constant 2 : i32
      "tpu.region"() ({
        %run_scoped3A_389 = tpu.sem_alloc : memref<!tpu.dma_semaphore, #tpu.memory_space<semaphore_mem>>
        %dma_start3A_390 = arith.constant 0 : i32
        %dma_start3A_391 = arith.constant 0 : i32
        %dma_start3A_392 = tpu.memref_slice %arg9[%run_scoped3A_386, %dma_start3A_390, %dma_start3A_391] : memref<3x96x128xf32, #tpu.memory_space<vmem>> -> memref<1x96x128xf32, #tpu.memory_space<vmem>>
        %dma_start3A_393 = tpu.memref_squeeze %dma_start3A_392 : memref<1x96x128xf32, #tpu.memory_space<vmem>> -> memref<96x128xf32, #tpu.memory_space<vmem>>
        %dma_start3A_394 = arith.constant 0 : i32
        %dma_start3A_395 = tpu.memref_slice %arg8[%run_scoped3A_387, %dma_start3A_394] : memref<3x96xi32, #tpu.memory_space<vmem>> -> memref<1x96xi32, #tpu.memory_space<vmem>>
        %dma_start3A_396 = tpu.memref_squeeze %dma_start3A_395 : memref<1x96xi32, #tpu.memory_space<vmem>> -> memref<96xi32, #tpu.memory_space<vmem>>
        %dma_start3A_397 = arith.constant 0 : i32
        %dma_start3A_398 = arith.constant 0 : i32
        %dma_start3A_399 = tpu.memref_slice %arg12[%dma_start3A_397, %dma_start3A_398] : memref<10000x128xf32, #tpu.memory_space<vmem_shared>> -> memref<10000x128xf32, #tpu.memory_space<vmem_shared>>
        tpu.enqueue_indirect_dma source(%dma_start3A_393 : memref<96x128xf32, #tpu.memory_space<vmem>>) target(%dma_start3A_399 : memref<10000x128xf32, #tpu.memory_space<vmem_shared>>) offsets(%dma_start3A_396 : memref<96xi32, #tpu.memory_space<vmem>>) semaphore(%run_scoped3A_389 : memref<!tpu.dma_semaphore, #tpu.memory_space<semaphore_mem>>) {add = true}
        %dma_wait3A_400 = arith.constant 0 : i32
        %dma_wait3A_401 = arith.constant 0 : i32
        %dma_wait3A_402 = tpu.memref_slice %arg9[%run_scoped3A_386, %dma_wait3A_400, %dma_wait3A_401] : memref<3x96x128xf32, #tpu.memory_space<vmem>> -> memref<1x96x128xf32, #tpu.memory_space<vmem>>
        %dma_wait3A_403 = tpu.memref_squeeze %dma_wait3A_402 : memref<1x96x128xf32, #tpu.memory_space<vmem>> -> memref<96x128xf32, #tpu.memory_space<vmem>>
        %dma_wait3A_404 = arith.constant 0 : i32
        %dma_wait3A_405 = tpu.memref_slice %arg8[%run_scoped3A_387, %dma_wait3A_404] : memref<3x96xi32, #tpu.memory_space<vmem>> -> memref<1x96xi32, #tpu.memory_space<vmem>>
        %dma_wait3A_406 = tpu.memref_squeeze %dma_wait3A_405 : memref<1x96xi32, #tpu.memory_space<vmem>> -> memref<96xi32, #tpu.memory_space<vmem>>
        %dma_wait3A_407 = arith.constant 0 : i32
        %dma_wait3A_408 = arith.constant 0 : i32
        %dma_wait3A_409 = tpu.memref_slice %arg12[%dma_wait3A_407, %dma_wait3A_408] : memref<10000x128xf32, #tpu.memory_space<vmem_shared>> -> memref<10000x128xf32, #tpu.memory_space<vmem_shared>>
        tpu.wait_indirect_dma semaphore(%run_scoped3A_389 : memref<!tpu.dma_semaphore, #tpu.memory_space<semaphore_mem>>) src(%dma_wait3A_403 : memref<96x128xf32, #tpu.memory_space<vmem>>) dst(%dma_wait3A_409 : memref<10000x128xf32, #tpu.memory_space<vmem_shared>>)
        tpu.yield
      }) : () -> ()
      %scan3A_388 = arith.constant 0 : i32
      scf.yield %scan3A_388 : i32
    }
    %scan3A_98 = arith.constant 34 : i32
    %add3A_99 = arith.constant 9792 : i32
    %add3A_100 = arith.addi %mul3A_11, %add3A_99 : i32
    %dma_wait3A_101 = arith.constant 0 : i32
    %dma_wait3A_102 = arith.constant 0 : i32
    %dma_wait3A_103 = arith.constant 0 : i32
    %dma_wait3A_104 = tpu.memref_slice %arg8[%dma_wait3A_101, %dma_wait3A_103] : memref<3x96xi32, #tpu.memory_space<vmem>> -> memref<1x96xi32, #tpu.memory_space<vmem>>
    %dma_wait3A_105 = tpu.memref_squeeze %dma_wait3A_104 : memref<1x96xi32, #tpu.memory_space<vmem>> -> memref<96xi32, #tpu.memory_space<vmem>>
    %dma_wait3A_106 = tpu.memref_slice %arg3[%add3A_100] : memref<320000xi32, #tpu.memory_space<hbm>> -> memref<96xi32, #tpu.memory_space<hbm>>
    %dma_wait3A_107 = tpu.memref_slice %arg14[%dma_wait3A_102] : memref<3x!tpu.dma_semaphore, #tpu.memory_space<semaphore_mem>> -> memref<1x!tpu.dma_semaphore, #tpu.memory_space<semaphore_mem>>
    %dma_wait3A_108 = tpu.memref_squeeze %dma_wait3A_107 : memref<1x!tpu.dma_semaphore, #tpu.memory_space<semaphore_mem>> -> memref<!tpu.dma_semaphore, #tpu.memory_space<semaphore_mem>>
    %dma_wait3A_109 = arith.constant 0 : i32
    %dma_wait3A_110 = tpu.memref_slice %arg8[%dma_wait3A_101, %dma_wait3A_109] : memref<3x96xi32, #tpu.memory_space<vmem>> -> memref<1x96xi32, #tpu.memory_space<vmem>>
    %dma_wait3A_111 = tpu.memref_squeeze %dma_wait3A_110 : memref<1x96xi32, #tpu.memory_space<vmem>> -> memref<96xi32, #tpu.memory_space<vmem>>
    %dma_wait3A_112 = tpu.memref_slice %arg3[%add3A_100] : memref<320000xi32, #tpu.memory_space<hbm>> -> memref<96xi32, #tpu.memory_space<hbm>>
    tpu.wait_dma2 semaphore(%dma_wait3A_108 : memref<!tpu.dma_semaphore, #tpu.memory_space<semaphore_mem>>) src(%dma_wait3A_112 : memref<96xi32, #tpu.memory_space<hbm>>) dst(%dma_wait3A_111 : memref<96xi32, #tpu.memory_space<vmem>>)
    %dma_wait3A_113 = arith.constant 0 : i32
    %dma_wait3A_114 = arith.constant 0 : i32
    %dma_wait3A_115 = arith.constant 0 : i32
    %dma_wait3A_116 = arith.constant 0 : i32
    %dma_wait3A_117 = tpu.memref_slice %arg9[%dma_wait3A_113, %dma_wait3A_115, %dma_wait3A_116] : memref<3x96x128xf32, #tpu.memory_space<vmem>> -> memref<1x96x128xf32, #tpu.memory_space<vmem>>
    %dma_wait3A_118 = tpu.memref_squeeze %dma_wait3A_117 : memref<1x96x128xf32, #tpu.memory_space<vmem>> -> memref<96x128xf32, #tpu.memory_space<vmem>>
    %dma_wait3A_119 = arith.constant 9792 : i32
    %dma_wait3A_120 = tpu.memref_slice %arg7[%dma_wait3A_119] : memref<10000xi32, #tpu.memory_space<vmem>> -> memref<96xi32, #tpu.memory_space<vmem>>
    %dma_wait3A_121 = arith.constant 0 : i32
    %dma_wait3A_122 = arith.constant 0 : i32
    %dma_wait3A_123 = tpu.memref_slice %arg5[%dma_wait3A_121, %dma_wait3A_122] : memref<10000x128xf32, #tpu.memory_space<hbm>> -> memref<10000x128xf32, #tpu.memory_space<hbm>>
    %dma_wait3A_124 = tpu.memref_slice %arg13[%dma_wait3A_114] : memref<3x!tpu.dma_semaphore, #tpu.memory_space<semaphore_mem>> -> memref<1x!tpu.dma_semaphore, #tpu.memory_space<semaphore_mem>>
    %dma_wait3A_125 = tpu.memref_squeeze %dma_wait3A_124 : memref<1x!tpu.dma_semaphore, #tpu.memory_space<semaphore_mem>> -> memref<!tpu.dma_semaphore, #tpu.memory_space<semaphore_mem>>
    tpu.wait_indirect_dma semaphore(%dma_wait3A_125 : memref<!tpu.dma_semaphore, #tpu.memory_space<semaphore_mem>>) src(%dma_wait3A_123 : memref<10000x128xf32, #tpu.memory_space<hbm>>) dst(%dma_wait3A_118 : memref<96x128xf32, #tpu.memory_space<vmem>>)
    %run_scoped3A = arith.constant 0 : i32
    %run_scoped3A_126 = arith.constant 0 : i32
    "tpu.region"() ({
      %run_scoped3A_181 = tpu.sem_alloc : memref<!tpu.dma_semaphore, #tpu.memory_space<semaphore_mem>>
      %dma_start3A_182 = arith.constant 0 : i32
      %dma_start3A_183 = arith.constant 0 : i32
      %dma_start3A_184 = tpu.memref_slice %arg9[%run_scoped3A, %dma_start3A_182, %dma_start3A_183] : memref<3x96x128xf32, #tpu.memory_space<vmem>> -> memref<1x96x128xf32, #tpu.memory_space<vmem>>
      %dma_start3A_185 = tpu.memref_squeeze %dma_start3A_184 : memref<1x96x128xf32, #tpu.memory_space<vmem>> -> memref<96x128xf32, #tpu.memory_space<vmem>>
      %dma_start3A_186 = arith.constant 0 : i32
      %dma_start3A_187 = tpu.memref_slice %arg8[%run_scoped3A_126, %dma_start3A_186] : memref<3x96xi32, #tpu.memory_space<vmem>> -> memref<1x96xi32, #tpu.memory_space<vmem>>
      %dma_start3A_188 = tpu.memref_squeeze %dma_start3A_187 : memref<1x96xi32, #tpu.memory_space<vmem>> -> memref<96xi32, #tpu.memory_space<vmem>>
      %dma_start3A_189 = arith.constant 0 : i32
      %dma_start3A_190 = arith.constant 0 : i32
      %dma_start3A_191 = tpu.memref_slice %arg12[%dma_start3A_189, %dma_start3A_190] : memref<10000x128xf32, #tpu.memory_space<vmem_shared>> -> memref<10000x128xf32, #tpu.memory_space<vmem_shared>>
      tpu.enqueue_indirect_dma source(%dma_start3A_185 : memref<96x128xf32, #tpu.memory_space<vmem>>) target(%dma_start3A_191 : memref<10000x128xf32, #tpu.memory_space<vmem_shared>>) offsets(%dma_start3A_188 : memref<96xi32, #tpu.memory_space<vmem>>) semaphore(%run_scoped3A_181 : memref<!tpu.dma_semaphore, #tpu.memory_space<semaphore_mem>>) {add = true}
      %dma_wait3A_192 = arith.constant 0 : i32
      %dma_wait3A_193 = arith.constant 0 : i32
      %dma_wait3A_194 = tpu.memref_slice %arg9[%run_scoped3A, %dma_wait3A_192, %dma_wait3A_193] : memref<3x96x128xf32, #tpu.memory_space<vmem>> -> memref<1x96x128xf32, #tpu.memory_space<vmem>>
      %dma_wait3A_195 = tpu.memref_squeeze %dma_wait3A_194 : memref<1x96x128xf32, #tpu.memory_space<vmem>> -> memref<96x128xf32, #tpu.memory_space<vmem>>
      %dma_wait3A_196 = arith.constant 0 : i32
      %dma_wait3A_197 = tpu.memref_slice %arg8[%run_scoped3A_126, %dma_wait3A_196] : memref<3x96xi32, #tpu.memory_space<vmem>> -> memref<1x96xi32, #tpu.memory_space<vmem>>
      %dma_wait3A_198 = tpu.memref_squeeze %dma_wait3A_197 : memref<1x96xi32, #tpu.memory_space<vmem>> -> memref<96xi32, #tpu.memory_space<vmem>>
      %dma_wait3A_199 = arith.constant 0 : i32
      %dma_wait3A_200 = arith.constant 0 : i32
      %dma_wait3A_201 = tpu.memref_slice %arg12[%dma_wait3A_199, %dma_wait3A_200] : memref<10000x128xf32, #tpu.memory_space<vmem_shared>> -> memref<10000x128xf32, #tpu.memory_space<vmem_shared>>
      tpu.wait_indirect_dma semaphore(%run_scoped3A_181 : memref<!tpu.dma_semaphore, #tpu.memory_space<semaphore_mem>>) src(%dma_wait3A_195 : memref<96x128xf32, #tpu.memory_space<vmem>>) dst(%dma_wait3A_201 : memref<10000x128xf32, #tpu.memory_space<vmem_shared>>)
      tpu.yield
    }) : () -> ()
    %add3A_127 = arith.constant 9888 : i32
    %add3A_128 = arith.addi %mul3A_11, %add3A_127 : i32
    %dma_wait3A_129 = arith.constant 1 : i32
    %dma_wait3A_130 = arith.constant 1 : i32
    %dma_wait3A_131 = arith.constant 0 : i32
    %dma_wait3A_132 = tpu.memref_slice %arg8[%dma_wait3A_129, %dma_wait3A_131] : memref<3x96xi32, #tpu.memory_space<vmem>> -> memref<1x96xi32, #tpu.memory_space<vmem>>
    %dma_wait3A_133 = tpu.memref_squeeze %dma_wait3A_132 : memref<1x96xi32, #tpu.memory_space<vmem>> -> memref<96xi32, #tpu.memory_space<vmem>>
    %dma_wait3A_134 = tpu.memref_slice %arg3[%add3A_128] : memref<320000xi32, #tpu.memory_space<hbm>> -> memref<96xi32, #tpu.memory_space<hbm>>
    %dma_wait3A_135 = tpu.memref_slice %arg14[%dma_wait3A_130] : memref<3x!tpu.dma_semaphore, #tpu.memory_space<semaphore_mem>> -> memref<1x!tpu.dma_semaphore, #tpu.memory_space<semaphore_mem>>
    %dma_wait3A_136 = tpu.memref_squeeze %dma_wait3A_135 : memref<1x!tpu.dma_semaphore, #tpu.memory_space<semaphore_mem>> -> memref<!tpu.dma_semaphore, #tpu.memory_space<semaphore_mem>>
    %dma_wait3A_137 = arith.constant 0 : i32
    %dma_wait3A_138 = tpu.memref_slice %arg8[%dma_wait3A_129, %dma_wait3A_137] : memref<3x96xi32, #tpu.memory_space<vmem>> -> memref<1x96xi32, #tpu.memory_space<vmem>>
    %dma_wait3A_139 = tpu.memref_squeeze %dma_wait3A_138 : memref<1x96xi32, #tpu.memory_space<vmem>> -> memref<96xi32, #tpu.memory_space<vmem>>
    %dma_wait3A_140 = tpu.memref_slice %arg3[%add3A_128] : memref<320000xi32, #tpu.memory_space<hbm>> -> memref<96xi32, #tpu.memory_space<hbm>>
    tpu.wait_dma2 semaphore(%dma_wait3A_136 : memref<!tpu.dma_semaphore, #tpu.memory_space<semaphore_mem>>) src(%dma_wait3A_140 : memref<96xi32, #tpu.memory_space<hbm>>) dst(%dma_wait3A_139 : memref<96xi32, #tpu.memory_space<vmem>>)
    %dma_wait3A_141 = arith.constant 1 : i32
    %dma_wait3A_142 = arith.constant 1 : i32
    %dma_wait3A_143 = arith.constant 0 : i32
    %dma_wait3A_144 = arith.constant 0 : i32
    %dma_wait3A_145 = tpu.memref_slice %arg9[%dma_wait3A_141, %dma_wait3A_143, %dma_wait3A_144] : memref<3x96x128xf32, #tpu.memory_space<vmem>> -> memref<1x96x128xf32, #tpu.memory_space<vmem>>
    %dma_wait3A_146 = tpu.memref_squeeze %dma_wait3A_145 : memref<1x96x128xf32, #tpu.memory_space<vmem>> -> memref<96x128xf32, #tpu.memory_space<vmem>>
    %dma_wait3A_147 = arith.constant 9888 : i32
    %dma_wait3A_148 = tpu.memref_slice %arg7[%dma_wait3A_147] : memref<10000xi32, #tpu.memory_space<vmem>> -> memref<96xi32, #tpu.memory_space<vmem>>
    %dma_wait3A_149 = arith.constant 0 : i32
    %dma_wait3A_150 = arith.constant 0 : i32
    %dma_wait3A_151 = tpu.memref_slice %arg5[%dma_wait3A_149, %dma_wait3A_150] : memref<10000x128xf32, #tpu.memory_space<hbm>> -> memref<10000x128xf32, #tpu.memory_space<hbm>>
    %dma_wait3A_152 = tpu.memref_slice %arg13[%dma_wait3A_142] : memref<3x!tpu.dma_semaphore, #tpu.memory_space<semaphore_mem>> -> memref<1x!tpu.dma_semaphore, #tpu.memory_space<semaphore_mem>>
    %dma_wait3A_153 = tpu.memref_squeeze %dma_wait3A_152 : memref<1x!tpu.dma_semaphore, #tpu.memory_space<semaphore_mem>> -> memref<!tpu.dma_semaphore, #tpu.memory_space<semaphore_mem>>
    tpu.wait_indirect_dma semaphore(%dma_wait3A_153 : memref<!tpu.dma_semaphore, #tpu.memory_space<semaphore_mem>>) src(%dma_wait3A_151 : memref<10000x128xf32, #tpu.memory_space<hbm>>) dst(%dma_wait3A_146 : memref<96x128xf32, #tpu.memory_space<vmem>>)
    %run_scoped3A_154 = arith.constant 1 : i32
    %run_scoped3A_155 = arith.constant 1 : i32
    "tpu.region"() ({
      %run_scoped3A_181 = tpu.sem_alloc : memref<!tpu.dma_semaphore, #tpu.memory_space<semaphore_mem>>
      %dma_start3A_182 = arith.constant 0 : i32
      %dma_start3A_183 = arith.constant 0 : i32
      %dma_start3A_184 = tpu.memref_slice %arg9[%run_scoped3A_154, %dma_start3A_182, %dma_start3A_183] : memref<3x96x128xf32, #tpu.memory_space<vmem>> -> memref<1x96x128xf32, #tpu.memory_space<vmem>>
      %dma_start3A_185 = tpu.memref_squeeze %dma_start3A_184 : memref<1x96x128xf32, #tpu.memory_space<vmem>> -> memref<96x128xf32, #tpu.memory_space<vmem>>
      %dma_start3A_186 = arith.constant 0 : i32
      %dma_start3A_187 = tpu.memref_slice %arg8[%run_scoped3A_155, %dma_start3A_186] : memref<3x96xi32, #tpu.memory_space<vmem>> -> memref<1x96xi32, #tpu.memory_space<vmem>>
      %dma_start3A_188 = tpu.memref_squeeze %dma_start3A_187 : memref<1x96xi32, #tpu.memory_space<vmem>> -> memref<96xi32, #tpu.memory_space<vmem>>
      %dma_start3A_189 = arith.constant 0 : i32
      %dma_start3A_190 = arith.constant 0 : i32
      %dma_start3A_191 = tpu.memref_slice %arg12[%dma_start3A_189, %dma_start3A_190] : memref<10000x128xf32, #tpu.memory_space<vmem_shared>> -> memref<10000x128xf32, #tpu.memory_space<vmem_shared>>
      tpu.enqueue_indirect_dma source(%dma_start3A_185 : memref<96x128xf32, #tpu.memory_space<vmem>>) target(%dma_start3A_191 : memref<10000x128xf32, #tpu.memory_space<vmem_shared>>) offsets(%dma_start3A_188 : memref<96xi32, #tpu.memory_space<vmem>>) semaphore(%run_scoped3A_181 : memref<!tpu.dma_semaphore, #tpu.memory_space<semaphore_mem>>) {add = true}
      %dma_wait3A_192 = arith.constant 0 : i32
      %dma_wait3A_193 = arith.constant 0 : i32
      %dma_wait3A_194 = tpu.memref_slice %arg9[%run_scoped3A_154, %dma_wait3A_192, %dma_wait3A_193] : memref<3x96x128xf32, #tpu.memory_space<vmem>> -> memref<1x96x128xf32, #tpu.memory_space<vmem>>
      %dma_wait3A_195 = tpu.memref_squeeze %dma_wait3A_194 : memref<1x96x128xf32, #tpu.memory_space<vmem>> -> memref<96x128xf32, #tpu.memory_space<vmem>>
      %dma_wait3A_196 = arith.constant 0 : i32
      %dma_wait3A_197 = tpu.memref_slice %arg8[%run_scoped3A_155, %dma_wait3A_196] : memref<3x96xi32, #tpu.memory_space<vmem>> -> memref<1x96xi32, #tpu.memory_space<vmem>>
      %dma_wait3A_198 = tpu.memref_squeeze %dma_wait3A_197 : memref<1x96xi32, #tpu.memory_space<vmem>> -> memref<96xi32, #tpu.memory_space<vmem>>
      %dma_wait3A_199 = arith.constant 0 : i32
      %dma_wait3A_200 = arith.constant 0 : i32
      %dma_wait3A_201 = tpu.memref_slice %arg12[%dma_wait3A_199, %dma_wait3A_200] : memref<10000x128xf32, #tpu.memory_space<vmem_shared>> -> memref<10000x128xf32, #tpu.memory_space<vmem_shared>>
      tpu.wait_indirect_dma semaphore(%run_scoped3A_181 : memref<!tpu.dma_semaphore, #tpu.memory_space<semaphore_mem>>) src(%dma_wait3A_195 : memref<96x128xf32, #tpu.memory_space<vmem>>) dst(%dma_wait3A_201 : memref<10000x128xf32, #tpu.memory_space<vmem_shared>>)
      tpu.yield
    }) : () -> ()
    %add3A_156 = arith.constant 9984 : i32
    %add3A_157 = arith.addi %mul3A_11, %add3A_156 : i32
    %dma_wait3A_158 = arith.constant 0 : i32
    %dma_wait3A_159 = tpu.memref_slice %arg3[%add3A_157] : memref<320000xi32, #tpu.memory_space<hbm>> -> memref<16xi32, #tpu.memory_space<hbm>>
    %dma_wait3A_160 = tpu.memref_slice %arg15[%dma_wait3A_158] : memref<2x!tpu.dma_semaphore, #tpu.memory_space<semaphore_mem>> -> memref<1x!tpu.dma_semaphore, #tpu.memory_space<semaphore_mem>>
    %dma_wait3A_161 = tpu.memref_squeeze %dma_wait3A_160 : memref<1x!tpu.dma_semaphore, #tpu.memory_space<semaphore_mem>> -> memref<!tpu.dma_semaphore, #tpu.memory_space<semaphore_mem>>
    %dma_wait3A_162 = tpu.memref_slice %arg3[%add3A_157] : memref<320000xi32, #tpu.memory_space<hbm>> -> memref<16xi32, #tpu.memory_space<hbm>>
    tpu.wait_dma2 semaphore(%dma_wait3A_161 : memref<!tpu.dma_semaphore, #tpu.memory_space<semaphore_mem>>) src(%dma_wait3A_162 : memref<16xi32, #tpu.memory_space<hbm>>) dst(%arg10 : memref<16xi32, #tpu.memory_space<vmem>>)
    %dma_wait3A_163 = arith.constant 1 : i32
    %dma_wait3A_164 = arith.constant 9984 : i32
    %dma_wait3A_165 = tpu.memref_slice %arg7[%dma_wait3A_164] : memref<10000xi32, #tpu.memory_space<vmem>> -> memref<16xi32, #tpu.memory_space<vmem>>
    %dma_wait3A_166 = arith.constant 0 : i32
    %dma_wait3A_167 = arith.constant 0 : i32
    %dma_wait3A_168 = tpu.memref_slice %arg5[%dma_wait3A_166, %dma_wait3A_167] : memref<10000x128xf32, #tpu.memory_space<hbm>> -> memref<10000x128xf32, #tpu.memory_space<hbm>>
    %dma_wait3A_169 = tpu.memref_slice %arg15[%dma_wait3A_163] : memref<2x!tpu.dma_semaphore, #tpu.memory_space<semaphore_mem>> -> memref<1x!tpu.dma_semaphore, #tpu.memory_space<semaphore_mem>>
    %dma_wait3A_170 = tpu.memref_squeeze %dma_wait3A_169 : memref<1x!tpu.dma_semaphore, #tpu.memory_space<semaphore_mem>> -> memref<!tpu.dma_semaphore, #tpu.memory_space<semaphore_mem>>
    tpu.wait_indirect_dma semaphore(%dma_wait3A_170 : memref<!tpu.dma_semaphore, #tpu.memory_space<semaphore_mem>>) src(%dma_wait3A_168 : memref<10000x128xf32, #tpu.memory_space<hbm>>) dst(%arg11 : memref<16x128xf32, #tpu.memory_space<vmem>>)
    "tpu.region"() ({
      %run_scoped3A_181 = tpu.sem_alloc : memref<!tpu.dma_semaphore, #tpu.memory_space<semaphore_mem>>
      %dma_start3A_182 = arith.constant 0 : i32
      %dma_start3A_183 = arith.constant 0 : i32
      %dma_start3A_184 = tpu.memref_slice %arg12[%dma_start3A_182, %dma_start3A_183] : memref<10000x128xf32, #tpu.memory_space<vmem_shared>> -> memref<10000x128xf32, #tpu.memory_space<vmem_shared>>
      tpu.enqueue_indirect_dma source(%arg11 : memref<16x128xf32, #tpu.memory_space<vmem>>) target(%dma_start3A_184 : memref<10000x128xf32, #tpu.memory_space<vmem_shared>>) offsets(%arg10 : memref<16xi32, #tpu.memory_space<vmem>>) semaphore(%run_scoped3A_181 : memref<!tpu.dma_semaphore, #tpu.memory_space<semaphore_mem>>) {add = true}
      %dma_wait3A_185 = arith.constant 0 : i32
      %dma_wait3A_186 = arith.constant 0 : i32
      %dma_wait3A_187 = tpu.memref_slice %arg12[%dma_wait3A_185, %dma_wait3A_186] : memref<10000x128xf32, #tpu.memory_space<vmem_shared>> -> memref<10000x128xf32, #tpu.memory_space<vmem_shared>>
      tpu.wait_indirect_dma semaphore(%run_scoped3A_181 : memref<!tpu.dma_semaphore, #tpu.memory_space<semaphore_mem>>) src(%arg11 : memref<16x128xf32, #tpu.memory_space<vmem>>) dst(%dma_wait3A_187 : memref<10000x128xf32, #tpu.memory_space<vmem_shared>>)
      tpu.yield
    }) : () -> ()
    %barrier3A_171 = arith.constant 0 : index
    tpu.barrier barrier_id(%barrier3A_171)
    %mul3A_172 = arith.constant 624 : i32
    %mul3A_173 = arith.muli %arg1, %mul3A_172 : i32
    %mul3A_174 = arith.constant 624 : i32
    %mul3A_175 = arith.muli %arg1, %mul3A_174 : i32
    "tpu.region"() ({
      %run_scoped3A_181 = tpu.sem_alloc : memref<!tpu.dma_semaphore, #tpu.memory_space<semaphore_mem>>
      %dma_start3A_182 = arith.constant 0 : i32
      %dma_start3A_183 = tpu.memref_slice %arg6[%arg0, %mul3A_175, %dma_start3A_182] : memref<2x10000x128xf32, #tpu.memory_space<hbm>> -> memref<1x624x128xf32, #tpu.memory_space<hbm>>
      %dma_start3A_184 = tpu.memref_squeeze %dma_start3A_183 : memref<1x624x128xf32, #tpu.memory_space<hbm>> -> memref<624x128xf32, #tpu.memory_space<hbm>>
      %dma_start3A_185 = arith.constant 0 : i32
      %dma_start3A_186 = tpu.memref_slice %arg12[%mul3A_173, %dma_start3A_185] : memref<10000x128xf32, #tpu.memory_space<vmem_shared>> -> memref<624x128xf32, #tpu.memory_space<vmem_shared>>
      tpu.enqueue_dma source(%dma_start3A_186 : memref<624x128xf32, #tpu.memory_space<vmem_shared>>) target(%dma_start3A_184 : memref<624x128xf32, #tpu.memory_space<hbm>>) target_semaphore(%run_scoped3A_181 : memref<!tpu.dma_semaphore, #tpu.memory_space<semaphore_mem>>)
      %dma_wait3A_187 = arith.constant 0 : i32
      %dma_wait3A_188 = tpu.memref_slice %arg6[%arg0, %mul3A_175, %dma_wait3A_187] : memref<2x10000x128xf32, #tpu.memory_space<hbm>> -> memref<1x624x128xf32, #tpu.memory_space<hbm>>
      %dma_wait3A_189 = tpu.memref_squeeze %dma_wait3A_188 : memref<1x624x128xf32, #tpu.memory_space<hbm>> -> memref<624x128xf32, #tpu.memory_space<hbm>>
      %dma_wait3A_190 = arith.constant 0 : i32
      %dma_wait3A_191 = tpu.memref_slice %arg12[%mul3A_173, %dma_wait3A_190] : memref<10000x128xf32, #tpu.memory_space<vmem_shared>> -> memref<624x128xf32, #tpu.memory_space<vmem_shared>>
      tpu.wait_dma2 semaphore(%run_scoped3A_181 : memref<!tpu.dma_semaphore, #tpu.memory_space<semaphore_mem>>) src(%dma_wait3A_191 : memref<624x128xf32, #tpu.memory_space<vmem_shared>>) dst(%dma_wait3A_189 : memref<624x128xf32, #tpu.memory_space<hbm>>)
      tpu.yield
    }) : () -> ()
    %eq3A_176 = arith.constant 0 : i32
    %eq3A_177 = arith.cmpi eq, %arg1, %eq3A_176 : i32
    %convert_element_type3A_178 = arith.extui %eq3A_177 : i1 to i32
    %cond3A_179 = arith.constant 0 : i32
    %cond3A_180 = arith.cmpi ne, %convert_element_type3A_178, %cond3A_179 : i32
    scf.if %cond3A_180 {
      "tpu.region"() ({
        %run_scoped3A_181 = tpu.sem_alloc : memref<!tpu.dma_semaphore, #tpu.memory_space<semaphore_mem>>
        %dma_start3A_182 = arith.constant 9984 : i32
        %dma_start3A_183 = arith.constant 0 : i32
        %dma_start3A_184 = tpu.memref_slice %arg6[%arg0, %dma_start3A_182, %dma_start3A_183] : memref<2x10000x128xf32, #tpu.memory_space<hbm>> -> memref<1x16x128xf32, #tpu.memory_space<hbm>>
        %dma_start3A_185 = tpu.memref_squeeze %dma_start3A_184 : memref<1x16x128xf32, #tpu.memory_space<hbm>> -> memref<16x128xf32, #tpu.memory_space<hbm>>
        %dma_start3A_186 = arith.constant 9984 : i32
        %dma_start3A_187 = arith.constant 0 : i32
        %dma_start3A_188 = tpu.memref_slice %arg12[%dma_start3A_186, %dma_start3A_187] : memref<10000x128xf32, #tpu.memory_space<vmem_shared>> -> memref<16x128xf32, #tpu.memory_space<vmem_shared>>
        tpu.enqueue_dma source(%dma_start3A_188 : memref<16x128xf32, #tpu.memory_space<vmem_shared>>) target(%dma_start3A_185 : memref<16x128xf32, #tpu.memory_space<hbm>>) target_semaphore(%run_scoped3A_181 : memref<!tpu.dma_semaphore, #tpu.memory_space<semaphore_mem>>)
        %dma_wait3A_189 = arith.constant 9984 : i32
        %dma_wait3A_190 = arith.constant 0 : i32
        %dma_wait3A_191 = tpu.memref_slice %arg6[%arg0, %dma_wait3A_189, %dma_wait3A_190] : memref<2x10000x128xf32, #tpu.memory_space<hbm>> -> memref<1x16x128xf32, #tpu.memory_space<hbm>>
        %dma_wait3A_192 = tpu.memref_squeeze %dma_wait3A_191 : memref<1x16x128xf32, #tpu.memory_space<hbm>> -> memref<16x128xf32, #tpu.memory_space<hbm>>
        %dma_wait3A_193 = arith.constant 9984 : i32
        %dma_wait3A_194 = arith.constant 0 : i32
        %dma_wait3A_195 = tpu.memref_slice %arg12[%dma_wait3A_193, %dma_wait3A_194] : memref<10000x128xf32, #tpu.memory_space<vmem_shared>> -> memref<16x128xf32, #tpu.memory_space<vmem_shared>>
        tpu.wait_dma2 semaphore(%run_scoped3A_181 : memref<!tpu.dma_semaphore, #tpu.memory_space<semaphore_mem>>) src(%dma_wait3A_195 : memref<16x128xf32, #tpu.memory_space<vmem_shared>>) dst(%dma_wait3A_192 : memref<16x128xf32, #tpu.memory_space<hbm>>)
        tpu.yield
      }) : () -> ()
    } else {
    }
    return
  }
}

module attributes {stable_mosaic.version = 14 : i64} {
  func.func @_conv_body(%arg0: memref<10000x128xf32, #tpu.memory_space<vmem>>, %arg1: memref<2x10000x128xf32, #tpu.memory_space<vmem>>, %arg2: memref<128x128xf32, #tpu.memory_space<vmem>>, %arg3: memref<1x128xf32, #tpu.memory_space<vmem>>, %arg4: memref<1x128xf32, #tpu.memory_space<vmem>>, %arg5: memref<1x128xf32, #tpu.memory_space<vmem>>, %arg6: memref<10000x128xf32, #tpu.memory_space<vmem>>) attributes {dimension_semantics = [], scalar_prefetch = 0 : i64, scratch_operands = 0 : i64, tpu.core_type = #tpu.core_type<tc>} {
    %get3A = arith.constant 0 : index
    %get3A_0 = arith.constant 0 : index
    %get3A_1 = vector.load %arg0[%get3A, %get3A_0] : memref<10000x128xf32, #tpu.memory_space<vmem>>, vector<10000x128xf32>
    %get3A_2 = arith.constant 0 : index
    %get3A_3 = arith.constant 0 : index
    %get3A_4 = arith.constant 0 : index
    %get3A_5 = vector.load %arg1[%get3A_2, %get3A_3, %get3A_4] : memref<2x10000x128xf32, #tpu.memory_space<vmem>>, vector<1x10000x128xf32>
    %get3A_6 = vector.shape_cast %get3A_5 : vector<1x10000x128xf32> to vector<10000x128xf32>
    %add3A = arith.addf %get3A_1, %get3A_6 : vector<10000x128xf32>
    %get3A_7 = arith.constant 1 : index
    %get3A_8 = arith.constant 0 : index
    %get3A_9 = arith.constant 0 : index
    %get3A_10 = vector.load %arg1[%get3A_7, %get3A_8, %get3A_9] : memref<2x10000x128xf32, #tpu.memory_space<vmem>>, vector<1x10000x128xf32>
    %get3A_11 = vector.shape_cast %get3A_10 : vector<1x10000x128xf32> to vector<10000x128xf32>
    %add3A_12 = arith.addf %add3A, %get3A_11 : vector<10000x128xf32>
    %get3A_13 = arith.constant 0 : index
    %get3A_14 = arith.constant 0 : index
    %get3A_15 = vector.load %arg2[%get3A_13, %get3A_14] : memref<128x128xf32, #tpu.memory_space<vmem>>, vector<128x128xf32>
    %dot_general3A = arith.constant dense<0.000000e+00> : vector<10000x128xf32>
    %dot_general3A_16 = tpu.matmul %add3A_12, %get3A_15, %dot_general3A {dimension_numbers = #tpu.dot_dimension_numbers<[1], [0], [0], [1], [0, 0, 1, 1], [], []>, transpose_lhs_hint = false} : vector<10000x128xf32>, vector<128x128xf32>, vector<10000x128xf32> -> vector<10000x128xf32>
    %get3A_17 = arith.constant 0 : index
    %get3A_18 = arith.constant 0 : index
    %get3A_19 = vector.load %arg3[%get3A_17, %get3A_18] : memref<1x128xf32, #tpu.memory_space<vmem>>, vector<1x128xf32>
    %add3A_20 = vector.broadcast %get3A_19 : vector<1x128xf32> to vector<10000x128xf32>
    %add3A_21 = arith.addf %dot_general3A_16, %add3A_20 : vector<10000x128xf32>
    %get3A_22 = arith.constant 0 : index
    %get3A_23 = arith.constant 0 : index
    %get3A_24 = vector.load %arg4[%get3A_22, %get3A_23] : memref<1x128xf32, #tpu.memory_space<vmem>>, vector<1x128xf32>
    %get3A_25 = arith.constant 0 : index
    %get3A_26 = arith.constant 0 : index
    %get3A_27 = vector.load %arg5[%get3A_25, %get3A_26] : memref<1x128xf32, #tpu.memory_space<vmem>>, vector<1x128xf32>
    %reduce_sum3A = arith.constant dense<0.000000e+00> : vector<128xf32>
    %reduce_sum3A_28 = vector.multi_reduction <add>, %add3A_21, %reduce_sum3A [0] : vector<10000x128xf32> to vector<128xf32>
    %broadcast_in_dim3A = vector.shape_cast %reduce_sum3A_28 : vector<128xf32> to vector<1x128xf32>
    %div3A = arith.constant 1.000000e+04 : f32
    %div3A_29 = vector.broadcast %div3A : f32 to vector<1x128xf32>
    %div3A_30 = arith.divf %broadcast_in_dim3A, %div3A_29 : vector<1x128xf32>
    %sub3A = vector.broadcast %div3A_30 : vector<1x128xf32> to vector<10000x128xf32>
    %sub3A_31 = arith.subf %add3A_21, %sub3A : vector<10000x128xf32>
    %mul3A = arith.mulf %sub3A_31, %sub3A_31 : vector<10000x128xf32>
    %reduce_sum3A_32 = arith.constant dense<0.000000e+00> : vector<128xf32>
    %reduce_sum3A_33 = vector.multi_reduction <add>, %mul3A, %reduce_sum3A_32 [0] : vector<10000x128xf32> to vector<128xf32>
    %broadcast_in_dim3A_34 = vector.shape_cast %reduce_sum3A_33 : vector<128xf32> to vector<1x128xf32>
    %div3A_35 = arith.constant 1.000000e+04 : f32
    %div3A_36 = vector.broadcast %div3A_35 : f32 to vector<1x128xf32>
    %div3A_37 = arith.divf %broadcast_in_dim3A_34, %div3A_36 : vector<1x128xf32>
    %add3A_38 = arith.constant 9.99999974E-6 : f32
    %add3A_39 = vector.broadcast %add3A_38 : f32 to vector<1x128xf32>
    %add3A_40 = arith.addf %div3A_37, %add3A_39 : vector<1x128xf32>
    %rsqrt3A = math.rsqrt %add3A_40 : vector<1x128xf32>
    %mul3A_41 = vector.broadcast %rsqrt3A : vector<1x128xf32> to vector<10000x128xf32>
    %mul3A_42 = arith.mulf %sub3A_31, %mul3A_41 : vector<10000x128xf32>
    %mul3A_43 = vector.broadcast %get3A_24 : vector<1x128xf32> to vector<10000x128xf32>
    %mul3A_44 = arith.mulf %mul3A_42, %mul3A_43 : vector<10000x128xf32>
    %add3A_45 = vector.broadcast %get3A_27 : vector<1x128xf32> to vector<10000x128xf32>
    %add3A_46 = arith.addf %mul3A_44, %add3A_45 : vector<10000x128xf32>
    %gt3A = arith.constant 0.000000e+00 : f32
    %gt3A_47 = vector.broadcast %gt3A : f32 to vector<10000x128xf32>
    %gt3A_48 = arith.cmpf ogt, %add3A_46, %gt3A_47 : vector<10000x128xf32>
    %exp3A = math.exp %add3A_46 : vector<10000x128xf32>
    %sub3A_49 = arith.constant 1.000000e+00 : f32
    %sub3A_50 = vector.broadcast %sub3A_49 : f32 to vector<10000x128xf32>
    %sub3A_51 = arith.subf %exp3A, %sub3A_50 : vector<10000x128xf32>
    %select_n3A = arith.select %gt3A_48, %add3A_46, %sub3A_51 : vector<10000x128xi1>, vector<10000x128xf32>
    %swap3A = arith.constant 0 : index
    %swap3A_52 = arith.constant 0 : index
    %swap3A_53 = vector.load %arg6[%swap3A, %swap3A_52] : memref<10000x128xf32, #tpu.memory_space<vmem>>, vector<10000x128xf32>
    tpu.vector_store %arg6[%swap3A, %swap3A_52], %select_n3A {strides = array<i32>} : memref<10000x128xf32, #tpu.memory_space<vmem>>, vector<10000x128xf32>,
    return
  }
}

module attributes {stable_mosaic.version = 14 : i64} {
  func.func @_head_body(%arg0: memref<10000x128xf32, #tpu.memory_space<vmem>>, %arg1: memref<128x10xf32, #tpu.memory_space<vmem>>, %arg2: memref<1x10xf32, #tpu.memory_space<vmem>>, %arg3: memref<1x10xf32, #tpu.memory_space<vmem>>, %arg4: memref<1x10xf32, #tpu.memory_space<vmem>>, %arg5: memref<1x1xf32, #tpu.memory_space<vmem>>, %arg6: memref<1x1xf32, #tpu.memory_space<vmem>>, %arg7: memref<10000x1xi32, #tpu.memory_space<vmem>>, %arg8: memref<10000x10xf32, #tpu.memory_space<vmem>>, %arg9: memref<64x10xf32, #tpu.memory_space<vmem>>) attributes {dimension_semantics = [], scalar_prefetch = 0 : i64, scratch_operands = 0 : i64, tpu.core_type = #tpu.core_type<tc>} {
    %get3A = arith.constant 0 : index
    %get3A_0 = arith.constant 0 : index
    %get3A_1 = vector.load %arg0[%get3A, %get3A_0] : memref<10000x128xf32, #tpu.memory_space<vmem>>, vector<10000x128xf32>
    %get3A_2 = arith.constant 0 : index
    %get3A_3 = arith.constant 0 : index
    %get3A_4 = vector.load %arg1[%get3A_2, %get3A_3] : memref<128x10xf32, #tpu.memory_space<vmem>>, vector<128x10xf32>
    %get3A_5 = arith.constant 0 : index
    %get3A_6 = arith.constant 0 : index
    %get3A_7 = vector.load %arg2[%get3A_5, %get3A_6] : memref<1x10xf32, #tpu.memory_space<vmem>>, vector<1x10xf32>
    %get3A_8 = arith.constant 0 : index
    %get3A_9 = arith.constant 0 : index
    %get3A_10 = vector.load %arg3[%get3A_8, %get3A_9] : memref<1x10xf32, #tpu.memory_space<vmem>>, vector<1x10xf32>
    %get3A_11 = arith.constant 0 : index
    %get3A_12 = arith.constant 0 : index
    %get3A_13 = vector.load %arg4[%get3A_11, %get3A_12] : memref<1x10xf32, #tpu.memory_space<vmem>>, vector<1x10xf32>
    %dot_general3A = arith.constant dense<0.000000e+00> : vector<10000x10xf32>
    %dot_general3A_14 = tpu.matmul %get3A_1, %get3A_4, %dot_general3A {dimension_numbers = #tpu.dot_dimension_numbers<[1], [0], [0], [1], [0, 0, 1, 1], [], []>, transpose_lhs_hint = false} : vector<10000x128xf32>, vector<128x10xf32>, vector<10000x10xf32> -> vector<10000x10xf32>
    %add3A = vector.broadcast %get3A_7 : vector<1x10xf32> to vector<10000x10xf32>
    %add3A_15 = arith.addf %dot_general3A_14, %add3A : vector<10000x10xf32>
    %reduce_sum3A = arith.constant dense<0.000000e+00> : vector<10xf32>
    %reduce_sum3A_16 = vector.multi_reduction <add>, %add3A_15, %reduce_sum3A [0] : vector<10000x10xf32> to vector<10xf32>
    %broadcast_in_dim3A = vector.shape_cast %reduce_sum3A_16 : vector<10xf32> to vector<1x10xf32>
    %div3A = arith.constant 1.000000e+04 : f32
    %div3A_17 = vector.broadcast %div3A : f32 to vector<1x10xf32>
    %div3A_18 = arith.divf %broadcast_in_dim3A, %div3A_17 : vector<1x10xf32>
    %sub3A = vector.broadcast %div3A_18 : vector<1x10xf32> to vector<10000x10xf32>
    %sub3A_19 = arith.subf %add3A_15, %sub3A : vector<10000x10xf32>
    %mul3A = arith.mulf %sub3A_19, %sub3A_19 : vector<10000x10xf32>
    %reduce_sum3A_20 = arith.constant dense<0.000000e+00> : vector<10xf32>
    %reduce_sum3A_21 = vector.multi_reduction <add>, %mul3A, %reduce_sum3A_20 [0] : vector<10000x10xf32> to vector<10xf32>
    %broadcast_in_dim3A_22 = vector.shape_cast %reduce_sum3A_21 : vector<10xf32> to vector<1x10xf32>
    %div3A_23 = arith.constant 1.000000e+04 : f32
    %div3A_24 = vector.broadcast %div3A_23 : f32 to vector<1x10xf32>
    %div3A_25 = arith.divf %broadcast_in_dim3A_22, %div3A_24 : vector<1x10xf32>
    %add3A_26 = arith.constant 9.99999974E-6 : f32
    %add3A_27 = vector.broadcast %add3A_26 : f32 to vector<1x10xf32>
    %add3A_28 = arith.addf %div3A_25, %add3A_27 : vector<1x10xf32>
    %rsqrt3A = math.rsqrt %add3A_28 : vector<1x10xf32>
    %mul3A_29 = vector.broadcast %rsqrt3A : vector<1x10xf32> to vector<10000x10xf32>
    %mul3A_30 = arith.mulf %sub3A_19, %mul3A_29 : vector<10000x10xf32>
    %mul3A_31 = vector.broadcast %get3A_10 : vector<1x10xf32> to vector<10000x10xf32>
    %mul3A_32 = arith.mulf %mul3A_30, %mul3A_31 : vector<10000x10xf32>
    %add3A_33 = vector.broadcast %get3A_13 : vector<1x10xf32> to vector<10000x10xf32>
    %add3A_34 = arith.addf %mul3A_32, %add3A_33 : vector<10000x10xf32>
    %gt3A = arith.constant 0.000000e+00 : f32
    %gt3A_35 = vector.broadcast %gt3A : f32 to vector<10000x10xf32>
    %gt3A_36 = arith.cmpf ogt, %add3A_34, %gt3A_35 : vector<10000x10xf32>
    %exp3A = math.exp %add3A_34 : vector<10000x10xf32>
    %sub3A_37 = arith.constant 1.000000e+00 : f32
    %sub3A_38 = vector.broadcast %sub3A_37 : f32 to vector<10000x10xf32>
    %sub3A_39 = arith.subf %exp3A, %sub3A_38 : vector<10000x10xf32>
    %select_n3A = arith.select %gt3A_36, %add3A_34, %sub3A_39 : vector<10000x10xi1>, vector<10000x10xf32>
    %iota3A = tpu.iota {dimensions = array<i32: 1>} : vector<1x64xi32>
    %get3A_40 = arith.constant 0 : index
    %get3A_41 = arith.constant 0 : index
    %get3A_42 = vector.load %arg7[%get3A_40, %get3A_41] : memref<10000x1xi32, #tpu.memory_space<vmem>>, vector<10000x1xi32>
    %eq3A = vector.broadcast %get3A_42 : vector<10000x1xi32> to vector<10000x64xi32>
    %eq3A_43 = vector.broadcast %iota3A : vector<1x64xi32> to vector<10000x64xi32>
    %eq3A_44 = arith.cmpi eq, %eq3A, %eq3A_43 : vector<10000x64xi32>
    %get3A_45 = arith.constant 0 : index
    %get3A_46 = arith.constant 0 : index
    %get3A_47 = vector.load %arg5[%get3A_45, %get3A_46] : memref<1x1xf32, #tpu.memory_space<vmem>>, vector<1x1xf32>
    %mul3A_48 = vector.broadcast %get3A_47 : vector<1x1xf32> to vector<10000x10xf32>
    %mul3A_49 = arith.mulf %select_n3A, %mul3A_48 : vector<10000x10xf32>
    %swap3A = arith.constant 0 : index
    %swap3A_50 = arith.constant 0 : index
    %swap3A_51 = vector.load %arg8[%swap3A, %swap3A_50] : memref<10000x10xf32, #tpu.memory_space<vmem>>, vector<10000x10xf32>
    tpu.vector_store %arg8[%swap3A, %swap3A_50], %mul3A_49 {strides = array<i32>} : memref<10000x10xf32, #tpu.memory_space<vmem>>, vector<10000x10xf32>,
    %get3A_52 = arith.constant 0 : index
    %get3A_53 = arith.constant 0 : index
    %get3A_54 = vector.load %arg6[%get3A_52, %get3A_53] : memref<1x1xf32, #tpu.memory_space<vmem>>, vector<1x1xf32>
    %mul3A_55 = vector.broadcast %get3A_54 : vector<1x1xf32> to vector<10000x10xf32>
    %mul3A_56 = arith.mulf %select_n3A, %mul3A_55 : vector<10000x10xf32>
    %slice3A = vector.extract_strided_slice %mul3A_56 {offsets = [0, 0], sizes = [10000, 1], strides = [1, 1]} : vector<10000x10xf32> to vector<10000x1xf32>
    %jit3A = arith.constant 0xFF800000 : f32
    %broadcast_in_dim3A_57 = vector.shape_cast %slice3A : vector<10000x1xf32> to vector<10000x1xf32>
    %broadcast_in_dim3A_58 = vector.broadcast %broadcast_in_dim3A_57 : vector<10000x1xf32> to vector<10000x64xf32>
    %broadcast_in_dim3A_59 = vector.broadcast %jit3A : f32 to vector<10000x64xf32>
    %select_n3A_60 = arith.select %eq3A_44, %broadcast_in_dim3A_58, %broadcast_in_dim3A_59 : vector<10000x64xi1>, vector<10000x64xf32>
    %reduce_max3A = arith.constant dense<0xFF800000> : vector<64xf32>
    %reduce_max3A_61 = vector.multi_reduction <maximumf>, %select_n3A_60, %reduce_max3A [0] : vector<10000x64xf32> to vector<64xf32>
    %reshape3A = vector.shape_cast %reduce_max3A_61 : vector<64xf32> to vector<64x1xf32>
    %slice3A_62 = vector.extract_strided_slice %mul3A_56 {offsets = [0, 1], sizes = [10000, 1], strides = [1, 1]} : vector<10000x10xf32> to vector<10000x1xf32>
    %jit3A_63 = arith.constant 0xFF800000 : f32
    %broadcast_in_dim3A_64 = vector.shape_cast %slice3A_62 : vector<10000x1xf32> to vector<10000x1xf32>
    %broadcast_in_dim3A_65 = vector.broadcast %broadcast_in_dim3A_64 : vector<10000x1xf32> to vector<10000x64xf32>
    %broadcast_in_dim3A_66 = vector.broadcast %jit3A_63 : f32 to vector<10000x64xf32>
    %select_n3A_67 = arith.select %eq3A_44, %broadcast_in_dim3A_65, %broadcast_in_dim3A_66 : vector<10000x64xi1>, vector<10000x64xf32>
    %reduce_max3A_68 = arith.constant dense<0xFF800000> : vector<64xf32>
    %reduce_max3A_69 = vector.multi_reduction <maximumf>, %select_n3A_67, %reduce_max3A_68 [0] : vector<10000x64xf32> to vector<64xf32>
    %reshape3A_70 = vector.shape_cast %reduce_max3A_69 : vector<64xf32> to vector<64x1xf32>
    %slice3A_71 = vector.extract_strided_slice %mul3A_56 {offsets = [0, 2], sizes = [10000, 1], strides = [1, 1]} : vector<10000x10xf32> to vector<10000x1xf32>
    %jit3A_72 = arith.constant 0xFF800000 : f32
    %broadcast_in_dim3A_73 = vector.shape_cast %slice3A_71 : vector<10000x1xf32> to vector<10000x1xf32>
    %broadcast_in_dim3A_74 = vector.broadcast %broadcast_in_dim3A_73 : vector<10000x1xf32> to vector<10000x64xf32>
    %broadcast_in_dim3A_75 = vector.broadcast %jit3A_72 : f32 to vector<10000x64xf32>
    %select_n3A_76 = arith.select %eq3A_44, %broadcast_in_dim3A_74, %broadcast_in_dim3A_75 : vector<10000x64xi1>, vector<10000x64xf32>
    %reduce_max3A_77 = arith.constant dense<0xFF800000> : vector<64xf32>
    %reduce_max3A_78 = vector.multi_reduction <maximumf>, %select_n3A_76, %reduce_max3A_77 [0] : vector<10000x64xf32> to vector<64xf32>
    %reshape3A_79 = vector.shape_cast %reduce_max3A_78 : vector<64xf32> to vector<64x1xf32>
    %slice3A_80 = vector.extract_strided_slice %mul3A_56 {offsets = [0, 3], sizes = [10000, 1], strides = [1, 1]} : vector<10000x10xf32> to vector<10000x1xf32>
    %jit3A_81 = arith.constant 0xFF800000 : f32
    %broadcast_in_dim3A_82 = vector.shape_cast %slice3A_80 : vector<10000x1xf32> to vector<10000x1xf32>
    %broadcast_in_dim3A_83 = vector.broadcast %broadcast_in_dim3A_82 : vector<10000x1xf32> to vector<10000x64xf32>
    %broadcast_in_dim3A_84 = vector.broadcast %jit3A_81 : f32 to vector<10000x64xf32>
    %select_n3A_85 = arith.select %eq3A_44, %broadcast_in_dim3A_83, %broadcast_in_dim3A_84 : vector<10000x64xi1>, vector<10000x64xf32>
    %reduce_max3A_86 = arith.constant dense<0xFF800000> : vector<64xf32>
    %reduce_max3A_87 = vector.multi_reduction <maximumf>, %select_n3A_85, %reduce_max3A_86 [0] : vector<10000x64xf32> to vector<64xf32>
    %reshape3A_88 = vector.shape_cast %reduce_max3A_87 : vector<64xf32> to vector<64x1xf32>
    %slice3A_89 = vector.extract_strided_slice %mul3A_56 {offsets = [0, 4], sizes = [10000, 1], strides = [1, 1]} : vector<10000x10xf32> to vector<10000x1xf32>
    %jit3A_90 = arith.constant 0xFF800000 : f32
    %broadcast_in_dim3A_91 = vector.shape_cast %slice3A_89 : vector<10000x1xf32> to vector<10000x1xf32>
    %broadcast_in_dim3A_92 = vector.broadcast %broadcast_in_dim3A_91 : vector<10000x1xf32> to vector<10000x64xf32>
    %broadcast_in_dim3A_93 = vector.broadcast %jit3A_90 : f32 to vector<10000x64xf32>
    %select_n3A_94 = arith.select %eq3A_44, %broadcast_in_dim3A_92, %broadcast_in_dim3A_93 : vector<10000x64xi1>, vector<10000x64xf32>
    %reduce_max3A_95 = arith.constant dense<0xFF800000> : vector<64xf32>
    %reduce_max3A_96 = vector.multi_reduction <maximumf>, %select_n3A_94, %reduce_max3A_95 [0] : vector<10000x64xf32> to vector<64xf32>
    %reshape3A_97 = vector.shape_cast %reduce_max3A_96 : vector<64xf32> to vector<64x1xf32>
    %slice3A_98 = vector.extract_strided_slice %mul3A_56 {offsets = [0, 5], sizes = [10000, 1], strides = [1, 1]} : vector<10000x10xf32> to vector<10000x1xf32>
    %jit3A_99 = arith.constant 0xFF800000 : f32
    %broadcast_in_dim3A_100 = vector.shape_cast %slice3A_98 : vector<10000x1xf32> to vector<10000x1xf32>
    %broadcast_in_dim3A_101 = vector.broadcast %broadcast_in_dim3A_100 : vector<10000x1xf32> to vector<10000x64xf32>
    %broadcast_in_dim3A_102 = vector.broadcast %jit3A_99 : f32 to vector<10000x64xf32>
    %select_n3A_103 = arith.select %eq3A_44, %broadcast_in_dim3A_101, %broadcast_in_dim3A_102 : vector<10000x64xi1>, vector<10000x64xf32>
    %reduce_max3A_104 = arith.constant dense<0xFF800000> : vector<64xf32>
    %reduce_max3A_105 = vector.multi_reduction <maximumf>, %select_n3A_103, %reduce_max3A_104 [0] : vector<10000x64xf32> to vector<64xf32>
    %reshape3A_106 = vector.shape_cast %reduce_max3A_105 : vector<64xf32> to vector<64x1xf32>
    %slice3A_107 = vector.extract_strided_slice %mul3A_56 {offsets = [0, 6], sizes = [10000, 1], strides = [1, 1]} : vector<10000x10xf32> to vector<10000x1xf32>
    %jit3A_108 = arith.constant 0xFF800000 : f32
    %broadcast_in_dim3A_109 = vector.shape_cast %slice3A_107 : vector<10000x1xf32> to vector<10000x1xf32>
    %broadcast_in_dim3A_110 = vector.broadcast %broadcast_in_dim3A_109 : vector<10000x1xf32> to vector<10000x64xf32>
    %broadcast_in_dim3A_111 = vector.broadcast %jit3A_108 : f32 to vector<10000x64xf32>
    %select_n3A_112 = arith.select %eq3A_44, %broadcast_in_dim3A_110, %broadcast_in_dim3A_111 : vector<10000x64xi1>, vector<10000x64xf32>
    %reduce_max3A_113 = arith.constant dense<0xFF800000> : vector<64xf32>
    %reduce_max3A_114 = vector.multi_reduction <maximumf>, %select_n3A_112, %reduce_max3A_113 [0] : vector<10000x64xf32> to vector<64xf32>
    %reshape3A_115 = vector.shape_cast %reduce_max3A_114 : vector<64xf32> to vector<64x1xf32>
    %slice3A_116 = vector.extract_strided_slice %mul3A_56 {offsets = [0, 7], sizes = [10000, 1], strides = [1, 1]} : vector<10000x10xf32> to vector<10000x1xf32>
    %jit3A_117 = arith.constant 0xFF800000 : f32
    %broadcast_in_dim3A_118 = vector.shape_cast %slice3A_116 : vector<10000x1xf32> to vector<10000x1xf32>
    %broadcast_in_dim3A_119 = vector.broadcast %broadcast_in_dim3A_118 : vector<10000x1xf32> to vector<10000x64xf32>
    %broadcast_in_dim3A_120 = vector.broadcast %jit3A_117 : f32 to vector<10000x64xf32>
    %select_n3A_121 = arith.select %eq3A_44, %broadcast_in_dim3A_119, %broadcast_in_dim3A_120 : vector<10000x64xi1>, vector<10000x64xf32>
    %reduce_max3A_122 = arith.constant dense<0xFF800000> : vector<64xf32>
    %reduce_max3A_123 = vector.multi_reduction <maximumf>, %select_n3A_121, %reduce_max3A_122 [0] : vector<10000x64xf32> to vector<64xf32>
    %reshape3A_124 = vector.shape_cast %reduce_max3A_123 : vector<64xf32> to vector<64x1xf32>
    %slice3A_125 = vector.extract_strided_slice %mul3A_56 {offsets = [0, 8], sizes = [10000, 1], strides = [1, 1]} : vector<10000x10xf32> to vector<10000x1xf32>
    %jit3A_126 = arith.constant 0xFF800000 : f32
    %broadcast_in_dim3A_127 = vector.shape_cast %slice3A_125 : vector<10000x1xf32> to vector<10000x1xf32>
    %broadcast_in_dim3A_128 = vector.broadcast %broadcast_in_dim3A_127 : vector<10000x1xf32> to vector<10000x64xf32>
    %broadcast_in_dim3A_129 = vector.broadcast %jit3A_126 : f32 to vector<10000x64xf32>
    %select_n3A_130 = arith.select %eq3A_44, %broadcast_in_dim3A_128, %broadcast_in_dim3A_129 : vector<10000x64xi1>, vector<10000x64xf32>
    %reduce_max3A_131 = arith.constant dense<0xFF800000> : vector<64xf32>
    %reduce_max3A_132 = vector.multi_reduction <maximumf>, %select_n3A_130, %reduce_max3A_131 [0] : vector<10000x64xf32> to vector<64xf32>
    %reshape3A_133 = vector.shape_cast %reduce_max3A_132 : vector<64xf32> to vector<64x1xf32>
    %slice3A_134 = vector.extract_strided_slice %mul3A_56 {offsets = [0, 9], sizes = [10000, 1], strides = [1, 1]} : vector<10000x10xf32> to vector<10000x1xf32>
    %jit3A_135 = arith.constant 0xFF800000 : f32
    %broadcast_in_dim3A_136 = vector.shape_cast %slice3A_134 : vector<10000x1xf32> to vector<10000x1xf32>
    %broadcast_in_dim3A_137 = vector.broadcast %broadcast_in_dim3A_136 : vector<10000x1xf32> to vector<10000x64xf32>
    %broadcast_in_dim3A_138 = vector.broadcast %jit3A_135 : f32 to vector<10000x64xf32>
    %select_n3A_139 = arith.select %eq3A_44, %broadcast_in_dim3A_137, %broadcast_in_dim3A_138 : vector<10000x64xi1>, vector<10000x64xf32>
    %reduce_max3A_140 = arith.constant dense<0xFF800000> : vector<64xf32>
    %reduce_max3A_141 = vector.multi_reduction <maximumf>, %select_n3A_139, %reduce_max3A_140 [0] : vector<10000x64xf32> to vector<64xf32>
    %reshape3A_142 = vector.shape_cast %reduce_max3A_141 : vector<64xf32> to vector<64x1xf32>
    %concatenate3A = tpu.concatenate %reshape3A, %reshape3A_70, %reshape3A_79, %reshape3A_88, %reshape3A_97, %reshape3A_106, %reshape3A_115, %reshape3A_124, %reshape3A_133, %reshape3A_142 in 1 : vector<64x1xf32>, vector<64x1xf32>, vector<64x1xf32>, vector<64x1xf32>, vector<64x1xf32>, vector<64x1xf32>, vector<64x1xf32>, vector<64x1xf32>, vector<64x1xf32>, vector<64x1xf32> -> vector<64x10xf32>
    %swap3A_143 = arith.constant 0 : index
    %swap3A_144 = arith.constant 0 : index
    %swap3A_145 = vector.load %arg9[%swap3A_143, %swap3A_144] : memref<64x10xf32, #tpu.memory_space<vmem>>, vector<64x10xf32>
    tpu.vector_store %arg9[%swap3A_143, %swap3A_144], %concatenate3A {strides = array<i32>} : memref<64x10xf32, #tpu.memory_space<vmem>>, vector<64x10xf32>,
    return
  }
}

module attributes {stable_mosaic.version = 14 : i64} {
  func.func @_head_body(%arg0: memref<10000x128xf32, #tpu.memory_space<vmem>>, %arg1: memref<128x10xf32, #tpu.memory_space<vmem>>, %arg2: memref<1x10xf32, #tpu.memory_space<vmem>>, %arg3: memref<1x10xf32, #tpu.memory_space<vmem>>, %arg4: memref<1x10xf32, #tpu.memory_space<vmem>>, %arg5: memref<1x1xf32, #tpu.memory_space<vmem>>, %arg6: memref<1x1xf32, #tpu.memory_space<vmem>>, %arg7: memref<10000x1xi32, #tpu.memory_space<vmem>>, %arg8: memref<10000x10xf32, #tpu.memory_space<vmem>>, %arg9: memref<64x10xf32, #tpu.memory_space<vmem>>) attributes {dimension_semantics = [], scalar_prefetch = 0 : i64, scratch_operands = 0 : i64, tpu.core_type = #tpu.core_type<tc>} {
    %get3A = arith.constant 0 : index
    %get3A_0 = arith.constant 0 : index
    %get3A_1 = vector.load %arg0[%get3A, %get3A_0] : memref<10000x128xf32, #tpu.memory_space<vmem>>, vector<10000x128xf32>
    %get3A_2 = arith.constant 0 : index
    %get3A_3 = arith.constant 0 : index
    %get3A_4 = vector.load %arg1[%get3A_2, %get3A_3] : memref<128x10xf32, #tpu.memory_space<vmem>>, vector<128x10xf32>
    %get3A_5 = arith.constant 0 : index
    %get3A_6 = arith.constant 0 : index
    %get3A_7 = vector.load %arg2[%get3A_5, %get3A_6] : memref<1x10xf32, #tpu.memory_space<vmem>>, vector<1x10xf32>
    %get3A_8 = arith.constant 0 : index
    %get3A_9 = arith.constant 0 : index
    %get3A_10 = vector.load %arg3[%get3A_8, %get3A_9] : memref<1x10xf32, #tpu.memory_space<vmem>>, vector<1x10xf32>
    %get3A_11 = arith.constant 0 : index
    %get3A_12 = arith.constant 0 : index
    %get3A_13 = vector.load %arg4[%get3A_11, %get3A_12] : memref<1x10xf32, #tpu.memory_space<vmem>>, vector<1x10xf32>
    %dot_general3A = arith.constant dense<0.000000e+00> : vector<10000x10xf32>
    %dot_general3A_14 = tpu.matmul %get3A_1, %get3A_4, %dot_general3A {dimension_numbers = #tpu.dot_dimension_numbers<[1], [0], [0], [1], [0, 0, 1, 1], [], []>, transpose_lhs_hint = false} : vector<10000x128xf32>, vector<128x10xf32>, vector<10000x10xf32> -> vector<10000x10xf32>
    %add3A = vector.broadcast %get3A_7 : vector<1x10xf32> to vector<10000x10xf32>
    %add3A_15 = arith.addf %dot_general3A_14, %add3A : vector<10000x10xf32>
    %reduce_sum3A = arith.constant dense<0.000000e+00> : vector<10xf32>
    %reduce_sum3A_16 = vector.multi_reduction <add>, %add3A_15, %reduce_sum3A [0] : vector<10000x10xf32> to vector<10xf32>
    %broadcast_in_dim3A = vector.shape_cast %reduce_sum3A_16 : vector<10xf32> to vector<1x10xf32>
    %div3A = arith.constant 1.000000e+04 : f32
    %div3A_17 = vector.broadcast %div3A : f32 to vector<1x10xf32>
    %div3A_18 = arith.divf %broadcast_in_dim3A, %div3A_17 : vector<1x10xf32>
    %sub3A = vector.broadcast %div3A_18 : vector<1x10xf32> to vector<10000x10xf32>
    %sub3A_19 = arith.subf %add3A_15, %sub3A : vector<10000x10xf32>
    %mul3A = arith.mulf %sub3A_19, %sub3A_19 : vector<10000x10xf32>
    %reduce_sum3A_20 = arith.constant dense<0.000000e+00> : vector<10xf32>
    %reduce_sum3A_21 = vector.multi_reduction <add>, %mul3A, %reduce_sum3A_20 [0] : vector<10000x10xf32> to vector<10xf32>
    %broadcast_in_dim3A_22 = vector.shape_cast %reduce_sum3A_21 : vector<10xf32> to vector<1x10xf32>
    %div3A_23 = arith.constant 1.000000e+04 : f32
    %div3A_24 = vector.broadcast %div3A_23 : f32 to vector<1x10xf32>
    %div3A_25 = arith.divf %broadcast_in_dim3A_22, %div3A_24 : vector<1x10xf32>
    %add3A_26 = arith.constant 9.99999974E-6 : f32
    %add3A_27 = vector.broadcast %add3A_26 : f32 to vector<1x10xf32>
    %add3A_28 = arith.addf %div3A_25, %add3A_27 : vector<1x10xf32>
    %rsqrt3A = math.rsqrt %add3A_28 : vector<1x10xf32>
    %mul3A_29 = vector.broadcast %rsqrt3A : vector<1x10xf32> to vector<10000x10xf32>
    %mul3A_30 = arith.mulf %sub3A_19, %mul3A_29 : vector<10000x10xf32>
    %mul3A_31 = vector.broadcast %get3A_10 : vector<1x10xf32> to vector<10000x10xf32>
    %mul3A_32 = arith.mulf %mul3A_30, %mul3A_31 : vector<10000x10xf32>
    %add3A_33 = vector.broadcast %get3A_13 : vector<1x10xf32> to vector<10000x10xf32>
    %add3A_34 = arith.addf %mul3A_32, %add3A_33 : vector<10000x10xf32>
    %gt3A = arith.constant 0.000000e+00 : f32
    %gt3A_35 = vector.broadcast %gt3A : f32 to vector<10000x10xf32>
    %gt3A_36 = arith.cmpf ogt, %add3A_34, %gt3A_35 : vector<10000x10xf32>
    %exp3A = math.exp %add3A_34 : vector<10000x10xf32>
    %sub3A_37 = arith.constant 1.000000e+00 : f32
    %sub3A_38 = vector.broadcast %sub3A_37 : f32 to vector<10000x10xf32>
    %sub3A_39 = arith.subf %exp3A, %sub3A_38 : vector<10000x10xf32>
    %select_n3A = arith.select %gt3A_36, %add3A_34, %sub3A_39 : vector<10000x10xi1>, vector<10000x10xf32>
    %iota3A = tpu.iota {dimensions = array<i32: 1>} : vector<1x64xi32>
    %get3A_40 = arith.constant 0 : index
    %get3A_41 = arith.constant 0 : index
    %get3A_42 = vector.load %arg7[%get3A_40, %get3A_41] : memref<10000x1xi32, #tpu.memory_space<vmem>>, vector<10000x1xi32>
    %eq3A = vector.broadcast %get3A_42 : vector<10000x1xi32> to vector<10000x64xi32>
    %eq3A_43 = vector.broadcast %iota3A : vector<1x64xi32> to vector<10000x64xi32>
    %eq3A_44 = arith.cmpi eq, %eq3A, %eq3A_43 : vector<10000x64xi32>
    %get3A_45 = arith.constant 0 : index
    %get3A_46 = arith.constant 0 : index
    %get3A_47 = vector.load %arg5[%get3A_45, %get3A_46] : memref<1x1xf32, #tpu.memory_space<vmem>>, vector<1x1xf32>
    %mul3A_48 = vector.broadcast %get3A_47 : vector<1x1xf32> to vector<10000x10xf32>
    %mul3A_49 = arith.mulf %select_n3A, %mul3A_48 : vector<10000x10xf32>
    %swap3A = arith.constant 0 : index
    %swap3A_50 = arith.constant 0 : index
    %swap3A_51 = vector.load %arg8[%swap3A, %swap3A_50] : memref<10000x10xf32, #tpu.memory_space<vmem>>, vector<10000x10xf32>
    tpu.vector_store %arg8[%swap3A, %swap3A_50], %mul3A_49 {strides = array<i32>} : memref<10000x10xf32, #tpu.memory_space<vmem>>, vector<10000x10xf32>,
    %get3A_52 = arith.constant 0 : index
    %get3A_53 = arith.constant 0 : index
    %get3A_54 = vector.load %arg6[%get3A_52, %get3A_53] : memref<1x1xf32, #tpu.memory_space<vmem>>, vector<1x1xf32>
    %mul3A_55 = vector.broadcast %get3A_54 : vector<1x1xf32> to vector<10000x10xf32>
    %mul3A_56 = arith.mulf %select_n3A, %mul3A_55 : vector<10000x10xf32>
    %slice3A = vector.extract_strided_slice %mul3A_56 {offsets = [0, 0], sizes = [10000, 1], strides = [1, 1]} : vector<10000x10xf32> to vector<10000x1xf32>
    %jit3A = arith.constant 0xFF800000 : f32
    %broadcast_in_dim3A_57 = vector.shape_cast %slice3A : vector<10000x1xf32> to vector<10000x1xf32>
    %broadcast_in_dim3A_58 = vector.broadcast %broadcast_in_dim3A_57 : vector<10000x1xf32> to vector<10000x64xf32>
    %broadcast_in_dim3A_59 = vector.broadcast %jit3A : f32 to vector<10000x64xf32>
    %select_n3A_60 = arith.select %eq3A_44, %broadcast_in_dim3A_58, %broadcast_in_dim3A_59 : vector<10000x64xi1>, vector<10000x64xf32>
    %reduce_max3A = arith.constant dense<0xFF800000> : vector<64xf32>
    %reduce_max3A_61 = vector.multi_reduction <maximumf>, %select_n3A_60, %reduce_max3A [0] : vector<10000x64xf32> to vector<64xf32>
    %reshape3A = vector.shape_cast %reduce_max3A_61 : vector<64xf32> to vector<64x1xf32>
    %slice3A_62 = vector.extract_strided_slice %mul3A_56 {offsets = [0, 1], sizes = [10000, 1], strides = [1, 1]} : vector<10000x10xf32> to vector<10000x1xf32>
    %jit3A_63 = arith.constant 0xFF800000 : f32
    %broadcast_in_dim3A_64 = vector.shape_cast %slice3A_62 : vector<10000x1xf32> to vector<10000x1xf32>
    %broadcast_in_dim3A_65 = vector.broadcast %broadcast_in_dim3A_64 : vector<10000x1xf32> to vector<10000x64xf32>
    %broadcast_in_dim3A_66 = vector.broadcast %jit3A_63 : f32 to vector<10000x64xf32>
    %select_n3A_67 = arith.select %eq3A_44, %broadcast_in_dim3A_65, %broadcast_in_dim3A_66 : vector<10000x64xi1>, vector<10000x64xf32>
    %reduce_max3A_68 = arith.constant dense<0xFF800000> : vector<64xf32>
    %reduce_max3A_69 = vector.multi_reduction <maximumf>, %select_n3A_67, %reduce_max3A_68 [0] : vector<10000x64xf32> to vector<64xf32>
    %reshape3A_70 = vector.shape_cast %reduce_max3A_69 : vector<64xf32> to vector<64x1xf32>
    %slice3A_71 = vector.extract_strided_slice %mul3A_56 {offsets = [0, 2], sizes = [10000, 1], strides = [1, 1]} : vector<10000x10xf32> to vector<10000x1xf32>
    %jit3A_72 = arith.constant 0xFF800000 : f32
    %broadcast_in_dim3A_73 = vector.shape_cast %slice3A_71 : vector<10000x1xf32> to vector<10000x1xf32>
    %broadcast_in_dim3A_74 = vector.broadcast %broadcast_in_dim3A_73 : vector<10000x1xf32> to vector<10000x64xf32>
    %broadcast_in_dim3A_75 = vector.broadcast %jit3A_72 : f32 to vector<10000x64xf32>
    %select_n3A_76 = arith.select %eq3A_44, %broadcast_in_dim3A_74, %broadcast_in_dim3A_75 : vector<10000x64xi1>, vector<10000x64xf32>
    %reduce_max3A_77 = arith.constant dense<0xFF800000> : vector<64xf32>
    %reduce_max3A_78 = vector.multi_reduction <maximumf>, %select_n3A_76, %reduce_max3A_77 [0] : vector<10000x64xf32> to vector<64xf32>
    %reshape3A_79 = vector.shape_cast %reduce_max3A_78 : vector<64xf32> to vector<64x1xf32>
    %slice3A_80 = vector.extract_strided_slice %mul3A_56 {offsets = [0, 3], sizes = [10000, 1], strides = [1, 1]} : vector<10000x10xf32> to vector<10000x1xf32>
    %jit3A_81 = arith.constant 0xFF800000 : f32
    %broadcast_in_dim3A_82 = vector.shape_cast %slice3A_80 : vector<10000x1xf32> to vector<10000x1xf32>
    %broadcast_in_dim3A_83 = vector.broadcast %broadcast_in_dim3A_82 : vector<10000x1xf32> to vector<10000x64xf32>
    %broadcast_in_dim3A_84 = vector.broadcast %jit3A_81 : f32 to vector<10000x64xf32>
    %select_n3A_85 = arith.select %eq3A_44, %broadcast_in_dim3A_83, %broadcast_in_dim3A_84 : vector<10000x64xi1>, vector<10000x64xf32>
    %reduce_max3A_86 = arith.constant dense<0xFF800000> : vector<64xf32>
    %reduce_max3A_87 = vector.multi_reduction <maximumf>, %select_n3A_85, %reduce_max3A_86 [0] : vector<10000x64xf32> to vector<64xf32>
    %reshape3A_88 = vector.shape_cast %reduce_max3A_87 : vector<64xf32> to vector<64x1xf32>
    %slice3A_89 = vector.extract_strided_slice %mul3A_56 {offsets = [0, 4], sizes = [10000, 1], strides = [1, 1]} : vector<10000x10xf32> to vector<10000x1xf32>
    %jit3A_90 = arith.constant 0xFF800000 : f32
    %broadcast_in_dim3A_91 = vector.shape_cast %slice3A_89 : vector<10000x1xf32> to vector<10000x1xf32>
    %broadcast_in_dim3A_92 = vector.broadcast %broadcast_in_dim3A_91 : vector<10000x1xf32> to vector<10000x64xf32>
    %broadcast_in_dim3A_93 = vector.broadcast %jit3A_90 : f32 to vector<10000x64xf32>
    %select_n3A_94 = arith.select %eq3A_44, %broadcast_in_dim3A_92, %broadcast_in_dim3A_93 : vector<10000x64xi1>, vector<10000x64xf32>
    %reduce_max3A_95 = arith.constant dense<0xFF800000> : vector<64xf32>
    %reduce_max3A_96 = vector.multi_reduction <maximumf>, %select_n3A_94, %reduce_max3A_95 [0] : vector<10000x64xf32> to vector<64xf32>
    %reshape3A_97 = vector.shape_cast %reduce_max3A_96 : vector<64xf32> to vector<64x1xf32>
    %slice3A_98 = vector.extract_strided_slice %mul3A_56 {offsets = [0, 5], sizes = [10000, 1], strides = [1, 1]} : vector<10000x10xf32> to vector<10000x1xf32>
    %jit3A_99 = arith.constant 0xFF800000 : f32
    %broadcast_in_dim3A_100 = vector.shape_cast %slice3A_98 : vector<10000x1xf32> to vector<10000x1xf32>
    %broadcast_in_dim3A_101 = vector.broadcast %broadcast_in_dim3A_100 : vector<10000x1xf32> to vector<10000x64xf32>
    %broadcast_in_dim3A_102 = vector.broadcast %jit3A_99 : f32 to vector<10000x64xf32>
    %select_n3A_103 = arith.select %eq3A_44, %broadcast_in_dim3A_101, %broadcast_in_dim3A_102 : vector<10000x64xi1>, vector<10000x64xf32>
    %reduce_max3A_104 = arith.constant dense<0xFF800000> : vector<64xf32>
    %reduce_max3A_105 = vector.multi_reduction <maximumf>, %select_n3A_103, %reduce_max3A_104 [0] : vector<10000x64xf32> to vector<64xf32>
    %reshape3A_106 = vector.shape_cast %reduce_max3A_105 : vector<64xf32> to vector<64x1xf32>
    %slice3A_107 = vector.extract_strided_slice %mul3A_56 {offsets = [0, 6], sizes = [10000, 1], strides = [1, 1]} : vector<10000x10xf32> to vector<10000x1xf32>
    %jit3A_108 = arith.constant 0xFF800000 : f32
    %broadcast_in_dim3A_109 = vector.shape_cast %slice3A_107 : vector<10000x1xf32> to vector<10000x1xf32>
    %broadcast_in_dim3A_110 = vector.broadcast %broadcast_in_dim3A_109 : vector<10000x1xf32> to vector<10000x64xf32>
    %broadcast_in_dim3A_111 = vector.broadcast %jit3A_108 : f32 to vector<10000x64xf32>
    %select_n3A_112 = arith.select %eq3A_44, %broadcast_in_dim3A_110, %broadcast_in_dim3A_111 : vector<10000x64xi1>, vector<10000x64xf32>
    %reduce_max3A_113 = arith.constant dense<0xFF800000> : vector<64xf32>
    %reduce_max3A_114 = vector.multi_reduction <maximumf>, %select_n3A_112, %reduce_max3A_113 [0] : vector<10000x64xf32> to vector<64xf32>
    %reshape3A_115 = vector.shape_cast %reduce_max3A_114 : vector<64xf32> to vector<64x1xf32>
    %slice3A_116 = vector.extract_strided_slice %mul3A_56 {offsets = [0, 7], sizes = [10000, 1], strides = [1, 1]} : vector<10000x10xf32> to vector<10000x1xf32>
    %jit3A_117 = arith.constant 0xFF800000 : f32
    %broadcast_in_dim3A_118 = vector.shape_cast %slice3A_116 : vector<10000x1xf32> to vector<10000x1xf32>
    %broadcast_in_dim3A_119 = vector.broadcast %broadcast_in_dim3A_118 : vector<10000x1xf32> to vector<10000x64xf32>
    %broadcast_in_dim3A_120 = vector.broadcast %jit3A_117 : f32 to vector<10000x64xf32>
    %select_n3A_121 = arith.select %eq3A_44, %broadcast_in_dim3A_119, %broadcast_in_dim3A_120 : vector<10000x64xi1>, vector<10000x64xf32>
    %reduce_max3A_122 = arith.constant dense<0xFF800000> : vector<64xf32>
    %reduce_max3A_123 = vector.multi_reduction <maximumf>, %select_n3A_121, %reduce_max3A_122 [0] : vector<10000x64xf32> to vector<64xf32>
    %reshape3A_124 = vector.shape_cast %reduce_max3A_123 : vector<64xf32> to vector<64x1xf32>
    %slice3A_125 = vector.extract_strided_slice %mul3A_56 {offsets = [0, 8], sizes = [10000, 1], strides = [1, 1]} : vector<10000x10xf32> to vector<10000x1xf32>
    %jit3A_126 = arith.constant 0xFF800000 : f32
    %broadcast_in_dim3A_127 = vector.shape_cast %slice3A_125 : vector<10000x1xf32> to vector<10000x1xf32>
    %broadcast_in_dim3A_128 = vector.broadcast %broadcast_in_dim3A_127 : vector<10000x1xf32> to vector<10000x64xf32>
    %broadcast_in_dim3A_129 = vector.broadcast %jit3A_126 : f32 to vector<10000x64xf32>
    %select_n3A_130 = arith.select %eq3A_44, %broadcast_in_dim3A_128, %broadcast_in_dim3A_129 : vector<10000x64xi1>, vector<10000x64xf32>
    %reduce_max3A_131 = arith.constant dense<0xFF800000> : vector<64xf32>
    %reduce_max3A_132 = vector.multi_reduction <maximumf>, %select_n3A_130, %reduce_max3A_131 [0] : vector<10000x64xf32> to vector<64xf32>
    %reshape3A_133 = vector.shape_cast %reduce_max3A_132 : vector<64xf32> to vector<64x1xf32>
    %slice3A_134 = vector.extract_strided_slice %mul3A_56 {offsets = [0, 9], sizes = [10000, 1], strides = [1, 1]} : vector<10000x10xf32> to vector<10000x1xf32>
    %jit3A_135 = arith.constant 0xFF800000 : f32
    %broadcast_in_dim3A_136 = vector.shape_cast %slice3A_134 : vector<10000x1xf32> to vector<10000x1xf32>
    %broadcast_in_dim3A_137 = vector.broadcast %broadcast_in_dim3A_136 : vector<10000x1xf32> to vector<10000x64xf32>
    %broadcast_in_dim3A_138 = vector.broadcast %jit3A_135 : f32 to vector<10000x64xf32>
    %select_n3A_139 = arith.select %eq3A_44, %broadcast_in_dim3A_137, %broadcast_in_dim3A_138 : vector<10000x64xi1>, vector<10000x64xf32>
    %reduce_max3A_140 = arith.constant dense<0xFF800000> : vector<64xf32>
    %reduce_max3A_141 = vector.multi_reduction <maximumf>, %select_n3A_139, %reduce_max3A_140 [0] : vector<10000x64xf32> to vector<64xf32>
    %reshape3A_142 = vector.shape_cast %reduce_max3A_141 : vector<64xf32> to vector<64x1xf32>
    %concatenate3A = tpu.concatenate %reshape3A, %reshape3A_70, %reshape3A_79, %reshape3A_88, %reshape3A_97, %reshape3A_106, %reshape3A_115, %reshape3A_124, %reshape3A_133, %reshape3A_142 in 1 : vector<64x1xf32>, vector<64x1xf32>, vector<64x1xf32>, vector<64x1xf32>, vector<64x1xf32>, vector<64x1xf32>, vector<64x1xf32>, vector<64x1xf32>, vector<64x1xf32>, vector<64x1xf32> -> vector<64x10xf32>
    %swap3A_143 = arith.constant 0 : index
    %swap3A_144 = arith.constant 0 : index
    %swap3A_145 = vector.load %arg9[%swap3A_143, %swap3A_144] : memref<64x10xf32, #tpu.memory_space<vmem>>, vector<64x10xf32>
    tpu.vector_store %arg9[%swap3A_143, %swap3A_144], %concatenate3A {strides = array<i32>} : memref<64x10xf32, #tpu.memory_space<vmem>>, vector<64x10xf32>,
    return
  }
}

module attributes {stable_mosaic.version = 14 : i64} {
  func.func @_conv_body(%arg0: memref<10000x128xf32, #tpu.memory_space<vmem>>, %arg1: memref<2x10000x128xf32, #tpu.memory_space<vmem>>, %arg2: memref<128x128xf32, #tpu.memory_space<vmem>>, %arg3: memref<1x128xf32, #tpu.memory_space<vmem>>, %arg4: memref<1x128xf32, #tpu.memory_space<vmem>>, %arg5: memref<1x128xf32, #tpu.memory_space<vmem>>, %arg6: memref<10000x128xf32, #tpu.memory_space<vmem>>) attributes {dimension_semantics = [], scalar_prefetch = 0 : i64, scratch_operands = 0 : i64, tpu.core_type = #tpu.core_type<tc>} {
    %get3A = arith.constant 0 : index
    %get3A_0 = arith.constant 0 : index
    %get3A_1 = vector.load %arg0[%get3A, %get3A_0] : memref<10000x128xf32, #tpu.memory_space<vmem>>, vector<10000x128xf32>
    %get3A_2 = arith.constant 0 : index
    %get3A_3 = arith.constant 0 : index
    %get3A_4 = arith.constant 0 : index
    %get3A_5 = vector.load %arg1[%get3A_2, %get3A_3, %get3A_4] : memref<2x10000x128xf32, #tpu.memory_space<vmem>>, vector<1x10000x128xf32>
    %get3A_6 = vector.shape_cast %get3A_5 : vector<1x10000x128xf32> to vector<10000x128xf32>
    %add3A = arith.addf %get3A_1, %get3A_6 : vector<10000x128xf32>
    %get3A_7 = arith.constant 1 : index
    %get3A_8 = arith.constant 0 : index
    %get3A_9 = arith.constant 0 : index
    %get3A_10 = vector.load %arg1[%get3A_7, %get3A_8, %get3A_9] : memref<2x10000x128xf32, #tpu.memory_space<vmem>>, vector<1x10000x128xf32>
    %get3A_11 = vector.shape_cast %get3A_10 : vector<1x10000x128xf32> to vector<10000x128xf32>
    %add3A_12 = arith.addf %add3A, %get3A_11 : vector<10000x128xf32>
    %get3A_13 = arith.constant 0 : index
    %get3A_14 = arith.constant 0 : index
    %get3A_15 = vector.load %arg2[%get3A_13, %get3A_14] : memref<128x128xf32, #tpu.memory_space<vmem>>, vector<128x128xf32>
    %dot_general3A = arith.constant dense<0.000000e+00> : vector<10000x128xf32>
    %dot_general3A_16 = tpu.matmul %add3A_12, %get3A_15, %dot_general3A {dimension_numbers = #tpu.dot_dimension_numbers<[1], [0], [0], [1], [0, 0, 1, 1], [], []>, transpose_lhs_hint = false} : vector<10000x128xf32>, vector<128x128xf32>, vector<10000x128xf32> -> vector<10000x128xf32>
    %get3A_17 = arith.constant 0 : index
    %get3A_18 = arith.constant 0 : index
    %get3A_19 = vector.load %arg3[%get3A_17, %get3A_18] : memref<1x128xf32, #tpu.memory_space<vmem>>, vector<1x128xf32>
    %add3A_20 = vector.broadcast %get3A_19 : vector<1x128xf32> to vector<10000x128xf32>
    %add3A_21 = arith.addf %dot_general3A_16, %add3A_20 : vector<10000x128xf32>
    %get3A_22 = arith.constant 0 : index
    %get3A_23 = arith.constant 0 : index
    %get3A_24 = vector.load %arg4[%get3A_22, %get3A_23] : memref<1x128xf32, #tpu.memory_space<vmem>>, vector<1x128xf32>
    %get3A_25 = arith.constant 0 : index
    %get3A_26 = arith.constant 0 : index
    %get3A_27 = vector.load %arg5[%get3A_25, %get3A_26] : memref<1x128xf32, #tpu.memory_space<vmem>>, vector<1x128xf32>
    %reduce_sum3A = arith.constant dense<0.000000e+00> : vector<128xf32>
    %reduce_sum3A_28 = vector.multi_reduction <add>, %add3A_21, %reduce_sum3A [0] : vector<10000x128xf32> to vector<128xf32>
    %broadcast_in_dim3A = vector.shape_cast %reduce_sum3A_28 : vector<128xf32> to vector<1x128xf32>
    %div3A = arith.constant 1.000000e+04 : f32
    %div3A_29 = vector.broadcast %div3A : f32 to vector<1x128xf32>
    %div3A_30 = arith.divf %broadcast_in_dim3A, %div3A_29 : vector<1x128xf32>
    %sub3A = vector.broadcast %div3A_30 : vector<1x128xf32> to vector<10000x128xf32>
    %sub3A_31 = arith.subf %add3A_21, %sub3A : vector<10000x128xf32>
    %mul3A = arith.mulf %sub3A_31, %sub3A_31 : vector<10000x128xf32>
    %reduce_sum3A_32 = arith.constant dense<0.000000e+00> : vector<128xf32>
    %reduce_sum3A_33 = vector.multi_reduction <add>, %mul3A, %reduce_sum3A_32 [0] : vector<10000x128xf32> to vector<128xf32>
    %broadcast_in_dim3A_34 = vector.shape_cast %reduce_sum3A_33 : vector<128xf32> to vector<1x128xf32>
    %div3A_35 = arith.constant 1.000000e+04 : f32
    %div3A_36 = vector.broadcast %div3A_35 : f32 to vector<1x128xf32>
    %div3A_37 = arith.divf %broadcast_in_dim3A_34, %div3A_36 : vector<1x128xf32>
    %add3A_38 = arith.constant 9.99999974E-6 : f32
    %add3A_39 = vector.broadcast %add3A_38 : f32 to vector<1x128xf32>
    %add3A_40 = arith.addf %div3A_37, %add3A_39 : vector<1x128xf32>
    %rsqrt3A = math.rsqrt %add3A_40 : vector<1x128xf32>
    %mul3A_41 = vector.broadcast %rsqrt3A : vector<1x128xf32> to vector<10000x128xf32>
    %mul3A_42 = arith.mulf %sub3A_31, %mul3A_41 : vector<10000x128xf32>
    %mul3A_43 = vector.broadcast %get3A_24 : vector<1x128xf32> to vector<10000x128xf32>
    %mul3A_44 = arith.mulf %mul3A_42, %mul3A_43 : vector<10000x128xf32>
    %add3A_45 = vector.broadcast %get3A_27 : vector<1x128xf32> to vector<10000x128xf32>
    %add3A_46 = arith.addf %mul3A_44, %add3A_45 : vector<10000x128xf32>
    %gt3A = arith.constant 0.000000e+00 : f32
    %gt3A_47 = vector.broadcast %gt3A : f32 to vector<10000x128xf32>
    %gt3A_48 = arith.cmpf ogt, %add3A_46, %gt3A_47 : vector<10000x128xf32>
    %exp3A = math.exp %add3A_46 : vector<10000x128xf32>
    %sub3A_49 = arith.constant 1.000000e+00 : f32
    %sub3A_50 = vector.broadcast %sub3A_49 : f32 to vector<10000x128xf32>
    %sub3A_51 = arith.subf %exp3A, %sub3A_50 : vector<10000x128xf32>
    %select_n3A = arith.select %gt3A_48, %add3A_46, %sub3A_51 : vector<10000x128xi1>, vector<10000x128xf32>
    %swap3A = arith.constant 0 : index
    %swap3A_52 = arith.constant 0 : index
    %swap3A_53 = vector.load %arg6[%swap3A, %swap3A_52] : memref<10000x128xf32, #tpu.memory_space<vmem>>, vector<10000x128xf32>
    tpu.vector_store %arg6[%swap3A, %swap3A_52], %select_n3A {strides = array<i32>} : memref<10000x128xf32, #tpu.memory_space<vmem>>, vector<10000x128xf32>,
    return
  }
}

module attributes {stable_mosaic.version = 14 : i64} {
  func.func @_combine_body(%arg0: memref<10000x128xf32, #tpu.memory_space<vmem>>, %arg1: memref<10000x10xf32, #tpu.memory_space<vmem>>, %arg2: memref<10000x10xf32, #tpu.memory_space<vmem>>, %arg3: memref<64x10xf32, #tpu.memory_space<vmem>>, %arg4: memref<64x10xf32, #tpu.memory_space<vmem>>, %arg5: memref<10000x1xi32, #tpu.memory_space<vmem>>, %arg6: memref<128x10xf32, #tpu.memory_space<vmem>>, %arg7: memref<1x10xf32, #tpu.memory_space<vmem>>, %arg8: memref<1x10xf32, #tpu.memory_space<vmem>>, %arg9: memref<1x10xf32, #tpu.memory_space<vmem>>, %arg10: memref<1x1xf32, #tpu.memory_space<vmem>>, %arg11: memref<64x10xf32, #tpu.memory_space<vmem>>, %arg12: memref<10000x10xf32, #tpu.memory_space<vmem>>) attributes {dimension_semantics = [], scalar_prefetch = 0 : i64, scratch_operands = 0 : i64, tpu.core_type = #tpu.core_type<tc>} {
    %get3A = arith.constant 0 : index
    %get3A_0 = arith.constant 0 : index
    %get3A_1 = vector.load %arg0[%get3A, %get3A_0] : memref<10000x128xf32, #tpu.memory_space<vmem>>, vector<10000x128xf32>
    %get3A_2 = arith.constant 0 : index
    %get3A_3 = arith.constant 0 : index
    %get3A_4 = vector.load %arg6[%get3A_2, %get3A_3] : memref<128x10xf32, #tpu.memory_space<vmem>>, vector<128x10xf32>
    %get3A_5 = arith.constant 0 : index
    %get3A_6 = arith.constant 0 : index
    %get3A_7 = vector.load %arg7[%get3A_5, %get3A_6] : memref<1x10xf32, #tpu.memory_space<vmem>>, vector<1x10xf32>
    %get3A_8 = arith.constant 0 : index
    %get3A_9 = arith.constant 0 : index
    %get3A_10 = vector.load %arg8[%get3A_8, %get3A_9] : memref<1x10xf32, #tpu.memory_space<vmem>>, vector<1x10xf32>
    %get3A_11 = arith.constant 0 : index
    %get3A_12 = arith.constant 0 : index
    %get3A_13 = vector.load %arg9[%get3A_11, %get3A_12] : memref<1x10xf32, #tpu.memory_space<vmem>>, vector<1x10xf32>
    %dot_general3A = arith.constant dense<0.000000e+00> : vector<10000x10xf32>
    %dot_general3A_14 = tpu.matmul %get3A_1, %get3A_4, %dot_general3A {dimension_numbers = #tpu.dot_dimension_numbers<[1], [0], [0], [1], [0, 0, 1, 1], [], []>, transpose_lhs_hint = false} : vector<10000x128xf32>, vector<128x10xf32>, vector<10000x10xf32> -> vector<10000x10xf32>
    %add3A = vector.broadcast %get3A_7 : vector<1x10xf32> to vector<10000x10xf32>
    %add3A_15 = arith.addf %dot_general3A_14, %add3A : vector<10000x10xf32>
    %reduce_sum3A = arith.constant dense<0.000000e+00> : vector<10xf32>
    %reduce_sum3A_16 = vector.multi_reduction <add>, %add3A_15, %reduce_sum3A [0] : vector<10000x10xf32> to vector<10xf32>
    %broadcast_in_dim3A = vector.shape_cast %reduce_sum3A_16 : vector<10xf32> to vector<1x10xf32>
    %div3A = arith.constant 1.000000e+04 : f32
    %div3A_17 = vector.broadcast %div3A : f32 to vector<1x10xf32>
    %div3A_18 = arith.divf %broadcast_in_dim3A, %div3A_17 : vector<1x10xf32>
    %sub3A = vector.broadcast %div3A_18 : vector<1x10xf32> to vector<10000x10xf32>
    %sub3A_19 = arith.subf %add3A_15, %sub3A : vector<10000x10xf32>
    %mul3A = arith.mulf %sub3A_19, %sub3A_19 : vector<10000x10xf32>
    %reduce_sum3A_20 = arith.constant dense<0.000000e+00> : vector<10xf32>
    %reduce_sum3A_21 = vector.multi_reduction <add>, %mul3A, %reduce_sum3A_20 [0] : vector<10000x10xf32> to vector<10xf32>
    %broadcast_in_dim3A_22 = vector.shape_cast %reduce_sum3A_21 : vector<10xf32> to vector<1x10xf32>
    %div3A_23 = arith.constant 1.000000e+04 : f32
    %div3A_24 = vector.broadcast %div3A_23 : f32 to vector<1x10xf32>
    %div3A_25 = arith.divf %broadcast_in_dim3A_22, %div3A_24 : vector<1x10xf32>
    %add3A_26 = arith.constant 9.99999974E-6 : f32
    %add3A_27 = vector.broadcast %add3A_26 : f32 to vector<1x10xf32>
    %add3A_28 = arith.addf %div3A_25, %add3A_27 : vector<1x10xf32>
    %rsqrt3A = math.rsqrt %add3A_28 : vector<1x10xf32>
    %mul3A_29 = vector.broadcast %rsqrt3A : vector<1x10xf32> to vector<10000x10xf32>
    %mul3A_30 = arith.mulf %sub3A_19, %mul3A_29 : vector<10000x10xf32>
    %mul3A_31 = vector.broadcast %get3A_10 : vector<1x10xf32> to vector<10000x10xf32>
    %mul3A_32 = arith.mulf %mul3A_30, %mul3A_31 : vector<10000x10xf32>
    %add3A_33 = vector.broadcast %get3A_13 : vector<1x10xf32> to vector<10000x10xf32>
    %add3A_34 = arith.addf %mul3A_32, %add3A_33 : vector<10000x10xf32>
    %gt3A = arith.constant 0.000000e+00 : f32
    %gt3A_35 = vector.broadcast %gt3A : f32 to vector<10000x10xf32>
    %gt3A_36 = arith.cmpf ogt, %add3A_34, %gt3A_35 : vector<10000x10xf32>
    %exp3A = math.exp %add3A_34 : vector<10000x10xf32>
    %sub3A_37 = arith.constant 1.000000e+00 : f32
    %sub3A_38 = vector.broadcast %sub3A_37 : f32 to vector<10000x10xf32>
    %sub3A_39 = arith.subf %exp3A, %sub3A_38 : vector<10000x10xf32>
    %select_n3A = arith.select %gt3A_36, %add3A_34, %sub3A_39 : vector<10000x10xi1>, vector<10000x10xf32>
    %get3A_40 = arith.constant 0 : index
    %get3A_41 = arith.constant 0 : index
    %get3A_42 = vector.load %arg10[%get3A_40, %get3A_41] : memref<1x1xf32, #tpu.memory_space<vmem>>, vector<1x1xf32>
    %mul3A_43 = vector.broadcast %get3A_42 : vector<1x1xf32> to vector<10000x10xf32>
    %mul3A_44 = arith.mulf %select_n3A, %mul3A_43 : vector<10000x10xf32>
    %iota3A = tpu.iota {dimensions = array<i32: 1>} : vector<1x64xi32>
    %get3A_45 = arith.constant 0 : index
    %get3A_46 = arith.constant 0 : index
    %get3A_47 = vector.load %arg5[%get3A_45, %get3A_46] : memref<10000x1xi32, #tpu.memory_space<vmem>>, vector<10000x1xi32>
    %eq3A = vector.broadcast %get3A_47 : vector<10000x1xi32> to vector<10000x64xi32>
    %eq3A_48 = vector.broadcast %iota3A : vector<1x64xi32> to vector<10000x64xi32>
    %eq3A_49 = arith.cmpi eq, %eq3A, %eq3A_48 : vector<10000x64xi32>
    %get3A_50 = arith.constant 0 : index
    %get3A_51 = arith.constant 0 : index
    %get3A_52 = vector.load %arg3[%get3A_50, %get3A_51] : memref<64x10xf32, #tpu.memory_space<vmem>>, vector<64x10xf32>
    %get3A_53 = arith.constant 0 : index
    %get3A_54 = arith.constant 0 : index
    %get3A_55 = vector.load %arg4[%get3A_53, %get3A_54] : memref<64x10xf32, #tpu.memory_space<vmem>>, vector<64x10xf32>
    %add3A_56 = arith.addf %get3A_52, %get3A_55 : vector<64x10xf32>
    %slice3A = vector.extract_strided_slice %mul3A_44 {offsets = [0, 0], sizes = [10000, 1], strides = [1, 1]} : vector<10000x10xf32> to vector<10000x1xf32>
    %jit3A = arith.constant 0xFF800000 : f32
    %broadcast_in_dim3A_57 = vector.shape_cast %slice3A : vector<10000x1xf32> to vector<10000x1xf32>
    %broadcast_in_dim3A_58 = vector.broadcast %broadcast_in_dim3A_57 : vector<10000x1xf32> to vector<10000x64xf32>
    %broadcast_in_dim3A_59 = vector.broadcast %jit3A : f32 to vector<10000x64xf32>
    %select_n3A_60 = arith.select %eq3A_49, %broadcast_in_dim3A_58, %broadcast_in_dim3A_59 : vector<10000x64xi1>, vector<10000x64xf32>
    %reduce_max3A = arith.constant dense<0xFF800000> : vector<64xf32>
    %reduce_max3A_61 = vector.multi_reduction <maximumf>, %select_n3A_60, %reduce_max3A [0] : vector<10000x64xf32> to vector<64xf32>
    %reshape3A = vector.shape_cast %reduce_max3A_61 : vector<64xf32> to vector<64x1xf32>
    %slice3A_62 = vector.extract_strided_slice %mul3A_44 {offsets = [0, 1], sizes = [10000, 1], strides = [1, 1]} : vector<10000x10xf32> to vector<10000x1xf32>
    %jit3A_63 = arith.constant 0xFF800000 : f32
    %broadcast_in_dim3A_64 = vector.shape_cast %slice3A_62 : vector<10000x1xf32> to vector<10000x1xf32>
    %broadcast_in_dim3A_65 = vector.broadcast %broadcast_in_dim3A_64 : vector<10000x1xf32> to vector<10000x64xf32>
    %broadcast_in_dim3A_66 = vector.broadcast %jit3A_63 : f32 to vector<10000x64xf32>
    %select_n3A_67 = arith.select %eq3A_49, %broadcast_in_dim3A_65, %broadcast_in_dim3A_66 : vector<10000x64xi1>, vector<10000x64xf32>
    %reduce_max3A_68 = arith.constant dense<0xFF800000> : vector<64xf32>
    %reduce_max3A_69 = vector.multi_reduction <maximumf>, %select_n3A_67, %reduce_max3A_68 [0] : vector<10000x64xf32> to vector<64xf32>
    %reshape3A_70 = vector.shape_cast %reduce_max3A_69 : vector<64xf32> to vector<64x1xf32>
    %slice3A_71 = vector.extract_strided_slice %mul3A_44 {offsets = [0, 2], sizes = [10000, 1], strides = [1, 1]} : vector<10000x10xf32> to vector<10000x1xf32>
    %jit3A_72 = arith.constant 0xFF800000 : f32
    %broadcast_in_dim3A_73 = vector.shape_cast %slice3A_71 : vector<10000x1xf32> to vector<10000x1xf32>
    %broadcast_in_dim3A_74 = vector.broadcast %broadcast_in_dim3A_73 : vector<10000x1xf32> to vector<10000x64xf32>
    %broadcast_in_dim3A_75 = vector.broadcast %jit3A_72 : f32 to vector<10000x64xf32>
    %select_n3A_76 = arith.select %eq3A_49, %broadcast_in_dim3A_74, %broadcast_in_dim3A_75 : vector<10000x64xi1>, vector<10000x64xf32>
    %reduce_max3A_77 = arith.constant dense<0xFF800000> : vector<64xf32>
    %reduce_max3A_78 = vector.multi_reduction <maximumf>, %select_n3A_76, %reduce_max3A_77 [0] : vector<10000x64xf32> to vector<64xf32>
    %reshape3A_79 = vector.shape_cast %reduce_max3A_78 : vector<64xf32> to vector<64x1xf32>
    %slice3A_80 = vector.extract_strided_slice %mul3A_44 {offsets = [0, 3], sizes = [10000, 1], strides = [1, 1]} : vector<10000x10xf32> to vector<10000x1xf32>
    %jit3A_81 = arith.constant 0xFF800000 : f32
    %broadcast_in_dim3A_82 = vector.shape_cast %slice3A_80 : vector<10000x1xf32> to vector<10000x1xf32>
    %broadcast_in_dim3A_83 = vector.broadcast %broadcast_in_dim3A_82 : vector<10000x1xf32> to vector<10000x64xf32>
    %broadcast_in_dim3A_84 = vector.broadcast %jit3A_81 : f32 to vector<10000x64xf32>
    %select_n3A_85 = arith.select %eq3A_49, %broadcast_in_dim3A_83, %broadcast_in_dim3A_84 : vector<10000x64xi1>, vector<10000x64xf32>
    %reduce_max3A_86 = arith.constant dense<0xFF800000> : vector<64xf32>
    %reduce_max3A_87 = vector.multi_reduction <maximumf>, %select_n3A_85, %reduce_max3A_86 [0] : vector<10000x64xf32> to vector<64xf32>
    %reshape3A_88 = vector.shape_cast %reduce_max3A_87 : vector<64xf32> to vector<64x1xf32>
    %slice3A_89 = vector.extract_strided_slice %mul3A_44 {offsets = [0, 4], sizes = [10000, 1], strides = [1, 1]} : vector<10000x10xf32> to vector<10000x1xf32>
    %jit3A_90 = arith.constant 0xFF800000 : f32
    %broadcast_in_dim3A_91 = vector.shape_cast %slice3A_89 : vector<10000x1xf32> to vector<10000x1xf32>
    %broadcast_in_dim3A_92 = vector.broadcast %broadcast_in_dim3A_91 : vector<10000x1xf32> to vector<10000x64xf32>
    %broadcast_in_dim3A_93 = vector.broadcast %jit3A_90 : f32 to vector<10000x64xf32>
    %select_n3A_94 = arith.select %eq3A_49, %broadcast_in_dim3A_92, %broadcast_in_dim3A_93 : vector<10000x64xi1>, vector<10000x64xf32>
    %reduce_max3A_95 = arith.constant dense<0xFF800000> : vector<64xf32>
    %reduce_max3A_96 = vector.multi_reduction <maximumf>, %select_n3A_94, %reduce_max3A_95 [0] : vector<10000x64xf32> to vector<64xf32>
    %reshape3A_97 = vector.shape_cast %reduce_max3A_96 : vector<64xf32> to vector<64x1xf32>
    %slice3A_98 = vector.extract_strided_slice %mul3A_44 {offsets = [0, 5], sizes = [10000, 1], strides = [1, 1]} : vector<10000x10xf32> to vector<10000x1xf32>
    %jit3A_99 = arith.constant 0xFF800000 : f32
    %broadcast_in_dim3A_100 = vector.shape_cast %slice3A_98 : vector<10000x1xf32> to vector<10000x1xf32>
    %broadcast_in_dim3A_101 = vector.broadcast %broadcast_in_dim3A_100 : vector<10000x1xf32> to vector<10000x64xf32>
    %broadcast_in_dim3A_102 = vector.broadcast %jit3A_99 : f32 to vector<10000x64xf32>
    %select_n3A_103 = arith.select %eq3A_49, %broadcast_in_dim3A_101, %broadcast_in_dim3A_102 : vector<10000x64xi1>, vector<10000x64xf32>
    %reduce_max3A_104 = arith.constant dense<0xFF800000> : vector<64xf32>
    %reduce_max3A_105 = vector.multi_reduction <maximumf>, %select_n3A_103, %reduce_max3A_104 [0] : vector<10000x64xf32> to vector<64xf32>
    %reshape3A_106 = vector.shape_cast %reduce_max3A_105 : vector<64xf32> to vector<64x1xf32>
    %slice3A_107 = vector.extract_strided_slice %mul3A_44 {offsets = [0, 6], sizes = [10000, 1], strides = [1, 1]} : vector<10000x10xf32> to vector<10000x1xf32>
    %jit3A_108 = arith.constant 0xFF800000 : f32
    %broadcast_in_dim3A_109 = vector.shape_cast %slice3A_107 : vector<10000x1xf32> to vector<10000x1xf32>
    %broadcast_in_dim3A_110 = vector.broadcast %broadcast_in_dim3A_109 : vector<10000x1xf32> to vector<10000x64xf32>
    %broadcast_in_dim3A_111 = vector.broadcast %jit3A_108 : f32 to vector<10000x64xf32>
    %select_n3A_112 = arith.select %eq3A_49, %broadcast_in_dim3A_110, %broadcast_in_dim3A_111 : vector<10000x64xi1>, vector<10000x64xf32>
    %reduce_max3A_113 = arith.constant dense<0xFF800000> : vector<64xf32>
    %reduce_max3A_114 = vector.multi_reduction <maximumf>, %select_n3A_112, %reduce_max3A_113 [0] : vector<10000x64xf32> to vector<64xf32>
    %reshape3A_115 = vector.shape_cast %reduce_max3A_114 : vector<64xf32> to vector<64x1xf32>
    %slice3A_116 = vector.extract_strided_slice %mul3A_44 {offsets = [0, 7], sizes = [10000, 1], strides = [1, 1]} : vector<10000x10xf32> to vector<10000x1xf32>
    %jit3A_117 = arith.constant 0xFF800000 : f32
    %broadcast_in_dim3A_118 = vector.shape_cast %slice3A_116 : vector<10000x1xf32> to vector<10000x1xf32>
    %broadcast_in_dim3A_119 = vector.broadcast %broadcast_in_dim3A_118 : vector<10000x1xf32> to vector<10000x64xf32>
    %broadcast_in_dim3A_120 = vector.broadcast %jit3A_117 : f32 to vector<10000x64xf32>
    %select_n3A_121 = arith.select %eq3A_49, %broadcast_in_dim3A_119, %broadcast_in_dim3A_120 : vector<10000x64xi1>, vector<10000x64xf32>
    %reduce_max3A_122 = arith.constant dense<0xFF800000> : vector<64xf32>
    %reduce_max3A_123 = vector.multi_reduction <maximumf>, %select_n3A_121, %reduce_max3A_122 [0] : vector<10000x64xf32> to vector<64xf32>
    %reshape3A_124 = vector.shape_cast %reduce_max3A_123 : vector<64xf32> to vector<64x1xf32>
    %slice3A_125 = vector.extract_strided_slice %mul3A_44 {offsets = [0, 8], sizes = [10000, 1], strides = [1, 1]} : vector<10000x10xf32> to vector<10000x1xf32>
    %jit3A_126 = arith.constant 0xFF800000 : f32
    %broadcast_in_dim3A_127 = vector.shape_cast %slice3A_125 : vector<10000x1xf32> to vector<10000x1xf32>
    %broadcast_in_dim3A_128 = vector.broadcast %broadcast_in_dim3A_127 : vector<10000x1xf32> to vector<10000x64xf32>
    %broadcast_in_dim3A_129 = vector.broadcast %jit3A_126 : f32 to vector<10000x64xf32>
    %select_n3A_130 = arith.select %eq3A_49, %broadcast_in_dim3A_128, %broadcast_in_dim3A_129 : vector<10000x64xi1>, vector<10000x64xf32>
    %reduce_max3A_131 = arith.constant dense<0xFF800000> : vector<64xf32>
    %reduce_max3A_132 = vector.multi_reduction <maximumf>, %select_n3A_130, %reduce_max3A_131 [0] : vector<10000x64xf32> to vector<64xf32>
    %reshape3A_133 = vector.shape_cast %reduce_max3A_132 : vector<64xf32> to vector<64x1xf32>
    %slice3A_134 = vector.extract_strided_slice %mul3A_44 {offsets = [0, 9], sizes = [10000, 1], strides = [1, 1]} : vector<10000x10xf32> to vector<10000x1xf32>
    %jit3A_135 = arith.constant 0xFF800000 : f32
    %broadcast_in_dim3A_136 = vector.shape_cast %slice3A_134 : vector<10000x1xf32> to vector<10000x1xf32>
    %broadcast_in_dim3A_137 = vector.broadcast %broadcast_in_dim3A_136 : vector<10000x1xf32> to vector<10000x64xf32>
    %broadcast_in_dim3A_138 = vector.broadcast %jit3A_135 : f32 to vector<10000x64xf32>
    %select_n3A_139 = arith.select %eq3A_49, %broadcast_in_dim3A_137, %broadcast_in_dim3A_138 : vector<10000x64xi1>, vector<10000x64xf32>
    %reduce_max3A_140 = arith.constant dense<0xFF800000> : vector<64xf32>
    %reduce_max3A_141 = vector.multi_reduction <maximumf>, %select_n3A_139, %reduce_max3A_140 [0] : vector<10000x64xf32> to vector<64xf32>
    %reshape3A_142 = vector.shape_cast %reduce_max3A_141 : vector<64xf32> to vector<64x1xf32>
    %concatenate3A = tpu.concatenate %reshape3A, %reshape3A_70, %reshape3A_79, %reshape3A_88, %reshape3A_97, %reshape3A_106, %reshape3A_115, %reshape3A_124, %reshape3A_133, %reshape3A_142 in 1 : vector<64x1xf32>, vector<64x1xf32>, vector<64x1xf32>, vector<64x1xf32>, vector<64x1xf32>, vector<64x1xf32>, vector<64x1xf32>, vector<64x1xf32>, vector<64x1xf32>, vector<64x1xf32> -> vector<64x10xf32>
    %add3A_143 = arith.addf %add3A_56, %concatenate3A : vector<64x10xf32>
    %swap3A = arith.constant 0 : index
    %swap3A_144 = arith.constant 0 : index
    %swap3A_145 = vector.load %arg11[%swap3A, %swap3A_144] : memref<64x10xf32, #tpu.memory_space<vmem>>, vector<64x10xf32>
    tpu.vector_store %arg11[%swap3A, %swap3A_144], %add3A_143 {strides = array<i32>} : memref<64x10xf32, #tpu.memory_space<vmem>>, vector<64x10xf32>,
    %get3A_146 = arith.constant 0 : index
    %get3A_147 = arith.constant 0 : index
    %get3A_148 = vector.load %arg1[%get3A_146, %get3A_147] : memref<10000x10xf32, #tpu.memory_space<vmem>>, vector<10000x10xf32>
    %get3A_149 = arith.constant 0 : index
    %get3A_150 = arith.constant 0 : index
    %get3A_151 = vector.load %arg2[%get3A_149, %get3A_150] : memref<10000x10xf32, #tpu.memory_space<vmem>>, vector<10000x10xf32>
    %add3A_152 = arith.addf %get3A_148, %get3A_151 : vector<10000x10xf32>
    %add3A_153 = arith.addf %add3A_152, %mul3A_44 : vector<10000x10xf32>
    %swap3A_154 = arith.constant 0 : index
    %swap3A_155 = arith.constant 0 : index
    %swap3A_156 = vector.load %arg12[%swap3A_154, %swap3A_155] : memref<10000x10xf32, #tpu.memory_space<vmem>>, vector<10000x10xf32>
    tpu.vector_store %arg12[%swap3A_154, %swap3A_155], %add3A_153 {strides = array<i32>} : memref<10000x10xf32, #tpu.memory_space<vmem>>, vector<10000x10xf32>,
    return
  }
}

</mosaic_0001>

<sc_bundles>
// kernel: kernel.12.cloned.1.call-start
scs
__scs_entry_jumppad:
0x0: {  	(pc) =	sbr.rel $0x88, $3  }
0x1: {  	(tag) =	ssettag $0x0;
	lr =	simm.s32 $0x1  }
0x2: {  	[smem:$0x3F95] =	sst lr;
	_ =	strace $0xD0000000  }
0x3: {  	_ = 	snop  }
0x4: {  	_ = 	snop  }
0x5: {  	_ = 	snop  }
0x6: {  	_ = 	snop  }
0x7: {  	_ = 	snop  }
__scs_overlays_trampoline_lowered:
0x8: {  	[smem:$0x3FA4] =	sst s0  }
0x9: {  	[smem:$0x3FA5] =	sst s1  }
0xa: {  	[smem:$0x3FA6] =	sst s2  }
0xb: {  	[smem:$0x3FA7] =	sst s3  }
0xc: {  	[smem:$0x3FA8] =	sst s4  }
0xd: {  	[smem:$0x3FA9] =	sst s5  }
0xe: {  	[smem:$0x3FAA] =	sst s6  }
0xf: {  	[smem:$0x3FAB] =	sst s7  }
0x10: {  	[smem:$0x3FAC] =	sst s8  }
0x11: {  	[smem:$0x3FAD] =	sst s9;
	s0 =	simm.s32 @!p0 $0x0  }
0x12: {  	s1 =	sld [smem:$0x3F93];
	s0 =	simm.s32 @p0 $0x1  }
0x13: {  	[smem:$0x3FAE] =	sst s0;
	s0 =	simm.s32 @!p1 $0x0  }
0x14: {  	s2 =	sld [smem:$0x3F92];
	s0 =	simm.s32 @p1 $0x1  }
0x15: {  	[smem:$0x3FAF] =	sst s0;
	s0 =	simm.s32 @!p2 $0x0  }
0x16: {  	s3 =	sld [smem:$0x3FDB];
	s0 =	simm.s32 @p2 $0x1  }
0x17: {  	s4 =	simm.s32 $0x1BF5;
	[smem:$0x3FB1] =	sst s0  }
0x18: {  	s0 =	sld [smem:$0x3F94];
	_ =	swait.ge [sflag:s4], $0x0  }
0x19: {  	s7 =	sld [smem:$0x3F95]  }
0x1a: {  	s8 =	sadd.s32 $0xFFFFE003, lr  }
0x1b: {  	s9 =	sadd.s32 $0xFFFFFEF7, lr;
	s5 =	simm.s32 $0xFFFFFFFF;
	p2 =	slt.u32 s8, $0xFFFFF086  }
0x1c: {  	p1 =	slt.u32 s9, $0xF7A;
	s5 =	simm.s32 @!p2 $0x0  }
0x1d: {  	s5 =	simm.s32 @p1 $0x1;
	p0 =	seq.s32 s7, s2  }
0x1e: {  	s7 =	smul.u32 @!p0 $0xF7A, s2;
	p2 =	seq.s32 @!p0 s5, $0x0  }
0x1f: {  	s9 =	smul.u32 $0xF7A, s1;
	s8 =	simm.s32 @!p0 $0x1BF5;
	p2 =	por !p2, p0  }
0x20: {  	[sflag:s8] =	ssyncset.s32 @!p0 $0xFFFFF086;
	s6 =	sadd.s32 @!p0 s3, s7;
	s7 =	simm.s32 @!p0 $0x108  }
0x21: {  	s3 =	sadd.s32 s3, s9;
	s6 =	sadd.s32 @!p0 $0x88, s6;
	s7 =	simm.s32 @p2 $0x1082  }
0x22: {  	[simem:s7], [sflag:s8] =	dma.local @!p0 [hbm:s6], $0xF7A  }
0x23: {  	s9 =	sor.u32 $0xD0000000, s2;
	s6 =	simm.s32 $0x108;
	_ =	swait.ge @!p0 [sflag:s8], $0x0  }
0x24: {  	s3 =	sadd.s32 $0x88, s3;
	s6 =	simm.s32 @!p1 $0x1082;
	[sflag:s4] =	ssyncset.s32 $0xFFFFF086  }
0x25: {  	[simem:s6], [sflag:s4] =	dma.local [hbm:s3], $0xF7A  }
0x26: {  	[smem:$0x3F95] =	sst s1;
	(tag) =	ssettag s2;
	_ =	strace s9  }
0x27: {  	s1 =	sld [smem:$0x3FA5]  }
0x28: {  	s2 =	sld [smem:$0x3FA6]  }
0x29: {  	s4 =	sld [smem:$0x3FA8]  }
0x2a: {  	p0 =	seq.s32 s5, $0x0;
	s5 =	sld [smem:$0x3FA9]  }
0x2b: {  	s6 =	sld [smem:$0x3FAA]  }
0x2c: {  	s7 =	sld [smem:$0x3FAB]  }
0x2d: {  	s3 =	simm.s32 $0x108;
	s8 =	sld [smem:$0x3FAC]  }
0x2e: {  	s3 =	simm.s32 @!p0 $0x1082;
	s9 =	sld [smem:$0x3FAD]  }
0x2f: {  	lr =	sadd.s32 s0, s3;
	s0 =	sld [smem:$0x3FA4]  }
0x30: {  	s3 =	sld [smem:$0x3FA7]  }
0x31: {  	[smem:$0x3FB0] =	sst s10  }
0x32: {  	s10 =	sld [smem:$0x3FAE];
	_ =	sdelay $0x3  }
0x33: {  	p0 =	seq.s32 s10, $0x1;
	s10 =	sld [smem:$0x3FB0];
	_ =	sdelay $0x3  }
0x34: {  	[smem:$0x3FB0] =	sst s10  }
0x35: {  	s10 =	sld [smem:$0x3FAF];
	_ =	sdelay $0x3  }
0x36: {  	p1 =	seq.s32 s10, $0x1;
	s10 =	sld [smem:$0x3FB0];
	_ =	sdelay $0x3  }
0x37: {  	[smem:$0x3FB0] =	sst s10  }
0x38: {  	s10 =	sld [smem:$0x3FB1]  }
0x39: {  	_ = 	snop;
	(pc) =	sbr.ind lr, $3  }
0x3a: {  	_ = 	snop  }
0x3b: {  	_ = 	snop  }
0x3c: {  	p2 =	seq.s32 s10, $0x1;
	s10 =	sld [smem:$0x3FB0]  }
0x3d: {  	_ =	shalt  }
0x3e: {  	_ =	shalt  }
0x3f: {  	_ =	shalt  }
0x40: {  	_ =	shalt  }
0x41: {  	_ =	shalt  }
0x42: {  	_ =	shalt  }
0x43: {  	_ =	shalt  }
0x44: {  	_ =	shalt  }
0x45: {  	_ =	shalt  }
0x46: {  	_ =	shalt  }
0x47: {  	_ =	shalt  }
0x48: {  	_ =	shalt  }
0x49: {  	_ =	shalt  }
0x4a: {  	_ =	shalt  }
0x4b: {  	_ =	shalt  }
0x4c: {  	_ =	shalt  }
0x4d: {  	_ =	shalt  }
0x4e: {  	_ =	shalt  }
0x4f: {  	_ =	shalt  }
0x50: {  	_ =	shalt  }
0x51: {  	_ =	shalt  }
0x52: {  	_ =	shalt  }
0x53: {  	_ =	shalt  }
0x54: {  	_ =	shalt  }
0x55: {  	_ =	shalt  }
0x56: {  	_ =	shalt  }
0x57: {  	_ =	shalt  }
0x58: {  	_ =	shalt  }
0x59: {  	_ =	shalt  }
0x5a: {  	_ =	shalt  }
0x5b: {  	_ =	shalt  }
0x5c: {  	_ =	shalt  }
0x5d: {  	_ =	shalt  }
0x5e: {  	_ =	shalt  }
0x5f: {  	_ =	shalt  }
0x60: {  	_ =	shalt  }
0x61: {  	_ =	shalt  }
0x62: {  	_ =	shalt  }
0x63: {  	_ =	shalt  }
0x64: {  	_ =	shalt  }
0x65: {  	_ =	shalt  }
0x66: {  	_ =	shalt  }
0x67: {  	_ =	shalt  }
0x68: {  	_ =	shalt  }
0x69: {  	_ =	shalt  }
0x6a: {  	_ =	shalt  }
0x6b: {  	_ =	shalt  }
0x6c: {  	_ =	shalt  }
0x6d: {  	_ =	shalt  }
0x6e: {  	_ =	shalt  }
0x6f: {  	_ =	shalt  }
0x70: {  	_ =	shalt  }
0x71: {  	_ =	shalt  }
0x72: {  	_ =	shalt  }
0x73: {  	_ =	shalt  }
0x74: {  	_ =	shalt  }
0x75: {  	_ =	shalt  }
0x76: {  	_ =	shalt  }
0x77: {  	_ =	shalt  }
0x78: {  	_ =	shalt  }
0x79: {  	_ =	shalt  }
0x7a: {  	_ =	shalt  }
0x7b: {  	_ =	shalt  }
0x7c: {  	_ =	shalt  }
0x7d: {  	_ =	shalt  }
0x7e: {  	_ =	shalt  }
0x7f: {  	_ =	shalt  }
0x80: {  	_ =	shalt  }
0x81: {  	_ =	shalt  }
0x82: {  	_ =	shalt  }
0x83: {  	_ =	shalt  }
0x84: {  	_ =	shalt  }
0x85: {  	_ =	shalt  }
0x86: {  	_ =	shalt  }
0x87: {  	_ =	shalt  }
.Lfunc_end0:
.L_simem_size_0:
called_computation.1_lowered:
.L_overlay_start_0:
0x88: {  	s2 =	sld [smem:$0x3FD9]  }
0x89: {  	s3 =	sld [smem:$0x3FFE];
	_ =	sdelay $0x1  }
0x8a: {  	s1 =	srdreg.scid  }
0x8b: {  	s0 =	sand.u32 $0x1, s1  }
0x8c: {  	s14 =	sshll.u32 s0, $0xA;
	s2 =	sadd.s32 s3, s2  }
0x8d: {  	s2 =	sadd.s32 s2, s14  }
0x8e: {  	[smem:$0x3FBC] =	sst s2  }
0x8f: {  	_ = 	snop  }
0x90: {  	s2 =	sld [smem:$0x3FD0];
	_ =	sdelay $0x2  }
0x91: {  	s15 =	simm.s32 $0xA;
	s4 =	simm.s32 $0x10  }
0x92: {  	[smem:s4], [sflag:s15] =	dma.local [hbm:s2], $0x1  }
0x93: {  	_ =	swait.eq [sflag:s15], $0x1  }
0x94: {  	[sflag:s15] =	ssyncset.done $0x0  }
0x95: {  	[sflag:s15] =	ssyncadd.s32 $0xFFFFFFFF  }
0x96: {  	s16 =	sld [smem:$0x12];
	(tm) =	ssettm $0x1  }
0x97: {  	s17 =	sld [smem:$0x3FFB];
	_ =	sdelay $0x3  }
0x98: {  	_ =	strace s17  }
0x99: {  	s3 =	sld [smem:$0x3FFC];
	_ =	sdelay $0x3  }
0x9a: {  	_ =	strace s3  }
0x9b: {  	s3 =	sld [smem:$0x3FFD];
	_ =	sdelay $0x3  }
0x9c: {  	_ =	strace s3  }
0x9d: {  	_ =	strace $0x8FFFFFFF  }
0x9e: {  	s18 =	sld [smem:$0x3FDB];
	_ =	sdelay $0x1  }
0x9f: {  	s19 =	simm.s32 $_scs_section_size  }
0xa0: {  	s5 =	simm.s32 $_size__tile_overlayer_lowered;
	s6 =	simm.s32 $_tile_overlayer_lowered  }
0xa1: {  	s22 =	simm.s32 $0x1BFF;
	s21 =	sshll.u32 s6, $0x1;
	s3 =	sadd.s32 s19, s18  }
0xa2: {  	s7 =	simm.s32 $0x0;
	s20 =	sshll.u32 s5, $0x1;
	s5 =	sadd.s32 s21, s3  }
0xa3: {  	[timem:s7], [sflag:s22] =	dma.local [hbm:s5], s20  }
0xa4: {  	_ =	swait.ge [sflag:s22], s20  }
0xa5: {  	s4 =	ssub.s32 $0x0, s20;
	[sflag:s22] =	ssyncset.done $0x0  }
0xa6: {  	[sflag:s22] =	ssyncadd.s32 s4;
	_ =	sdelay $0x1  }
0xa7: {  	s23 =	simm.s32 $0x1B8B  }
0xa8: {  	_ =	swait.ge [sflag:s23], $0x1  }
0xa9: {  	[sflag:s23] =	ssyncset.done $0x0  }
0xaa: {  	s25 =	simm.s32 $0x1B8E;
	s24 =	sld [smem:$0x3FFE];
	[sflag:s23] =	ssyncadd.s32 $0xFFFFFFFF  }
0xab: {  	s26 =	simm.s32 $execute0_lowered;
	[smem:$0x3FD2] =	sst s25  }
0xac: {  	s5 =	sshll.u32 s26, $0x1;
	_ =	strace $0x80000049;
	[dreg:$0x1] =	wrdreg $0xFFFFFFFF  }
0xad: {  	s28 =	simm.s32 $_size_execute0_lowered;
	s3 =	sadd.s32 s3, s5;
	[dreg:$0x0] =	wrdreg $0x0  }
0xae: {  	s5 =	sshll.u32 s28, $0x1;
	[dreg:$0x2] =	wrdreg s3  }
0xaf: {  	[dreg:$0x3] =	wrdreg s5  }
0xb0: {  	[dreg:$0x4] =	wrdreg $0xC0  }
0xb1: {  	_ =	task [dreg:s7], $0x5FFFF  }
0xb2: {  	[dreg:$0x1] =	wrdreg $0xFFFFFFFF  }
0xb3: {  	[dreg:$0x0] =	wrdreg $0x60  }
0xb4: {  	[dreg:$0x2] =	wrdreg s24  }
0xb5: {  	[dreg:$0x3] =	wrdreg s16  }
0xb6: {  	[dreg:$0x4] =	wrdreg $0xC2000  }
0xb7: {  	[dreg:$0x5] =	wrdreg $0x9  }
0xb8: {  	_ =	task.clear_ibuf [dreg:s7], $0x6FFFF;
	_ =	strace $0x90000049  }
0xb9: {  	s29 =	simm.s32 $0x9;
	_ =	strace $0x8000004B  }
0xba: {  	_ =	swait.ge [sflag:s29], $0x1  }
0xbb: {  	[sflag:s29] =	ssyncadd.s32 $0xFFFFFFFF  }
0xbc: {  	_ =	strace $0x9000004B  }
0xbd: {  	_ =	sfence  }
0xbe: {  	s30 =	sld [smem:$0x0];
	_ =	sdelay $0x2  }
0xbf: {  	s31 =	sshll.u32 s1, $0xD;
	s1 =	sshrl.u32 s1, $0x2  }
0xc0: {  	s3 =	sand.u32 $0x4000, s31;
	s1 =	sadd.s32 s1, s30  }
0xc1: {  	s0 =	sor.u32 s3, s0;
	s1 =	sshll.u32 s1, $0x11  }
0xc2: {  	s0 =	sor.u32 s1, s0  }
0xc3: {  	s0 =	sadd.s32 $0x8F2B, s0  }
0xc4: {  	[sflag:s0] =	ssyncadd.remote.s32 $0x1  }
0xc5: {  	_ =	sfence.sel $0xFFFF  }
0xc6: {  	[dreg:$0x0] =	wrdreg $0xFFFFFFFF;
	(pc) =	sbr.abs _section_cstart, $3  }
0xc7: {  	[dreg:$0x1] =	wrdreg $0xFFFFFFFF  }
0xc8: {  	_ =	task.clear_ibuf [dreg:s7], $0x2FFFF;
	_ =	strace $0x9FFFFFFF  }
0xc9: {  	(tm) =	ssettm $0x7FFFFFFF  }
tec
execute0_lowered:
.L_overlay_start_1:
0x0: {  	(tag) =	ssettag $0x1  }
0x1: {  	s0 =	rddreg [dreg:$0x0]  }
0x2: {  	s1 =	srdreg.scid;
	s5 =	stileid.u32  }
0x3: {  	s6 =	rddreg [dreg:$0x1];
	s28 =	simm.s32 $0x60;
	s29 =	simm.s32 $0x2980  }
0x4: {  	s30 =	simm.s32 $0x2800;
	s31 =	simm.s32 $0x5980;
	s8 =	sand.u32 $0x1, s1  }
0x5: {  	s2 =	sshll.u32 s5, $0x1;
	s1 =	rddreg [dreg:$0x2];
	s11 =	smul.u32 $0x4E000, s5  }
0x6: {  	s13 =	smul.u32 $0x13800, s5;
	s4 =	sadd.s32 $0x18600, s0;
	s15 =	sshll.u32 s5, $0x6  }
0x7: {  	s20 =	smul.u32 $0x4E20, s5;
	p0 =	sne.s32 s5, $0x0;
	s5 =	simm.s32 $0x2  }
0x8: {  	s3 =	sor.u32 s8, s2;
	s2 =	simm.s32 $0x0;
	s17 =	smul.u32 $0x138800, s8  }
0x9: {  	s7 =	ssub.s32 $0x2, s8;
	s16 =	sadd.s32 $0x138000, s1;
	s8 =	smul.u32 $0x2710, s8  }
0xa: {  	s3 =	smul.u32 $0x2710, s3;
	[smem:$0x7FF] =	sst s2;
	s12 =	sshrl.u32 s7, $0x1  }
0xb: {  	s25 =	sshrl.u32 s11, $0x2;
	s26 =	sshrl.u32 s13, $0x3;
	_ =	strace $0x8000004A  }
0xc: {  	s12 =	ssub.s32 s7, s12;
	s14 =	sadd.s32 s25, s1;
	[dreg:$0x4] =	wrdreg s15  }
0xd: {  	s11 =	sadd.s32 s6, s26;
	s15 =	sor.u32 $0x1C09, s15;
	[dreg:$0x7] =	wrdreg s16  }
0xe: {  	s6 =	sadd.s32 $0x27000, s6;
	s22 =	sadd.s32 s13, s17;
	s24 =	sadd.s32 s8, s20  }
0xf: {  	s13 =	simm.s32 $0x3;
	s16 =	simm.s32 $0x0;
	[dreg:$0x5] =	wrdreg s11  }
0x10: {  	s9 =	sshrl.u32 s3, $0x3;
	s3 =	sadd.s32 $0x4A00, s0;
	[dreg:$0x6] =	wrdreg s15  }
0x11: {  	[dreg:$0x8] =	wrdreg s6;
	s6 =	sshrl.u32 s17, $0x3;
	s25 =	sadd.s32 $0x180, s24  }
0x12: {  	s8 =	sadd.s32 $0xC0, s24;
	s26 =	smax.u32 s12, $0x1;
	s20 =	sshrl.u32 s14, $0x3  }
0x13: {  	s14 =	simm.s32 $0xB980;
	s15 =	simm.s32 $0x10;
	s12 =	simm.s32 $0x6  }
0x14: {  	s10 =	sadd.s32 s9, s0;
	s0 =	sadd.s32 $0x3F800, s0;
	s19 =	sadd.s32 s3, s9  }
0x15: {  	[dreg:$0xf] =	wrdreg s26;
	s8 =	sshrl.u32 s8, $0x3;
	s26 =	simm.s32 $0x2780  }
0x16: {  	s9 =	simm.s32 $0x1;
	s18 =	sadd.s32 $0xE800, s10;
	[dreg:$0xa] =	wrdreg s19  }
0x17: {  	s21 =	sadd.s32 $0x4E0, s19;
	s7 =	sadd.s32 $0xC, s19;
	[dreg:$0x9] =	wrdreg s18  }
0x18: {  	s10 =	sshrl.u32 s22, $0x3;
	s19 =	sadd.s32 s8, s3;
	[dreg:$0xb] =	wrdreg s21  }
0x19: {  	s22 =	simm.s32 $0xBA00;
	s8 =	simm.s32 $0x4;
	[dreg:$0xc] =	wrdreg s7  }
0x1a: {  	s23 =	sadd.s32 s0, s10;
	s0 =	sadd.s32 s0, s6;
	s18 =	sadd.s32 $0x120, s24  }
0x1b: {  	s21 =	simm.s32 $0xA;
	s24 =	simm.s32 $0x2880;
	s0 =	sadd.s32 $0x27000, s0  }
0x1c: {  	s6 =	simm.s32 $0x8980;
	[dreg:$0xe] =	wrdreg s0;
	s0 =	sshrl.u32 s25, $0x3  }
0x1d: {  	s10 =	simm.s32 $0x5;
	[dreg:$0xd] =	wrdreg s23;
	s17 =	sadd.s32 s0, s3  }
.LBB2_1:
0x1e: {  	s0 =	rddreg [dreg:$0x5]  }
0x1f: {  	s7 =	rddreg [dreg:$0x6]  }
0x20: {  	[spmem:s20], [sflag:s7] =	dma.local [hbm:s0], $0x2700  }
0x21: {  	s0 =	rddreg [dreg:$0x7]  }
0x22: {  	s11 =	sshrl.u32 @!p0 s0, $0x3;
	s0 =	rddreg [dreg:$0x8]  }
0x23: {  	[spmem:s11], [sflag:s7] =	dma.local @!p0 [hbm:s0], $0x100  }
0x24: {  	s0 =	rddreg [dreg:$0x9]  }
0x25: {  	[tilespmem:s2], [sflag:$0xA] =	stream.linear.gather [hbm4b:s0+s2], $0x2710, $0x38;
	[tilespmem:$0x1FA80] =	vst v63  }
0x26: {  	_ =	swait.ge [sflag:s21], $0x2710  }
0x27: {  	[sflag:s21] =	ssyncset.done $0x0  }
0x28: {  	s7 =	rddreg [dreg:$0xb];
	[sflag:s21] =	ssyncadd.s32 $0xFFFFD8F0  }
0x29: {  	[tilespmem:s14], [sflag:$0x7] =	stream.linear.gather [hbm4b:s7+s2], $0x10, $0x38;
	[tilespmem:$0x1FA80] =	vst v63  }
0x2a: {  	s23 =	simm.s32 $0x2700  }
0x2b: {  	[tilespmem:s22], [sflag:$0x8] =	stream.indirect.gather [hbm4b:s4+s15], $0x80, s23, s15, $0xb8;
	[tilespmem:$0x1FA80] =	vst v63  }
0x2c: {  	s25 =	rddreg [dreg:$0xa]  }
0x2d: {  	[tilespmem:s26], [sflag:$0x4] =	stream.linear.gather [hbm4b:s25+s2], $0x60, $0x38;
	[tilespmem:$0x1FA80] =	vst v63  }
0x2e: {  	_ = 	snop  }
0x2f: {  	[tilespmem:s29], [sflag:$0x1] =	stream.indirect.gather [hbm4b:s4+s28], $0x80, s2, s28, $0xb8;
	[tilespmem:$0x1FA80] =	vst v63  }
0x30: {  	s7 =	rddreg [dreg:$0xc]  }
0x31: {  	[tilespmem:s30], [sflag:$0x5] =	stream.linear.gather [hbm4b:s7+s2], $0x60, $0x38;
	[tilespmem:$0x1FA80] =	vst v63  }
0x32: {  	s14 =	simm.s32 $0x9  }
0x33: {  	[tilespmem:s31], [sflag:$0x2] =	stream.indirect.gather [hbm4b:s4+s28], $0x80, s28, s28, $0xb8;
	[tilespmem:$0x1FA80] =	vst v63  }
0x34: {  	_ =	swait.ge [sflag:s14], $0x2700  }
0x35: {  	[sflag:s14] =	ssyncset.done $0x0  }
0x36: {  	s0 =	simm.s32 @!p0 $0x9;
	[sflag:s14] =	ssyncadd.s32 $0xFFFFD900  }
0x37: {  	_ =	swait.ge @!p0 [sflag:s0], $0x100  }
0x38: {  	[sflag:s0] =	ssyncset.done @!p0 $0x0  }
0x39: {  	[sflag:s0] =	ssyncadd.s32 @!p0 $0xFFFFFF00  }
0x3a: {  	[bflag:$0x0] =	sbarrier.arrive $0xFFFF  }
0x3b: {  	[tilespmem:s24], [sflag:$0x6] =	stream.linear.gather [hbm4b:s19+s2], $0x60, $0x38;
	[tilespmem:$0x1FA80] =	vst v63  }
0x3c: {  	s15 =	simm.s32 $0xC0  }
0x3d: {  	[tilespmem:s6], [sflag:$0x3] =	stream.indirect.gather [hbm4b:s4+s28], $0x80, s15, s28, $0xb8;
	[tilespmem:$0x1FA80] =	vst v63  }
0x3e: {  	_ =	swait.ge [sflag:s8], $0x60  }
0x3f: {  	[sflag:s8] =	ssyncset.done $0x0  }
0x40: {  	[sflag:s8] =	ssyncadd.s32 $0xFFFFFFA0  }
0x41: {  	_ =	swait.ge [sflag:s9], $0x3000  }
0x42: {  	[sflag:s9] =	ssyncset.done $0x0  }
0x43: {  	[sflag:s9] =	ssyncadd.s32 $0xFFFFD000  }
0x44: {  	[spmem:s1] =	stream.indirect.scatter.add.f32 [tilespmem:s29], [sflag:$0xA], $0x80, s26, s28, $0xb8;
	[tilespmem:$0x1FA80] =	vst v63  }
0x45: {  	_ =	swait.ge [sflag:s21], $0x3000  }
0x46: {  	s22 =	sshrl.u32 s18, $0x3;
	[sflag:s21] =	ssyncset.done $0x0  }
0x47: {  	s0 =	sadd.s32 s3, s22;
	[sflag:s21] =	ssyncadd.s32 $0xFFFFD000  }
0x48: {  	[tilespmem:s26], [sflag:$0x4] =	stream.linear.gather [hbm4b:s0+s2], $0x60, $0x38;
	[tilespmem:$0x1FA80] =	vst v63  }
0x49: {  	s23 =	simm.s32 $0x120  }
0x4a: {  	[tilespmem:s29], [sflag:$0x1] =	stream.indirect.gather [hbm4b:s4+s28], $0x80, s23, s28, $0xb8;
	[tilespmem:$0x1FA80] =	vst v63  }
0x4b: {  	_ =	swait.ge [sflag:s10], $0x60  }
0x4c: {  	[sflag:s10] =	ssyncset.done $0x0  }
0x4d: {  	[sflag:s10] =	ssyncadd.s32 $0xFFFFFFA0  }
0x4e: {  	_ =	swait.ge [sflag:s5], $0x3000  }
0x4f: {  	[sflag:s5] =	ssyncset.done $0x0  }
0x50: {  	[sflag:s5] =	ssyncadd.s32 $0xFFFFD000  }
0x51: {  	[spmem:s1] =	stream.indirect.scatter.add.f32 [tilespmem:s31], [sflag:$0xA], $0x80, s30, s28, $0xb8;
	[tilespmem:$0x1FA80] =	vst v63  }
0x52: {  	_ =	swait.ge [sflag:s21], $0x3000  }
0x53: {  	[sflag:s21] =	ssyncset.done $0x0  }
0x54: {  	[sflag:s21] =	ssyncadd.s32 $0xFFFFD000  }
0x55: {  	[tilespmem:s30], [sflag:$0x5] =	stream.linear.gather [hbm4b:s17+s2], $0x60, $0x38;
	[tilespmem:$0x1FA80] =	vst v63  }
0x56: {  	s25 =	simm.s32 $0x180  }
0x57: {  	[tilespmem:s31], [sflag:$0x2] =	stream.indirect.gather [hbm4b:s4+s28], $0x80, s25, s28, $0xb8;
	[tilespmem:$0x1FA80] =	vst v63  }
0x58: {  	_ =	swait.ge [sflag:s12], $0x60  }
0x59: {  	[sflag:s12] =	ssyncset.done $0x0  }
0x5a: {  	[sflag:s12] =	ssyncadd.s32 $0xFFFFFFA0  }
0x5b: {  	_ =	swait.ge [sflag:s13], $0x3000  }
0x5c: {  	[sflag:s13] =	ssyncset.done $0x0  }
0x5d: {  	[sflag:s13] =	ssyncadd.s32 $0xFFFFD000  }
0x5e: {  	[spmem:s1] =	stream.indirect.scatter.add.f32 [tilespmem:s6], [sflag:$0xA], $0x80, s24, s28, $0xb8;
	[tilespmem:$0x1FA80] =	vst v63  }
0x5f: {  	s22 =	sadd.s32 $0x24, s19;
	s0 =	simm.s32 $0x480;
	_ =	swait.ge [sflag:s21], $0x3000  }
0x60: {  	s23 =	sadd.s32 $0x24, s17;
	s25 =	sadd.s32 $0x120, s18;
	[sflag:s21] =	ssyncset.done $0x0  }
.LBB2_2:
0x61: {  	s14 =	smov.u32 s0  }
0x62: {  	s15 =	sshra.s32 s0, $0x2;
	[sflag:s21] =	ssyncadd.s32 $0xFFFFD000;
	s14 =	sadd.s32 $0x480, s0  }
0x63: {  	[tilespmem:s24], [sflag:$0x6] =	stream.linear.gather [hbm4b:s22+s2], $0x60, $0x38;
	[tilespmem:$0x1FA80] =	vst v63  }
0x64: {  	p1 =	sne.s32 s0, $0x9480;
	s7 =	sadd.s32 $0xC0, s15  }
0x65: {  	[tilespmem:s6], [sflag:$0x3] =	stream.indirect.gather [hbm4b:s4+s28], $0x80, s7, s28, $0xb8;
	[tilespmem:$0x1FA80] =	vst v63  }
0x66: {  	_ =	swait.ge [sflag:s8], $0x60  }
0x67: {  	[sflag:s8] =	ssyncset.done $0x0  }
0x68: {  	[sflag:s8] =	ssyncadd.s32 $0xFFFFFFA0  }
0x69: {  	_ =	swait.ge [sflag:s9], $0x3000  }
0x6a: {  	[sflag:s9] =	ssyncset.done $0x0  }
0x6b: {  	[sflag:s9] =	ssyncadd.s32 $0xFFFFD000  }
0x6c: {  	[spmem:s1] =	stream.indirect.scatter.add.f32 [tilespmem:s29], [sflag:$0xA], $0x80, s26, s28, $0xb8;
	[tilespmem:$0x1FA80] =	vst v63  }
0x6d: {  	_ =	swait.ge [sflag:s21], $0x3000  }
0x6e: {  	s0 =	sshrl.u32 s25, $0x3;
	[sflag:s21] =	ssyncset.done $0x0  }
0x6f: {  	s0 =	sadd.s32 s3, s0;
	[sflag:s21] =	ssyncadd.s32 $0xFFFFD000  }
0x70: {  	[tilespmem:s26], [sflag:$0x4] =	stream.linear.gather [hbm4b:s0+s2], $0x60, $0x38;
	[tilespmem:$0x1FA80] =	vst v63  }
0x71: {  	s0 =	sadd.s32 $0x120, s15  }
0x72: {  	[tilespmem:s29], [sflag:$0x1] =	stream.indirect.gather [hbm4b:s4+s28], $0x80, s0, s28, $0xb8;
	[tilespmem:$0x1FA80] =	vst v63  }
0x73: {  	_ =	swait.ge [sflag:s10], $0x60  }
0x74: {  	[sflag:s10] =	ssyncset.done $0x0  }
0x75: {  	[sflag:s10] =	ssyncadd.s32 $0xFFFFFFA0  }
0x76: {  	_ =	swait.ge [sflag:s5], $0x3000  }
0x77: {  	[sflag:s5] =	ssyncset.done $0x0  }
0x78: {  	[sflag:s5] =	ssyncadd.s32 $0xFFFFD000  }
0x79: {  	[spmem:s1] =	stream.indirect.scatter.add.f32 [tilespmem:s31], [sflag:$0xA], $0x80, s30, s28, $0xb8;
	[tilespmem:$0x1FA80] =	vst v63  }
0x7a: {  	_ =	swait.ge [sflag:s21], $0x3000  }
0x7b: {  	[sflag:s21] =	ssyncset.done $0x0  }
0x7c: {  	[sflag:s21] =	ssyncadd.s32 $0xFFFFD000  }
0x7d: {  	[tilespmem:s30], [sflag:$0x5] =	stream.linear.gather [hbm4b:s23+s2], $0x60, $0x38;
	[tilespmem:$0x1FA80] =	vst v63  }
0x7e: {  	s0 =	sadd.s32 $0x180, s15  }
0x7f: {  	[tilespmem:s31], [sflag:$0x2] =	stream.indirect.gather [hbm4b:s4+s28], $0x80, s0, s28, $0xb8;
	[tilespmem:$0x1FA80] =	vst v63  }
0x80: {  	_ =	swait.ge [sflag:s12], $0x60  }
0x81: {  	[sflag:s12] =	ssyncset.done $0x0  }
0x82: {  	[sflag:s12] =	ssyncadd.s32 $0xFFFFFFA0  }
0x83: {  	_ =	swait.ge [sflag:s13], $0x3000  }
.Ltmp0:
0x84: {  	[sflag:s13] =	ssyncset.done $0x0;
	(pc) =	sbr.rel @p1 .LBB2_2-.Ltmp0, $4  }
0x85: {  	[sflag:s13] =	ssyncadd.s32 $0xFFFFD000  }
0x86: {  	[spmem:s1] =	stream.indirect.scatter.add.f32 [tilespmem:s6], [sflag:$0xA], $0x80, s24, s28, $0xb8;
	[tilespmem:$0x1FA80] =	vst v63  }
0x87: {  	s25 =	sadd.s32 $0x120, s25;
	s22 =	sadd.s32 $0x24, s22;
	_ =	swait.ge [sflag:s21], $0x3000  }
0x88: {  	s23 =	sadd.s32 $0x24, s23;
	s0 =	smov.u32 s14;
	[sflag:s21] =	ssyncset.done $0x0  }
0x89: {  	[sflag:s21] =	ssyncadd.s32 $0xFFFFD000  }
0x8a: {  	_ =	swait.ge [sflag:s8], $0x60  }
0x8b: {  	[sflag:s8] =	ssyncset.done $0x0  }
0x8c: {  	[sflag:s8] =	ssyncadd.s32 $0xFFFFFFA0  }
0x8d: {  	_ =	swait.ge [sflag:s9], $0x3000  }
0x8e: {  	[sflag:s9] =	ssyncset.done $0x0  }
0x8f: {  	[sflag:s9] =	ssyncadd.s32 $0xFFFFD000  }
0x90: {  	[spmem:s1] =	stream.indirect.scatter.add.f32 [tilespmem:s29], [sflag:$0xA], $0x80, s26, s28, $0xb8;
	[tilespmem:$0x1FA80] =	vst v63  }
0x91: {  	_ =	swait.ge [sflag:s21], $0x3000  }
0x92: {  	[sflag:s21] =	ssyncset.done $0x0  }
0x93: {  	[sflag:s21] =	ssyncadd.s32 $0xFFFFD000  }
0x94: {  	_ =	swait.ge [sflag:s10], $0x60  }
0x95: {  	[sflag:s10] =	ssyncset.done $0x0  }
0x96: {  	[sflag:s10] =	ssyncadd.s32 $0xFFFFFFA0  }
0x97: {  	_ =	swait.ge [sflag:s5], $0x3000  }
0x98: {  	[sflag:s5] =	ssyncset.done $0x0  }
0x99: {  	[sflag:s5] =	ssyncadd.s32 $0xFFFFD000  }
0x9a: {  	[spmem:s1] =	stream.indirect.scatter.add.f32 [tilespmem:s31], [sflag:$0xA], $0x80, s30, s28, $0xb8;
	[tilespmem:$0x1FA80] =	vst v63  }
0x9b: {  	_ =	swait.ge [sflag:s21], $0x3000  }
0x9c: {  	[sflag:s21] =	ssyncset.done $0x0  }
0x9d: {  	s0 =	simm.s32 $0x7;
	[sflag:s21] =	ssyncadd.s32 $0xFFFFD000  }
0x9e: {  	_ =	swait.ge [sflag:s0], $0x10  }
0x9f: {  	[sflag:s0] =	ssyncset.done $0x0  }
0xa0: {  	s22 =	simm.s32 $0x8;
	[sflag:s0] =	ssyncadd.s32 $0xFFFFFFF0  }
0xa1: {  	_ =	swait.ge [sflag:s22], $0x800  }
0xa2: {  	s14 =	simm.s32 $0xB980;
	[sflag:s22] =	ssyncset.done $0x0  }
0xa3: {  	s15 =	simm.s32 $0x10;
	[sflag:s22] =	ssyncadd.s32 $0xFFFFF800;
	s22 =	simm.s32 $0xBA00  }
0xa4: {  	[spmem:s1] =	stream.indirect.scatter.add.f32 [tilespmem:s22], [sflag:$0xA], $0x80, s14, s15, $0xb8;
	[tilespmem:$0x1FA80] =	vst v63  }
0xa5: {  	_ =	swait.ge [sflag:s21], $0x800  }
0xa6: {  	[sflag:s21] =	ssyncset.done $0x0  }
0xa7: {  	[sflag:s21] =	ssyncadd.s32 $0xFFFFF800  }
0xa8: {  	[bflag:$0x0] =	sbarrier.arrive $0xFFFF  }
0xa9: {  	s23 =	rddreg [dreg:$0x4]  }
0xaa: {  	s7 =	rddreg [dreg:$0xd];
	s0 =	sor.u32 $0x1C0A, s23  }
0xab: {  	[hbm:s7], [sflag:s0] =	dma.local [spmem:s20], $0x2700  }
0xac: {  	_ =	swait.ge [sflag:s21], $0x2700  }
0xad: {  	[sflag:s21] =	ssyncset.done $0x0  }
0xae: {  	s7 =	rddreg [dreg:$0xe];
	[sflag:s21] =	ssyncadd.s32 $0xFFFFD900  }
0xaf: {  	[hbm:s7], [sflag:s0] =	dma.local @!p0 [spmem:s11], $0x100  }
0xb0: {  	s0 =	simm.s32 @!p0 $0xA  }
0xb1: {  	_ =	swait.ge @!p0 [sflag:s0], $0x100  }
0xb2: {  	s16 =	sadd.s32 $0x1, s16;
	s25 =	rddreg [dreg:$0xf]  }
0xb3: {  	p1 =	sne.s32 s16, s25  }
.Ltmp1:
0xb4: {  	_ = 	snop;
	(pc) =	sbr.rel @p1 .LBB2_1-.Ltmp1, $3  }
0xb5: {  	_ =	sdelay $0x1  }
0xb6: {  	[sflag:s0] =	ssyncset.done @!p0 $0x0  }
0xb7: {  	[sflag:s0] =	ssyncadd.s32 @!p0 $0xFFFFFF00  }
0xb8: {  	_ =	sfence.sel $0x180000  }
0xb9: {  	[bflag:$0x0] =	sbarrier.arrive $0xFFFF  }
0xba: {  	_ =	strace $0x9000004A  }
0xbb: {  	[bflag:$0x2] =	sbarrier.arrive $0xFFFF  }
0xbc: {  	s0 =	rddreg [dreg:$0x3]  }
0xbd: {  	s0 =	sadd.s32 @!p0 $0x100000, s0  }
0xbe: {  	[sflag:s0] =	ssyncadd.tile.s32 @!p0 $0x1;
	_ =	shalt  }
.Lfunc_end2:
_tile_overlayer_lowered:
.L_overlay_start_2:
0xbf: {  	(tag) =	ssettag $0x2  }
0xc0: {  	s0 =	rddreg [dreg:$0x0];
	s2 =	stileid.u32  }
0xc1: {  	s1 =	rddreg [dreg:$0x1];
	p0 =	sne.s32 s2, $0x0  }
0xc2: {  	s3 =	rddreg [dreg:$0x2];
	[bflag:$0x3] =	sbarrier.arrive $0xFFFF;
	s2 =	simm.s32 @!p0 $0x1C0A  }
0xc3: {  	[timem:s3], [sflag:s2] =	dma.local @!p0 [hbm:s0], s1  }
0xc4: {  	s0 =	simm.s32 @!p0 $0xA  }
0xc5: {  	_ =	swait.ge @!p0 [sflag:s0], s1  }
0xc6: {  	s1 =	ssub.s32 @!p0 $0x0, s1;
	[sflag:s0] =	ssyncset.done @!p0 $0x0  }
0xc7: {  	[sflag:s0] =	ssyncadd.s32 @!p0 s1  }
0xc8: {  	[bflag:$0x3] =	sbarrier.arrive $0xFFFF  }
0xc9: {  	_ =	shalt  }

// kernel: kernel.9.cloned.1.call-start
scs
__scs_entry_jumppad:
0x0: {  	(pc) =	sbr.rel $0x88, $3  }
0x1: {  	(tag) =	ssettag $0x0;
	lr =	simm.s32 $0x1  }
0x2: {  	[smem:$0x3F95] =	sst lr;
	_ =	strace $0xD0000000  }
0x3: {  	_ = 	snop  }
0x4: {  	_ = 	snop  }
0x5: {  	_ = 	snop  }
0x6: {  	_ = 	snop  }
0x7: {  	_ = 	snop  }
__scs_overlays_trampoline_lowered:
0x8: {  	[smem:$0x3FA4] =	sst s0  }
0x9: {  	[smem:$0x3FA5] =	sst s1  }
0xa: {  	[smem:$0x3FA6] =	sst s2  }
0xb: {  	[smem:$0x3FA7] =	sst s3  }
0xc: {  	[smem:$0x3FA8] =	sst s4  }
0xd: {  	[smem:$0x3FA9] =	sst s5  }
0xe: {  	[smem:$0x3FAA] =	sst s6  }
0xf: {  	[smem:$0x3FAB] =	sst s7  }
0x10: {  	[smem:$0x3FAC] =	sst s8  }
0x11: {  	[smem:$0x3FAD] =	sst s9;
	s0 =	simm.s32 @!p0 $0x0  }
0x12: {  	s1 =	sld [smem:$0x3F93];
	s0 =	simm.s32 @p0 $0x1  }
0x13: {  	[smem:$0x3FAE] =	sst s0;
	s0 =	simm.s32 @!p1 $0x0  }
0x14: {  	s2 =	sld [smem:$0x3F92];
	s0 =	simm.s32 @p1 $0x1  }
0x15: {  	[smem:$0x3FAF] =	sst s0;
	s0 =	simm.s32 @!p2 $0x0  }
0x16: {  	s3 =	sld [smem:$0x3FDB];
	s0 =	simm.s32 @p2 $0x1  }
0x17: {  	s4 =	simm.s32 $0x1BF5;
	[smem:$0x3FB1] =	sst s0  }
0x18: {  	s0 =	sld [smem:$0x3F94];
	_ =	swait.ge [sflag:s4], $0x0  }
0x19: {  	s7 =	sld [smem:$0x3F95]  }
0x1a: {  	s8 =	sadd.s32 $0xFFFFE003, lr  }
0x1b: {  	s9 =	sadd.s32 $0xFFFFFEF7, lr;
	s5 =	simm.s32 $0xFFFFFFFF;
	p2 =	slt.u32 s8, $0xFFFFF086  }
0x1c: {  	p1 =	slt.u32 s9, $0xF7A;
	s5 =	simm.s32 @!p2 $0x0  }
0x1d: {  	s5 =	simm.s32 @p1 $0x1;
	p0 =	seq.s32 s7, s2  }
0x1e: {  	s7 =	smul.u32 @!p0 $0xF7A, s2;
	p2 =	seq.s32 @!p0 s5, $0x0  }
0x1f: {  	s9 =	smul.u32 $0xF7A, s1;
	s8 =	simm.s32 @!p0 $0x1BF5;
	p2 =	por !p2, p0  }
0x20: {  	[sflag:s8] =	ssyncset.s32 @!p0 $0xFFFFF086;
	s6 =	sadd.s32 @!p0 s3, s7;
	s7 =	simm.s32 @!p0 $0x108  }
0x21: {  	s3 =	sadd.s32 s3, s9;
	s6 =	sadd.s32 @!p0 $0x88, s6;
	s7 =	simm.s32 @p2 $0x1082  }
0x22: {  	[simem:s7], [sflag:s8] =	dma.local @!p0 [hbm:s6], $0xF7A  }
0x23: {  	s9 =	sor.u32 $0xD0000000, s2;
	s6 =	simm.s32 $0x108;
	_ =	swait.ge @!p0 [sflag:s8], $0x0  }
0x24: {  	s3 =	sadd.s32 $0x88, s3;
	s6 =	simm.s32 @!p1 $0x1082;
	[sflag:s4] =	ssyncset.s32 $0xFFFFF086  }
0x25: {  	[simem:s6], [sflag:s4] =	dma.local [hbm:s3], $0xF7A  }
0x26: {  	[smem:$0x3F95] =	sst s1;
	(tag) =	ssettag s2;
	_ =	strace s9  }
0x27: {  	s1 =	sld [smem:$0x3FA5]  }
0x28: {  	s2 =	sld [smem:$0x3FA6]  }
0x29: {  	s4 =	sld [smem:$0x3FA8]  }
0x2a: {  	p0 =	seq.s32 s5, $0x0;
	s5 =	sld [smem:$0x3FA9]  }
0x2b: {  	s6 =	sld [smem:$0x3FAA]  }
0x2c: {  	s7 =	sld [smem:$0x3FAB]  }
0x2d: {  	s3 =	simm.s32 $0x108;
	s8 =	sld [smem:$0x3FAC]  }
0x2e: {  	s3 =	simm.s32 @!p0 $0x1082;
	s9 =	sld [smem:$0x3FAD]  }
0x2f: {  	lr =	sadd.s32 s0, s3;
	s0 =	sld [smem:$0x3FA4]  }
0x30: {  	s3 =	sld [smem:$0x3FA7]  }
0x31: {  	[smem:$0x3FB0] =	sst s10  }
0x32: {  	s10 =	sld [smem:$0x3FAE];
	_ =	sdelay $0x3  }
0x33: {  	p0 =	seq.s32 s10, $0x1;
	s10 =	sld [smem:$0x3FB0];
	_ =	sdelay $0x3  }
0x34: {  	[smem:$0x3FB0] =	sst s10  }
0x35: {  	s10 =	sld [smem:$0x3FAF];
	_ =	sdelay $0x3  }
0x36: {  	p1 =	seq.s32 s10, $0x1;
	s10 =	sld [smem:$0x3FB0];
	_ =	sdelay $0x3  }
0x37: {  	[smem:$0x3FB0] =	sst s10  }
0x38: {  	s10 =	sld [smem:$0x3FB1]  }
0x39: {  	_ = 	snop;
	(pc) =	sbr.ind lr, $3  }
0x3a: {  	_ = 	snop  }
0x3b: {  	_ = 	snop  }
0x3c: {  	p2 =	seq.s32 s10, $0x1;
	s10 =	sld [smem:$0x3FB0]  }
0x3d: {  	_ =	shalt  }
0x3e: {  	_ =	shalt  }
0x3f: {  	_ =	shalt  }
0x40: {  	_ =	shalt  }
0x41: {  	_ =	shalt  }
0x42: {  	_ =	shalt  }
0x43: {  	_ =	shalt  }
0x44: {  	_ =	shalt  }
0x45: {  	_ =	shalt  }
0x46: {  	_ =	shalt  }
0x47: {  	_ =	shalt  }
0x48: {  	_ =	shalt  }
0x49: {  	_ =	shalt  }
0x4a: {  	_ =	shalt  }
0x4b: {  	_ =	shalt  }
0x4c: {  	_ =	shalt  }
0x4d: {  	_ =	shalt  }
0x4e: {  	_ =	shalt  }
0x4f: {  	_ =	shalt  }
0x50: {  	_ =	shalt  }
0x51: {  	_ =	shalt  }
0x52: {  	_ =	shalt  }
0x53: {  	_ =	shalt  }
0x54: {  	_ =	shalt  }
0x55: {  	_ =	shalt  }
0x56: {  	_ =	shalt  }
0x57: {  	_ =	shalt  }
0x58: {  	_ =	shalt  }
0x59: {  	_ =	shalt  }
0x5a: {  	_ =	shalt  }
0x5b: {  	_ =	shalt  }
0x5c: {  	_ =	shalt  }
0x5d: {  	_ =	shalt  }
0x5e: {  	_ =	shalt  }
0x5f: {  	_ =	shalt  }
0x60: {  	_ =	shalt  }
0x61: {  	_ =	shalt  }
0x62: {  	_ =	shalt  }
0x63: {  	_ =	shalt  }
0x64: {  	_ =	shalt  }
0x65: {  	_ =	shalt  }
0x66: {  	_ =	shalt  }
0x67: {  	_ =	shalt  }
0x68: {  	_ =	shalt  }
0x69: {  	_ =	shalt  }
0x6a: {  	_ =	shalt  }
0x6b: {  	_ =	shalt  }
0x6c: {  	_ =	shalt  }
0x6d: {  	_ =	shalt  }
0x6e: {  	_ =	shalt  }
0x6f: {  	_ =	shalt  }
0x70: {  	_ =	shalt  }
0x71: {  	_ =	shalt  }
0x72: {  	_ =	shalt  }
0x73: {  	_ =	shalt  }
0x74: {  	_ =	shalt  }
0x75: {  	_ =	shalt  }
0x76: {  	_ =	shalt  }
0x77: {  	_ =	shalt  }
0x78: {  	_ =	shalt  }
0x79: {  	_ =	shalt  }
0x7a: {  	_ =	shalt  }
0x7b: {  	_ =	shalt  }
0x7c: {  	_ =	shalt  }
0x7d: {  	_ =	shalt  }
0x7e: {  	_ =	shalt  }
0x7f: {  	_ =	shalt  }
0x80: {  	_ =	shalt  }
0x81: {  	_ =	shalt  }
0x82: {  	_ =	shalt  }
0x83: {  	_ =	shalt  }
0x84: {  	_ =	shalt  }
0x85: {  	_ =	shalt  }
0x86: {  	_ =	shalt  }
0x87: {  	_ =	shalt  }
.Lfunc_end0:
.L_simem_size_0:
called_computation_lowered:
.L_overlay_start_0:
0x88: {  	s2 =	sld [smem:$0x3FD9]  }
0x89: {  	s3 =	sld [smem:$0x3FFE];
	_ =	sdelay $0x1  }
0x8a: {  	s1 =	srdreg.scid  }
0x8b: {  	s0 =	sand.u32 $0x1, s1  }
0x8c: {  	s14 =	sshll.u32 s0, $0xA;
	s2 =	sadd.s32 s3, s2  }
0x8d: {  	s2 =	sadd.s32 s2, s14  }
0x8e: {  	[smem:$0x3FBC] =	sst s2  }
0x8f: {  	_ = 	snop  }
0x90: {  	s2 =	sld [smem:$0x3FD0];
	_ =	sdelay $0x2  }
0x91: {  	s4 =	simm.s32 $0xA;
	s5 =	simm.s32 $0x10;
	s15 =	sld [smem:$0x3FC9]  }
0x92: {  	[smem:s5], [sflag:s4] =	dma.local [hbm:s2], $0x1  }
0x93: {  	_ =	swait.eq [sflag:s4], $0x1  }
0x94: {  	[sflag:s4] =	ssyncset.done $0x0  }
0x95: {  	[sflag:s4] =	ssyncadd.s32 $0xFFFFFFFF  }
0x96: {  	s16 =	sld [smem:$0x12];
	(tm) =	ssettm $0x1  }
0x97: {  	s17 =	sld [smem:$0x3FFB];
	_ =	sdelay $0x3  }
0x98: {  	_ =	strace s17  }
0x99: {  	s4 =	sld [smem:$0x3FFC];
	_ =	sdelay $0x3  }
0x9a: {  	_ =	strace s4  }
0x9b: {  	s4 =	sld [smem:$0x3FFD];
	_ =	sdelay $0x3  }
0x9c: {  	_ =	strace s4  }
0x9d: {  	_ =	strace $0x8FFFFFFF  }
0x9e: {  	s18 =	sld [smem:$0x3FDB];
	_ =	sdelay $0x1  }
0x9f: {  	s19 =	simm.s32 $_scs_section_size  }
0xa0: {  	s6 =	simm.s32 $_size__tile_overlayer_lowered;
	s7 =	simm.s32 $_tile_overlayer_lowered  }
0xa1: {  	s22 =	simm.s32 $0x1BFF;
	s21 =	sshll.u32 s7, $0x1;
	s4 =	sadd.s32 s19, s18  }
0xa2: {  	s8 =	simm.s32 $0x0;
	s20 =	sshll.u32 s6, $0x1;
	s6 =	sadd.s32 s21, s4  }
0xa3: {  	[timem:s8], [sflag:s22] =	dma.local [hbm:s6], s20  }
0xa4: {  	_ =	swait.ge [sflag:s22], s20  }
0xa5: {  	s5 =	ssub.s32 $0x0, s20;
	[sflag:s22] =	ssyncset.done $0x0  }
0xa6: {  	[sflag:s22] =	ssyncadd.s32 s5;
	_ =	sdelay $0x1  }
0xa7: {  	s23 =	simm.s32 $0x1B8B  }
0xa8: {  	_ =	swait.ge [sflag:s23], $0x1  }
0xa9: {  	[sflag:s23] =	ssyncset.done $0x0  }
0xaa: {  	s25 =	simm.s32 $0x1B8E;
	s24 =	sld [smem:$0x3FFE];
	[sflag:s23] =	ssyncadd.s32 $0xFFFFFFFF  }
0xab: {  	s26 =	simm.s32 $execute0_lowered;
	[smem:$0x3FD2] =	sst s25  }
0xac: {  	s6 =	sshll.u32 s26, $0x1;
	_ =	strace $0x80000046;
	[dreg:$0x1] =	wrdreg $0xFFFFFFFF  }
0xad: {  	s28 =	simm.s32 $_size_execute0_lowered;
	s4 =	sadd.s32 s4, s6;
	[dreg:$0x0] =	wrdreg $0x0  }
0xae: {  	s6 =	sshll.u32 s28, $0x1;
	[dreg:$0x2] =	wrdreg s4  }
0xaf: {  	[dreg:$0x3] =	wrdreg s6  }
0xb0: {  	[dreg:$0x4] =	wrdreg $0xC0  }
0xb1: {  	_ =	task [dreg:s8], $0x5FFFF  }
0xb2: {  	[dreg:$0x1] =	wrdreg $0xFFFFFFFF  }
0xb3: {  	[dreg:$0x0] =	wrdreg $0x60  }
0xb4: {  	[dreg:$0x2] =	wrdreg s24  }
0xb5: {  	[dreg:$0x3] =	wrdreg s16  }
0xb6: {  	[dreg:$0x4] =	wrdreg s15  }
0xb7: {  	[dreg:$0x5] =	wrdreg $0xC2000  }
0xb8: {  	[dreg:$0x6] =	wrdreg $0x9  }
0xb9: {  	_ =	task.clear_ibuf [dreg:s8], $0x7FFFF;
	_ =	strace $0x90000046  }
0xba: {  	s29 =	simm.s32 $0x9;
	_ =	strace $0x80000048  }
0xbb: {  	_ =	swait.ge [sflag:s29], $0x1  }
0xbc: {  	[sflag:s29] =	ssyncadd.s32 $0xFFFFFFFF  }
0xbd: {  	_ =	strace $0x90000048  }
0xbe: {  	_ =	sfence  }
0xbf: {  	s30 =	sld [smem:$0x0];
	_ =	sdelay $0x2  }
0xc0: {  	s31 =	sshll.u32 s1, $0xD;
	s1 =	sshrl.u32 s1, $0x2  }
0xc1: {  	s3 =	sand.u32 $0x4000, s31;
	s1 =	sadd.s32 s1, s30  }
0xc2: {  	s0 =	sor.u32 s3, s0;
	s1 =	sshll.u32 s1, $0x11  }
0xc3: {  	s0 =	sor.u32 s1, s0  }
0xc4: {  	s0 =	sadd.s32 $0x8F2B, s0  }
0xc5: {  	[sflag:s0] =	ssyncadd.remote.s32 $0x1  }
0xc6: {  	_ =	sfence.sel $0xFFFF  }
0xc7: {  	[dreg:$0x0] =	wrdreg $0xFFFFFFFF;
	(pc) =	sbr.abs _section_cstart, $3  }
0xc8: {  	[dreg:$0x1] =	wrdreg $0xFFFFFFFF  }
0xc9: {  	_ =	task.clear_ibuf [dreg:s8], $0x2FFFF;
	_ =	strace $0x9FFFFFFF  }
0xca: {  	(tm) =	ssettm $0x7FFFFFFF  }
0xcb: {  	_ =	shalt  }
tec
execute0_lowered:
.L_overlay_start_1:
0x0: {  	(tag) =	ssettag $0x1  }
0x1: {  	s1 =	rddreg [dreg:$0x0]  }
0x2: {  	s5 =	rddreg [dreg:$0x1]  }
0x3: {  	s0 =	rddreg [dreg:$0x2];
	s3 =	srdreg.scid  }
0x4: {  	s6 =	stileid.u32;
	s2 =	rddreg [dreg:$0x3]  }
0x5: {  	s28 =	simm.s32 $0x60;
	s29 =	simm.s32 $0x2980;
	s30 =	simm.s32 $0x2800  }
0x6: {  	s31 =	simm.s32 $0x5980;
	s8 =	sand.u32 $0x1, s3;
	s10 =	smul.u32 $0x4E000, s6  }
0x7: {  	s4 =	sshll.u32 s6, $0x1;
	s3 =	simm.s32 $0x0;
	s13 =	smul.u32 $0x13800, s6  }
0x8: {  	s15 =	sshll.u32 s6, $0x6;
	s16 =	sadd.s32 $0x138000, s2;
	s20 =	smul.u32 $0x4E20, s6  }
0x9: {  	p0 =	sne.s32 s6, $0x0;
	s4 =	sor.u32 s8, s4;
	s17 =	smul.u32 $0x138800, s8  }
0xa: {  	[smem:$0x7FF] =	sst s3;
	s7 =	ssub.s32 $0x2, s8;
	s8 =	smul.u32 $0x2710, s8  }
0xb: {  	s6 =	simm.s32 $0x8980;
	s4 =	smul.u32 $0x2710, s4;
	_ =	strace $0x80000047  }
0xc: {  	s12 =	sshrl.u32 s7, $0x1;
	s25 =	sshrl.u32 s10, $0x2;
	[dreg:$0x5] =	wrdreg s15  }
0xd: {  	s26 =	sshrl.u32 s13, $0x3;
	s15 =	sor.u32 $0x1C09, s15;
	[dreg:$0x8] =	wrdreg s16  }
0xe: {  	s16 =	simm.s32 $0x0;
	s12 =	ssub.s32 s7, s12;
	s14 =	sadd.s32 s25, s2  }
0xf: {  	s10 =	sadd.s32 s5, s26;
	[dreg:$0x7] =	wrdreg s15;
	s5 =	sadd.s32 $0x27000, s5  }
0x10: {  	s22 =	sadd.s32 s13, s17;
	s24 =	sadd.s32 s8, s20;
	s15 =	simm.s32 $0x10  }
0x11: {  	s13 =	simm.s32 $0x3;
	s9 =	sshrl.u32 s4, $0x3;
	[dreg:$0x6] =	wrdreg s10  }
0x12: {  	s4 =	sadd.s32 $0x4A00, s1;
	[dreg:$0x9] =	wrdreg s5;
	s10 =	sshrl.u32 s22, $0x3  }
0x13: {  	s5 =	sshrl.u32 s17, $0x3;
	s25 =	sadd.s32 $0x180, s24;
	s8 =	sadd.s32 $0xC0, s24  }
0x14: {  	s26 =	smax.u32 s12, $0x1;
	s20 =	sshrl.u32 s14, $0x3;
	s14 =	simm.s32 $0xB980  }
0x15: {  	s22 =	simm.s32 $0xBA00;
	s12 =	simm.s32 $0x6;
	s11 =	sadd.s32 s9, s1  }
0x16: {  	s1 =	sadd.s32 $0x18600, s1;
	s19 =	sadd.s32 s4, s9;
	[dreg:$0x10] =	wrdreg s26  }
0x17: {  	s8 =	sshrl.u32 s8, $0x3;
	s26 =	simm.s32 $0x2780;
	s9 =	simm.s32 $0x1  }
0x18: {  	s18 =	sadd.s32 $0xE800, s11;
	s21 =	sadd.s32 $0x4E0, s19;
	[dreg:$0xb] =	wrdreg s19  }
0x19: {  	s7 =	sadd.s32 $0xC, s19;
	s23 =	sadd.s32 s1, s10;
	[dreg:$0xa] =	wrdreg s18  }
0x1a: {  	s1 =	sadd.s32 s1, s5;
	s19 =	sadd.s32 s8, s4;
	[dreg:$0xc] =	wrdreg s21  }
0x1b: {  	s8 =	simm.s32 $0x4;
	s10 =	simm.s32 $0x5;
	[dreg:$0xd] =	wrdreg s7  }
0x1c: {  	s5 =	simm.s32 $0x2;
	[dreg:$0xe] =	wrdreg s23;
	s1 =	sadd.s32 $0x27000, s1  }
0x1d: {  	s18 =	sadd.s32 $0x120, s24;
	[dreg:$0xf] =	wrdreg s1;
	s1 =	sshrl.u32 s25, $0x3  }
0x1e: {  	s21 =	simm.s32 $0xA;
	s24 =	simm.s32 $0x2880;
	s17 =	sadd.s32 s1, s4  }
.LBB2_1:
0x1f: {  	s1 =	rddreg [dreg:$0x6]  }
0x20: {  	s7 =	rddreg [dreg:$0x7]  }
0x21: {  	[spmem:s20], [sflag:s7] =	dma.local [hbm:s1], $0x2700  }
0x22: {  	s1 =	rddreg [dreg:$0x8]  }
0x23: {  	s11 =	sshrl.u32 @!p0 s1, $0x3;
	s1 =	rddreg [dreg:$0x9]  }
0x24: {  	[spmem:s11], [sflag:s7] =	dma.local @!p0 [hbm:s1], $0x100  }
0x25: {  	s1 =	rddreg [dreg:$0xa]  }
0x26: {  	[tilespmem:s3], [sflag:$0xA] =	stream.linear.gather [hbm4b:s1+s3], $0x2710, $0x38;
	[tilespmem:$0x1FA80] =	vst v63  }
0x27: {  	_ =	swait.ge [sflag:s21], $0x2710  }
0x28: {  	[sflag:s21] =	ssyncset.done $0x0  }
0x29: {  	s7 =	rddreg [dreg:$0xc];
	[sflag:s21] =	ssyncadd.s32 $0xFFFFD8F0  }
0x2a: {  	[tilespmem:s14], [sflag:$0x7] =	stream.linear.gather [hbm4b:s7+s3], $0x10, $0x38;
	[tilespmem:$0x1FA80] =	vst v63  }
0x2b: {  	s23 =	simm.s32 $0x2700  }
0x2c: {  	[tilespmem:s22], [sflag:$0x8] =	stream.indirect.gather [hbm4b:s0+s15], $0x80, s23, s15, $0xb8;
	[tilespmem:$0x1FA80] =	vst v63  }
0x2d: {  	s25 =	rddreg [dreg:$0xb]  }
0x2e: {  	[tilespmem:s26], [sflag:$0x4] =	stream.linear.gather [hbm4b:s25+s3], $0x60, $0x38;
	[tilespmem:$0x1FA80] =	vst v63  }
0x2f: {  	_ = 	snop  }
0x30: {  	[tilespmem:s29], [sflag:$0x1] =	stream.indirect.gather [hbm4b:s0+s28], $0x80, s3, s28, $0xb8;
	[tilespmem:$0x1FA80] =	vst v63  }
0x31: {  	s7 =	rddreg [dreg:$0xd]  }
0x32: {  	[tilespmem:s30], [sflag:$0x5] =	stream.linear.gather [hbm4b:s7+s3], $0x60, $0x38;
	[tilespmem:$0x1FA80] =	vst v63  }
0x33: {  	s14 =	simm.s32 $0x9  }
0x34: {  	[tilespmem:s31], [sflag:$0x2] =	stream.indirect.gather [hbm4b:s0+s28], $0x80, s28, s28, $0xb8;
	[tilespmem:$0x1FA80] =	vst v63  }
0x35: {  	_ =	swait.ge [sflag:s14], $0x2700  }
0x36: {  	[sflag:s14] =	ssyncset.done $0x0  }
0x37: {  	s1 =	simm.s32 @!p0 $0x9;
	[sflag:s14] =	ssyncadd.s32 $0xFFFFD900  }
0x38: {  	_ =	swait.ge @!p0 [sflag:s1], $0x100  }
0x39: {  	[sflag:s1] =	ssyncset.done @!p0 $0x0  }
0x3a: {  	[sflag:s1] =	ssyncadd.s32 @!p0 $0xFFFFFF00  }
0x3b: {  	[bflag:$0x0] =	sbarrier.arrive $0xFFFF  }
0x3c: {  	[tilespmem:s24], [sflag:$0x6] =	stream.linear.gather [hbm4b:s19+s3], $0x60, $0x38;
	[tilespmem:$0x1FA80] =	vst v63  }
0x3d: {  	s15 =	simm.s32 $0xC0  }
0x3e: {  	[tilespmem:s6], [sflag:$0x3] =	stream.indirect.gather [hbm4b:s0+s28], $0x80, s15, s28, $0xb8;
	[tilespmem:$0x1FA80] =	vst v63  }
0x3f: {  	_ =	swait.ge [sflag:s8], $0x60  }
0x40: {  	[sflag:s8] =	ssyncset.done $0x0  }
0x41: {  	[sflag:s8] =	ssyncadd.s32 $0xFFFFFFA0  }
0x42: {  	_ =	swait.ge [sflag:s9], $0x3000  }
0x43: {  	[sflag:s9] =	ssyncset.done $0x0  }
0x44: {  	[sflag:s9] =	ssyncadd.s32 $0xFFFFD000  }
0x45: {  	[spmem:s2] =	stream.indirect.scatter.add.f32 [tilespmem:s29], [sflag:$0xA], $0x80, s26, s28, $0xb8;
	[tilespmem:$0x1FA80] =	vst v63  }
0x46: {  	_ =	swait.ge [sflag:s21], $0x3000  }
0x47: {  	s22 =	sshrl.u32 s18, $0x3;
	[sflag:s21] =	ssyncset.done $0x0  }
0x48: {  	s1 =	sadd.s32 s4, s22;
	[sflag:s21] =	ssyncadd.s32 $0xFFFFD000  }
0x49: {  	[tilespmem:s26], [sflag:$0x4] =	stream.linear.gather [hbm4b:s1+s3], $0x60, $0x38;
	[tilespmem:$0x1FA80] =	vst v63  }
0x4a: {  	s23 =	simm.s32 $0x120  }
0x4b: {  	[tilespmem:s29], [sflag:$0x1] =	stream.indirect.gather [hbm4b:s0+s28], $0x80, s23, s28, $0xb8;
	[tilespmem:$0x1FA80] =	vst v63  }
0x4c: {  	_ =	swait.ge [sflag:s10], $0x60  }
0x4d: {  	[sflag:s10] =	ssyncset.done $0x0  }
0x4e: {  	[sflag:s10] =	ssyncadd.s32 $0xFFFFFFA0  }
0x4f: {  	_ =	swait.ge [sflag:s5], $0x3000  }
0x50: {  	[sflag:s5] =	ssyncset.done $0x0  }
0x51: {  	[sflag:s5] =	ssyncadd.s32 $0xFFFFD000  }
0x52: {  	[spmem:s2] =	stream.indirect.scatter.add.f32 [tilespmem:s31], [sflag:$0xA], $0x80, s30, s28, $0xb8;
	[tilespmem:$0x1FA80] =	vst v63  }
0x53: {  	_ =	swait.ge [sflag:s21], $0x3000  }
0x54: {  	[sflag:s21] =	ssyncset.done $0x0  }
0x55: {  	[sflag:s21] =	ssyncadd.s32 $0xFFFFD000  }
0x56: {  	[tilespmem:s30], [sflag:$0x5] =	stream.linear.gather [hbm4b:s17+s3], $0x60, $0x38;
	[tilespmem:$0x1FA80] =	vst v63  }
0x57: {  	s25 =	simm.s32 $0x180  }
0x58: {  	[tilespmem:s31], [sflag:$0x2] =	stream.indirect.gather [hbm4b:s0+s28], $0x80, s25, s28, $0xb8;
	[tilespmem:$0x1FA80] =	vst v63  }
0x59: {  	_ =	swait.ge [sflag:s12], $0x60  }
0x5a: {  	[sflag:s12] =	ssyncset.done $0x0  }
0x5b: {  	[sflag:s12] =	ssyncadd.s32 $0xFFFFFFA0  }
0x5c: {  	_ =	swait.ge [sflag:s13], $0x3000  }
0x5d: {  	[sflag:s13] =	ssyncset.done $0x0  }
0x5e: {  	[sflag:s13] =	ssyncadd.s32 $0xFFFFD000  }
0x5f: {  	[spmem:s2] =	stream.indirect.scatter.add.f32 [tilespmem:s6], [sflag:$0xA], $0x80, s24, s28, $0xb8;
	[tilespmem:$0x1FA80] =	vst v63  }
0x60: {  	s22 =	sadd.s32 $0x24, s19;
	s1 =	simm.s32 $0x480;
	_ =	swait.ge [sflag:s21], $0x3000  }
0x61: {  	s23 =	sadd.s32 $0x24, s17;
	s25 =	sadd.s32 $0x120, s18;
	[sflag:s21] =	ssyncset.done $0x0  }
.LBB2_2:
0x62: {  	s14 =	smov.u32 s1  }
0x63: {  	s15 =	sshra.s32 s1, $0x2;
	[sflag:s21] =	ssyncadd.s32 $0xFFFFD000;
	s14 =	sadd.s32 $0x480, s1  }
0x64: {  	[tilespmem:s24], [sflag:$0x6] =	stream.linear.gather [hbm4b:s22+s3], $0x60, $0x38;
	[tilespmem:$0x1FA80] =	vst v63  }
0x65: {  	p1 =	sne.s32 s1, $0x9480;
	s7 =	sadd.s32 $0xC0, s15  }
0x66: {  	[tilespmem:s6], [sflag:$0x3] =	stream.indirect.gather [hbm4b:s0+s28], $0x80, s7, s28, $0xb8;
	[tilespmem:$0x1FA80] =	vst v63  }
0x67: {  	_ =	swait.ge [sflag:s8], $0x60  }
0x68: {  	[sflag:s8] =	ssyncset.done $0x0  }
0x69: {  	[sflag:s8] =	ssyncadd.s32 $0xFFFFFFA0  }
0x6a: {  	_ =	swait.ge [sflag:s9], $0x3000  }
0x6b: {  	[sflag:s9] =	ssyncset.done $0x0  }
0x6c: {  	[sflag:s9] =	ssyncadd.s32 $0xFFFFD000  }
0x6d: {  	[spmem:s2] =	stream.indirect.scatter.add.f32 [tilespmem:s29], [sflag:$0xA], $0x80, s26, s28, $0xb8;
	[tilespmem:$0x1FA80] =	vst v63  }
0x6e: {  	_ =	swait.ge [sflag:s21], $0x3000  }
0x6f: {  	s1 =	sshrl.u32 s25, $0x3;
	[sflag:s21] =	ssyncset.done $0x0  }
0x70: {  	s1 =	sadd.s32 s4, s1;
	[sflag:s21] =	ssyncadd.s32 $0xFFFFD000  }
0x71: {  	[tilespmem:s26], [sflag:$0x4] =	stream.linear.gather [hbm4b:s1+s3], $0x60, $0x38;
	[tilespmem:$0x1FA80] =	vst v63  }
0x72: {  	s1 =	sadd.s32 $0x120, s15  }
0x73: {  	[tilespmem:s29], [sflag:$0x1] =	stream.indirect.gather [hbm4b:s0+s28], $0x80, s1, s28, $0xb8;
	[tilespmem:$0x1FA80] =	vst v63  }
0x74: {  	_ =	swait.ge [sflag:s10], $0x60  }
0x75: {  	[sflag:s10] =	ssyncset.done $0x0  }
0x76: {  	[sflag:s10] =	ssyncadd.s32 $0xFFFFFFA0  }
0x77: {  	_ =	swait.ge [sflag:s5], $0x3000  }
0x78: {  	[sflag:s5] =	ssyncset.done $0x0  }
0x79: {  	[sflag:s5] =	ssyncadd.s32 $0xFFFFD000  }
0x7a: {  	[spmem:s2] =	stream.indirect.scatter.add.f32 [tilespmem:s31], [sflag:$0xA], $0x80, s30, s28, $0xb8;
	[tilespmem:$0x1FA80] =	vst v63  }
0x7b: {  	_ =	swait.ge [sflag:s21], $0x3000  }
0x7c: {  	[sflag:s21] =	ssyncset.done $0x0  }
0x7d: {  	[sflag:s21] =	ssyncadd.s32 $0xFFFFD000  }
0x7e: {  	[tilespmem:s30], [sflag:$0x5] =	stream.linear.gather [hbm4b:s23+s3], $0x60, $0x38;
	[tilespmem:$0x1FA80] =	vst v63  }
0x7f: {  	s1 =	sadd.s32 $0x180, s15  }
0x80: {  	[tilespmem:s31], [sflag:$0x2] =	stream.indirect.gather [hbm4b:s0+s28], $0x80, s1, s28, $0xb8;
	[tilespmem:$0x1FA80] =	vst v63  }
0x81: {  	_ =	swait.ge [sflag:s12], $0x60  }
0x82: {  	[sflag:s12] =	ssyncset.done $0x0  }
0x83: {  	[sflag:s12] =	ssyncadd.s32 $0xFFFFFFA0  }
0x84: {  	_ =	swait.ge [sflag:s13], $0x3000  }
.Ltmp0:
0x85: {  	[sflag:s13] =	ssyncset.done $0x0;
	(pc) =	sbr.rel @p1 .LBB2_2-.Ltmp0, $4  }
0x86: {  	[sflag:s13] =	ssyncadd.s32 $0xFFFFD000  }
0x87: {  	[spmem:s2] =	stream.indirect.scatter.add.f32 [tilespmem:s6], [sflag:$0xA], $0x80, s24, s28, $0xb8;
	[tilespmem:$0x1FA80] =	vst v63  }
0x88: {  	s25 =	sadd.s32 $0x120, s25;
	s22 =	sadd.s32 $0x24, s22;
	_ =	swait.ge [sflag:s21], $0x3000  }
0x89: {  	s23 =	sadd.s32 $0x24, s23;
	s1 =	smov.u32 s14;
	[sflag:s21] =	ssyncset.done $0x0  }
0x8a: {  	[sflag:s21] =	ssyncadd.s32 $0xFFFFD000  }
0x8b: {  	_ =	swait.ge [sflag:s8], $0x60  }
0x8c: {  	[sflag:s8] =	ssyncset.done $0x0  }
0x8d: {  	[sflag:s8] =	ssyncadd.s32 $0xFFFFFFA0  }
0x8e: {  	_ =	swait.ge [sflag:s9], $0x3000  }
0x8f: {  	[sflag:s9] =	ssyncset.done $0x0  }
0x90: {  	[sflag:s9] =	ssyncadd.s32 $0xFFFFD000  }
0x91: {  	[spmem:s2] =	stream.indirect.scatter.add.f32 [tilespmem:s29], [sflag:$0xA], $0x80, s26, s28, $0xb8;
	[tilespmem:$0x1FA80] =	vst v63  }
0x92: {  	_ =	swait.ge [sflag:s21], $0x3000  }
0x93: {  	[sflag:s21] =	ssyncset.done $0x0  }
0x94: {  	[sflag:s21] =	ssyncadd.s32 $0xFFFFD000  }
0x95: {  	_ =	swait.ge [sflag:s10], $0x60  }
0x96: {  	[sflag:s10] =	ssyncset.done $0x0  }
0x97: {  	[sflag:s10] =	ssyncadd.s32 $0xFFFFFFA0  }
0x98: {  	_ =	swait.ge [sflag:s5], $0x3000  }
0x99: {  	[sflag:s5] =	ssyncset.done $0x0  }
0x9a: {  	[sflag:s5] =	ssyncadd.s32 $0xFFFFD000  }
0x9b: {  	[spmem:s2] =	stream.indirect.scatter.add.f32 [tilespmem:s31], [sflag:$0xA], $0x80, s30, s28, $0xb8;
	[tilespmem:$0x1FA80] =	vst v63  }
0x9c: {  	_ =	swait.ge [sflag:s21], $0x3000  }
0x9d: {  	[sflag:s21] =	ssyncset.done $0x0  }
0x9e: {  	s1 =	simm.s32 $0x7;
	[sflag:s21] =	ssyncadd.s32 $0xFFFFD000  }
0x9f: {  	_ =	swait.ge [sflag:s1], $0x10  }
0xa0: {  	[sflag:s1] =	ssyncset.done $0x0  }
0xa1: {  	s22 =	simm.s32 $0x8;
	[sflag:s1] =	ssyncadd.s32 $0xFFFFFFF0  }
0xa2: {  	_ =	swait.ge [sflag:s22], $0x800  }
0xa3: {  	s14 =	simm.s32 $0xB980;
	[sflag:s22] =	ssyncset.done $0x0  }
0xa4: {  	s15 =	simm.s32 $0x10;
	[sflag:s22] =	ssyncadd.s32 $0xFFFFF800;
	s22 =	simm.s32 $0xBA00  }
0xa5: {  	[spmem:s2] =	stream.indirect.scatter.add.f32 [tilespmem:s22], [sflag:$0xA], $0x80, s14, s15, $0xb8;
	[tilespmem:$0x1FA80] =	vst v63  }
0xa6: {  	_ =	swait.ge [sflag:s21], $0x800  }
0xa7: {  	[sflag:s21] =	ssyncset.done $0x0  }
0xa8: {  	[sflag:s21] =	ssyncadd.s32 $0xFFFFF800  }
0xa9: {  	[bflag:$0x0] =	sbarrier.arrive $0xFFFF  }
0xaa: {  	s23 =	rddreg [dreg:$0x5]  }
0xab: {  	s7 =	rddreg [dreg:$0xe];
	s1 =	sor.u32 $0x1C0A, s23  }
0xac: {  	[hbm:s7], [sflag:s1] =	dma.local [spmem:s20], $0x2700  }
0xad: {  	_ =	swait.ge [sflag:s21], $0x2700  }
0xae: {  	[sflag:s21] =	ssyncset.done $0x0  }
0xaf: {  	s7 =	rddreg [dreg:$0xf];
	[sflag:s21] =	ssyncadd.s32 $0xFFFFD900  }
0xb0: {  	[hbm:s7], [sflag:s1] =	dma.local @!p0 [spmem:s11], $0x100  }
0xb1: {  	s1 =	simm.s32 @!p0 $0xA  }
0xb2: {  	_ =	swait.ge @!p0 [sflag:s1], $0x100  }
0xb3: {  	s16 =	sadd.s32 $0x1, s16;
	s25 =	rddreg [dreg:$0x10]  }
0xb4: {  	p1 =	sne.s32 s16, s25  }
.Ltmp1:
0xb5: {  	_ = 	snop;
	(pc) =	sbr.rel @p1 .LBB2_1-.Ltmp1, $3  }
0xb6: {  	_ =	sdelay $0x1  }
0xb7: {  	[sflag:s1] =	ssyncset.done @!p0 $0x0  }
0xb8: {  	[sflag:s1] =	ssyncadd.s32 @!p0 $0xFFFFFF00  }
0xb9: {  	_ =	sfence.sel $0x180000  }
0xba: {  	[bflag:$0x0] =	sbarrier.arrive $0xFFFF  }
0xbb: {  	_ =	strace $0x90000047  }
0xbc: {  	[bflag:$0x2] =	sbarrier.arrive $0xFFFF  }
0xbd: {  	s0 =	rddreg [dreg:$0x4]  }
0xbe: {  	s0 =	sadd.s32 @!p0 $0x100000, s0  }
0xbf: {  	[sflag:s0] =	ssyncadd.tile.s32 @!p0 $0x1;
	_ =	shalt  }
.Lfunc_end2:
_tile_overlayer_lowered:
.L_overlay_start_2:
0xc0: {  	(tag) =	ssettag $0x2  }
0xc1: {  	s0 =	rddreg [dreg:$0x0];
	s2 =	stileid.u32  }
0xc2: {  	s1 =	rddreg [dreg:$0x1];
	p0 =	sne.s32 s2, $0x0  }
0xc3: {  	s3 =	rddreg [dreg:$0x2];
	[bflag:$0x3] =	sbarrier.arrive $0xFFFF;
	s2 =	simm.s32 @!p0 $0x1C0A  }
0xc4: {  	[timem:s3], [sflag:s2] =	dma.local @!p0 [hbm:s0], s1  }
0xc5: {  	s0 =	simm.s32 @!p0 $0xA  }
0xc6: {  	_ =	swait.ge @!p0 [sflag:s0], s1  }
0xc7: {  	s1 =	ssub.s32 @!p0 $0x0, s1;
	[sflag:s0] =	ssyncset.done @!p0 $0x0  }
0xc8: {  	[sflag:s0] =	ssyncadd.s32 @!p0 s1  }
0xc9: {  	[bflag:$0x3] =	sbarrier.arrive $0xFFFF  }
0xca: {  	_ =	shalt  }

</sc_bundles>
